<compile_context>
chip_gen: v7x
topology: tpu7x:2x2x1
jax: 0.10.2.dev20260603
libtpu: 0.0.44.dev20260713+nightly
codegen_flags: <defaults>
</compile_context>

<pallas_src>
import functools

import jax
import jax.numpy as jnp
from jax import lax
from jax.experimental import pallas as pl
from jax.experimental.pallas import tpu as pltpu
from jax.experimental.pallas import tpu_sc as plsc

C = 1000
CP = 1024
N = 16384
D = 1024
NC = 2
NS = 16
L = 16
COLS = D // NS
F_TC = 12288
ROWS_PER_CORE = (N - F_TC) // NC
RB = 128
NBLK = ROWS_PER_CORE // RB
AW = 32
RBT = 512


def _sc_stats(x, labels):
    mesh = plsc.VectorSubcoreMesh(
        core_axis_name="c", subcore_axis_name="s",
        num_cores=NC, num_subcores=NS)

    @functools.partial(
        pl.kernel,
        out_type=(
            jax.ShapeDtypeStruct((NC, CP, NS, COLS), jnp.float32),
            jax.ShapeDtypeStruct((NC, CP, NS, AW), jnp.float32),
        ),
        mesh=mesh,
        scratch_types=[
            pltpu.VMEM((CP, COLS), jnp.float32),
            pltpu.VMEM((CP, AW), jnp.float32),
            pltpu.VMEM((RB, COLS), jnp.float32),
            pltpu.VMEM((RB, COLS), jnp.float32),
            pltpu.VMEM((RB,), jnp.int32),
            pltpu.VMEM((RB,), jnp.int32),
            pltpu.SemaphoreType.DMA,
            pltpu.SemaphoreType.DMA,
        ],
        compiler_params=pltpu.CompilerParams(use_tc_tiling_on_sc=False),
    )
    def k(x_hbm, lbl_hbm, m_hbm, aux_hbm,
          macc, aacc, xb0, xb1, lb0, lb1, si0, si1):
        cid = lax.axis_index("c")
        sid = lax.axis_index("s")
        row0 = cid * ROWS_PER_CORE
        col0 = sid * COLS

        zero = jnp.zeros((L,), jnp.float32)
        iota = lax.iota(jnp.int32, L)
        onev = jnp.where(iota == 0, 1.0, 0.0).astype(jnp.float32)

        def zero_body(i, carry):
            for j in range(COLS // L):
                macc[i, pl.ds(j * L, L)] = zero
            for j in range(AW // L):
                aacc[i, pl.ds(j * L, L)] = zero
            return carry

        lax.fori_loop(0, CP, zero_body, 0)

        xbs, lbs, sis = (xb0, xb1), (lb0, lb1), (si0, si1)

        def issue_in(b, p):
            r0 = row0 + (b % NBLK) * RB
            pltpu.async_copy(
                x_hbm.at[pl.ds(r0, RB), pl.ds(col0, COLS)], xbs[p], sis[p])
            pltpu.async_copy(lbl_hbm.at[pl.ds(r0, RB)], lbs[p], sis[p])

        def wait_in(p):
            pltpu.make_async_copy(
                x_hbm.at[pl.ds(row0, RB), pl.ds(col0, COLS)],
                xbs[p], sis[p]).wait()
            pltpu.make_async_copy(
                lbl_hbm.at[pl.ds(row0, RB)], lbs[p], sis[p]).wait()

        issue_in(0, 0)
        issue_in(1, 1)

        def pair_body(i, carry):
            for t in range(2):
                b = 2 * i + t
                wait_in(t)
                xb, lb = xbs[t], lbs[t]

                def grp_body(g, carry2):
                    lblv = lb[pl.ds(g * L, L)]
                    for j in range(L):
                        lab = lblv[j]
                        r = g * L + j
                        v0 = xb[r, pl.ds(0, L)]
                        v1 = xb[r, pl.ds(L, L)]
                        v2 = xb[r, pl.ds(2 * L, L)]
                        v3 = xb[r, pl.ds(3 * L, L)]
                        plsc.addupdate(macc.at[lab, pl.ds(0, L)], v0)
                        plsc.addupdate(macc.at[lab, pl.ds(L, L)], v1)
                        plsc.addupdate(macc.at[lab, pl.ds(2 * L, L)], v2)
                        plsc.addupdate(macc.at[lab, pl.ds(3 * L, L)], v3)
                        sq = ((v0 * v0 + v1 * v1) + (v2 * v2 + v3 * v3))
                        plsc.addupdate(aacc.at[lab, pl.ds(0, L)], sq)
                        plsc.addupdate(aacc.at[lab, pl.ds(L, L)], onev)
                    return carry2

                lax.fori_loop(0, RB // L, grp_body, 0)
                issue_in(b + 2, t)
            return carry

        lax.fori_loop(0, NBLK // 2, pair_body, 0)

        wait_in(0)
        wait_in(1)

        pltpu.sync_copy(macc, m_hbm.at[cid, :, sid])
        pltpu.sync_copy(aacc, aux_hbm.at[cid, :, sid])

    return k(x, labels)


def _tc_stats(x_tc, labels3):

    def body(x_ref, l_ref, m_ref, a_ref):
        g = pl.program_id(0)

        @pl.when(g == 0)
        def _():
            m_ref[...] = jnp.zeros_like(m_ref)
            a_ref[...] = jnp.zeros_like(a_ref)

        xb = x_ref[...]
        lab = l_ref[0, 0, :]
        cls = jax.lax.broadcasted_iota(jnp.int32, (CP, RBT), 0)
        oh = (lab[None, :] == cls)
        ohb = oh.astype(jnp.bfloat16)
        xb16 = xb.astype(jnp.bfloat16)
        m_ref[...] += jax.lax.dot_general(
            ohb, xb16, (((1,), (0,)), ((), ())),
            preferred_element_type=jnp.float32)
        x2 = jnp.sum(xb * xb, axis=1)
        rhs = jnp.stack([x2, jnp.ones_like(x2)], axis=1)
        ohf = oh.astype(jnp.float32)
        sc2 = jax.lax.dot_general(
            ohf, rhs, (((1,), (0,)), ((), ())),
            preferred_element_type=jnp.float32)
        a_ref[:, 0:2] += sc2

    return pl.pallas_call(
        body,
        grid=(F_TC // RBT,),
        out_shape=(
            jax.ShapeDtypeStruct((CP, D), jnp.float32),
            jax.ShapeDtypeStruct((CP, 128), jnp.float32),
        ),
        in_specs=[
            pl.BlockSpec((RBT, D), lambda g: (g, 0)),
            pl.BlockSpec((1, 1, RBT), lambda g: (g, 0, 0)),
        ],
        out_specs=(
            pl.BlockSpec((CP, D), lambda g: (0, 0)),
            pl.BlockSpec((CP, 128), lambda g: (0, 0)),
        ),
    )(x_tc, labels3)


CB = 200


def _finish(m_parts, aux_parts, m_tc, aux_tc, centers):
    def body(m_ref, a_ref, mt_ref, at_ref, c_ref, o_ref):
        g = pl.program_id(0)
        cen = c_ref[...]
        m = (m_ref[0] + m_ref[1]).reshape(CB, D) + mt_ref[...]
        aux = a_ref[0] + a_ref[1]
        cross = jnp.sum(m * cen, axis=1)
        s = jnp.sum(aux[:, :, 0:L], axis=(1, 2)) + at_ref[:, 0]
        cnt = jnp.sum(aux[:, :, L], axis=1) / NS + at_ref[:, 1]
        cn2 = jnp.sum(cen * cen, axis=1)
        pc = s - 2.0 * cross + cnt * cn2
        mask = pc > 0.0
        norms = jnp.where(mask, jnp.sqrt(jnp.where(mask, pc, 1.0)), 0.0)
        part = jnp.sum(norms) / C

        @pl.when(g == 0)
        def _():
            o_ref[0, 0] = 0.0

        o_ref[0, 0] += part

    return pl.pallas_call(
        body,
        grid=(C // CB,),
        out_shape=jax.ShapeDtypeStruct((1, 1), jnp.float32),
        in_specs=[
            pl.BlockSpec((NC, CB, NS, COLS), lambda g: (0, g, 0, 0)),
            pl.BlockSpec((NC, CB, NS, AW), lambda g: (0, g, 0, 0)),
            pl.BlockSpec((CB, D), lambda g: (g, 0)),
            pl.BlockSpec((CB, 128), lambda g: (g, 0)),
            pl.BlockSpec((CB, D), lambda g: (g, 0)),
        ],
        out_specs=pl.BlockSpec((1, 1), lambda g: (0, 0),
                               memory_space=pltpu.SMEM),
    )(m_parts, aux_parts, m_tc, aux_tc, centers)[0, 0]


def kernel(x, labels, centers):
    m_parts, aux_parts = _sc_stats(x[F_TC:], labels[F_TC:])
    labels3 = labels.reshape(N // RBT, 1, RBT)
    m_tc, aux_tc = _tc_stats(x, labels3)
    return _finish(m_parts, aux_parts, m_tc, aux_tc, centers)

# --- scband reference (transcript-rebuilt; emitter-appended) ---
"""Pipeline reference for scband-center-loss-120259084421 (READ-ONLY COPY).

The authoritative reference and input builder live on the scoring server;
editing this copy changes nothing except your own understanding.
"""

import jax, jax.numpy as jnp
import numpy as np

NUM_CLASSES = 1000
N = 16384
D = 1024

def setup_inputs(seed: int = 0) -> dict:
    key = jax.random.key(seed)
    k1, k2, k3 = jax.random.split(key, 3)
    x = jax.random.normal(k1, (N, D), dtype=jnp.float32)
    labels = jax.random.randint(k2, (N,), 0, NUM_CLASSES, dtype=jnp.int32)
    centers = jax.random.normal(k3, (NUM_CLASSES, D), dtype=jnp.float32)
    return {"x": x, "labels": labels, "centers": centers}

def reference(x, labels, centers):
    # Faithful translation of the torch loop:
    #   for c in range(num_classes):
    #       distance += || x[labels==c] - centers[c] ||_F
    # Equivalent vectorized form: per-row squared distance to own center,
    # segment-summed per class, sqrt per class, summed, / num_classes.
    gathered = jnp.take(centers, labels, axis=0)          # gather [N, D]
    d2 = jnp.sum((x - gathered) ** 2, axis=-1)            # [N]
    per_class = jax.ops.segment_sum(d2, labels, num_segments=NUM_CLASSES)  # [C]
    safe = jnp.where(per_class > 0, per_class, 1.0)
    norms = jnp.where(per_class > 0, jnp.sqrt(safe), 0.0)  # torch.norm of empty slice = 0
    return jnp.sum(norms) / NUM_CLASSES

if __name__ == "__main__":
    import jax
    _d = setup_inputs()
    print(jax.jit(kernel)(*tuple(_d.values())))

</pallas_src>

<mosaic_0001>
#map = affine_map<(d0, d1) -> (0, 0)>
#map1 = affine_map<(d0, d1) -> (0)>
#map2 = affine_map<(d0, d1) -> (0, 0, 0, 0)>
module attributes {stable_mosaic.version = 14 : i64} {
  func.func @k(%arg0: i32, %arg1: i32, %arg2: memref<4096x1024xf32, #tpu.memory_space<hbm>>, %arg3: memref<4096xi32, #tpu.memory_space<hbm>>, %arg4: memref<2x1024x16x64xf32, #tpu.memory_space<hbm>>, %arg5: memref<2x1024x16x32xf32, #tpu.memory_space<hbm>>, %arg6: memref<1024x64xf32, #tpu.memory_space<vmem>>, %arg7: memref<1024x32xf32, #tpu.memory_space<vmem>>, %arg8: memref<128x64xf32, #tpu.memory_space<vmem>>, %arg9: memref<128x64xf32, #tpu.memory_space<vmem>>, %arg10: memref<128xi32, #tpu.memory_space<vmem>>, %arg11: memref<128xi32, #tpu.memory_space<vmem>>, %arg12: memref<!tpu.dma_semaphore, #tpu.memory_space<semaphore_mem>>, %arg13: memref<!tpu.dma_semaphore, #tpu.memory_space<semaphore_mem>>) attributes {dimension_semantics = [#tpu.dimension_semantics<core_parallel>, #tpu.dimension_semantics<subcore_parallel>], iteration_bounds = array<i64: 2, 16>, scalar_prefetch = 0 : i64, scratch_operands = 8 : i64, tpu.core_type = #tpu.core_type<sc_vector_subcore>, window_params = [{transform_indices = #map}, {transform_indices = #map1}, {transform_indices = #map2}, {transform_indices = #map2}]} {
    %mul3A = arith.constant 2048 : i32
    %mul3A_0 = arith.muli %arg0, %mul3A : i32
    %mul3A_1 = arith.constant 64 : i32
    %mul3A_2 = arith.muli %arg1, %mul3A_1 : i32
    %broadcast_in_dim3A = arith.constant 0.000000e+00 : f32
    %broadcast_in_dim3A_3 = vector.broadcast %broadcast_in_dim3A : f32 to vector<16xf32>
    %iota3A = tpu.iota {dimensions = array<i32: 0>} : vector<16xi32>
    %eq3A = arith.constant 0 : i32
    %eq3A_4 = vector.broadcast %eq3A : i32 to vector<16xi32>
    %eq3A_5 = arith.cmpi eq, %iota3A, %eq3A_4 : vector<16xi32>
    %jit3A = arith.constant 1.000000e+00 : f32
    %jit3A_6 = arith.constant 0.000000e+00 : f32
    %broadcast_in_dim3A_7 = vector.broadcast %jit3A : f32 to vector<16xf32>
    %broadcast_in_dim3A_8 = vector.broadcast %jit3A_6 : f32 to vector<16xf32>
    %select_n3A = arith.select %eq3A_5, %broadcast_in_dim3A_7, %broadcast_in_dim3A_8 : vector<16xi1>, vector<16xf32>
    %scan3A = arith.constant 0 : i32
    %scan3A_9 = arith.constant 0 : i32
    %scan3A_10 = arith.constant 1024 : i32
    %scan3A_11 = arith.addi %scan3A_9, %scan3A_10 : i32
    %scan3A_12 = arith.constant 1 : i32
    scf.for %scan3A_37 = %scan3A_9 to %scan3A_11 step %scan3A_12  : i32 {
      %swap3A = arith.index_cast %scan3A_37 : i32 to index
      %swap3A_38 = arith.constant 0 : index
      %swap3A_39 = tpu.vector_load %arg6[%swap3A, %swap3A_38] {strides = array<i32>} : memref<1024x64xf32, #tpu.memory_space<vmem>>, vector<1x16xf32>,
      %swap3A_40 = vector.shape_cast %swap3A_39 : vector<1x16xf32> to vector<16xf32>
      %swap3A_41 = vector.shape_cast %broadcast_in_dim3A_3 : vector<16xf32> to vector<1x16xf32>
      tpu.vector_store %arg6[%swap3A, %swap3A_38], %swap3A_41 {strides = array<i32>} : memref<1024x64xf32, #tpu.memory_space<vmem>>, vector<1x16xf32>,
      %swap3A_42 = arith.index_cast %scan3A_37 : i32 to index
      %swap3A_43 = arith.constant 16 : index
      %swap3A_44 = tpu.vector_load %arg6[%swap3A_42, %swap3A_43] {strides = array<i32>} : memref<1024x64xf32, #tpu.memory_space<vmem>>, vector<1x16xf32>,
      %swap3A_45 = vector.shape_cast %swap3A_44 : vector<1x16xf32> to vector<16xf32>
      %swap3A_46 = vector.shape_cast %broadcast_in_dim3A_3 : vector<16xf32> to vector<1x16xf32>
      tpu.vector_store %arg6[%swap3A_42, %swap3A_43], %swap3A_46 {strides = array<i32>} : memref<1024x64xf32, #tpu.memory_space<vmem>>, vector<1x16xf32>,
      %swap3A_47 = arith.index_cast %scan3A_37 : i32 to index
      %swap3A_48 = arith.constant 32 : index
      %swap3A_49 = tpu.vector_load %arg6[%swap3A_47, %swap3A_48] {strides = array<i32>} : memref<1024x64xf32, #tpu.memory_space<vmem>>, vector<1x16xf32>,
      %swap3A_50 = vector.shape_cast %swap3A_49 : vector<1x16xf32> to vector<16xf32>
      %swap3A_51 = vector.shape_cast %broadcast_in_dim3A_3 : vector<16xf32> to vector<1x16xf32>
      tpu.vector_store %arg6[%swap3A_47, %swap3A_48], %swap3A_51 {strides = array<i32>} : memref<1024x64xf32, #tpu.memory_space<vmem>>, vector<1x16xf32>,
      %swap3A_52 = arith.index_cast %scan3A_37 : i32 to index
      %swap3A_53 = arith.constant 48 : index
      %swap3A_54 = tpu.vector_load %arg6[%swap3A_52, %swap3A_53] {strides = array<i32>} : memref<1024x64xf32, #tpu.memory_space<vmem>>, vector<1x16xf32>,
      %swap3A_55 = vector.shape_cast %swap3A_54 : vector<1x16xf32> to vector<16xf32>
      %swap3A_56 = vector.shape_cast %broadcast_in_dim3A_3 : vector<16xf32> to vector<1x16xf32>
      tpu.vector_store %arg6[%swap3A_52, %swap3A_53], %swap3A_56 {strides = array<i32>} : memref<1024x64xf32, #tpu.memory_space<vmem>>, vector<1x16xf32>,
      %swap3A_57 = arith.index_cast %scan3A_37 : i32 to index
      %swap3A_58 = arith.constant 0 : index
      %swap3A_59 = tpu.vector_load %arg7[%swap3A_57, %swap3A_58] {strides = array<i32>} : memref<1024x32xf32, #tpu.memory_space<vmem>>, vector<1x16xf32>,
      %swap3A_60 = vector.shape_cast %swap3A_59 : vector<1x16xf32> to vector<16xf32>
      %swap3A_61 = vector.shape_cast %broadcast_in_dim3A_3 : vector<16xf32> to vector<1x16xf32>
      tpu.vector_store %arg7[%swap3A_57, %swap3A_58], %swap3A_61 {strides = array<i32>} : memref<1024x32xf32, #tpu.memory_space<vmem>>, vector<1x16xf32>,
      %swap3A_62 = arith.index_cast %scan3A_37 : i32 to index
      %swap3A_63 = arith.constant 16 : index
      %swap3A_64 = tpu.vector_load %arg7[%swap3A_62, %swap3A_63] {strides = array<i32>} : memref<1024x32xf32, #tpu.memory_space<vmem>>, vector<1x16xf32>,
      %swap3A_65 = vector.shape_cast %swap3A_64 : vector<1x16xf32> to vector<16xf32>
      %swap3A_66 = vector.shape_cast %broadcast_in_dim3A_3 : vector<16xf32> to vector<1x16xf32>
      tpu.vector_store %arg7[%swap3A_62, %swap3A_63], %swap3A_66 {strides = array<i32>} : memref<1024x32xf32, #tpu.memory_space<vmem>>, vector<1x16xf32>,
    }
    %scan3A_13 = arith.constant 1024 : i32
    %add3A = arith.constant 0 : i32
    %add3A_14 = arith.addi %mul3A_0, %add3A : i32
    %dma_start3A = tpu.memref_slice %arg2[%add3A_14, %mul3A_2] : memref<4096x1024xf32, #tpu.memory_space<hbm>> -> memref<128x64xf32, #tpu.memory_space<hbm>>
    %dma_start3A_15 = tpu.memref_slice %arg2[%add3A_14, %mul3A_2] : memref<4096x1024xf32, #tpu.memory_space<hbm>> -> memref<128x64xf32, #tpu.memory_space<hbm>>
    tpu.enqueue_dma source(%dma_start3A_15 : memref<128x64xf32, #tpu.memory_space<hbm>>) target(%arg8 : memref<128x64xf32, #tpu.memory_space<vmem>>) target_semaphore(%arg12 : memref<!tpu.dma_semaphore, #tpu.memory_space<semaphore_mem>>)
    %dma_start3A_16 = tpu.memref_slice %arg3[%add3A_14] : memref<4096xi32, #tpu.memory_space<hbm>> -> memref<128xi32, #tpu.memory_space<hbm>>
    %dma_start3A_17 = tpu.memref_slice %arg3[%add3A_14] : memref<4096xi32, #tpu.memory_space<hbm>> -> memref<128xi32, #tpu.memory_space<hbm>>
    tpu.enqueue_dma source(%dma_start3A_17 : memref<128xi32, #tpu.memory_space<hbm>>) target(%arg10 : memref<128xi32, #tpu.memory_space<vmem>>) target_semaphore(%arg12 : memref<!tpu.dma_semaphore, #tpu.memory_space<semaphore_mem>>)
    %add3A_18 = arith.constant 128 : i32
    %add3A_19 = arith.addi %mul3A_0, %add3A_18 : i32
    %dma_start3A_20 = tpu.memref_slice %arg2[%add3A_19, %mul3A_2] : memref<4096x1024xf32, #tpu.memory_space<hbm>> -> memref<128x64xf32, #tpu.memory_space<hbm>>
    %dma_start3A_21 = tpu.memref_slice %arg2[%add3A_19, %mul3A_2] : memref<4096x1024xf32, #tpu.memory_space<hbm>> -> memref<128x64xf32, #tpu.memory_space<hbm>>
    tpu.enqueue_dma source(%dma_start3A_21 : memref<128x64xf32, #tpu.memory_space<hbm>>) target(%arg9 : memref<128x64xf32, #tpu.memory_space<vmem>>) target_semaphore(%arg13 : memref<!tpu.dma_semaphore, #tpu.memory_space<semaphore_mem>>)
    %dma_start3A_22 = tpu.memref_slice %arg3[%add3A_19] : memref<4096xi32, #tpu.memory_space<hbm>> -> memref<128xi32, #tpu.memory_space<hbm>>
    %dma_start3A_23 = tpu.memref_slice %arg3[%add3A_19] : memref<4096xi32, #tpu.memory_space<hbm>> -> memref<128xi32, #tpu.memory_space<hbm>>
    tpu.enqueue_dma source(%dma_start3A_23 : memref<128xi32, #tpu.memory_space<hbm>>) target(%arg11 : memref<128xi32, #tpu.memory_space<vmem>>) target_semaphore(%arg13 : memref<!tpu.dma_semaphore, #tpu.memory_space<semaphore_mem>>)
    %scan3A_24 = arith.constant 0 : i32
    %scan3A_25 = arith.constant 0 : i32
    %scan3A_26 = arith.constant 8 : i32
    %scan3A_27 = arith.addi %scan3A_25, %scan3A_26 : i32
    %scan3A_28 = arith.constant 1 : i32
    scf.for %scan3A_37 = %scan3A_25 to %scan3A_27 step %scan3A_28  : i32 {
      %mul3A_38 = arith.constant 2 : i32
      %mul3A_39 = arith.muli %mul3A_38, %scan3A_37 : i32
      %add3A_40 = arith.constant 0 : i32
      %add3A_41 = arith.addi %mul3A_39, %add3A_40 : i32
      %dma_wait3A_42 = tpu.memref_slice %arg2[%mul3A_0, %mul3A_2] : memref<4096x1024xf32, #tpu.memory_space<hbm>> -> memref<128x64xf32, #tpu.memory_space<hbm>>
      %dma_wait3A_43 = tpu.memref_slice %arg2[%mul3A_0, %mul3A_2] : memref<4096x1024xf32, #tpu.memory_space<hbm>> -> memref<128x64xf32, #tpu.memory_space<hbm>>
      tpu.wait_dma2 semaphore(%arg12 : memref<!tpu.dma_semaphore, #tpu.memory_space<semaphore_mem>>) src(%dma_wait3A_43 : memref<128x64xf32, #tpu.memory_space<hbm>>) dst(%arg8 : memref<128x64xf32, #tpu.memory_space<vmem>>)
      %dma_wait3A_44 = tpu.memref_slice %arg3[%mul3A_0] : memref<4096xi32, #tpu.memory_space<hbm>> -> memref<128xi32, #tpu.memory_space<hbm>>
      %dma_wait3A_45 = tpu.memref_slice %arg3[%mul3A_0] : memref<4096xi32, #tpu.memory_space<hbm>> -> memref<128xi32, #tpu.memory_space<hbm>>
      tpu.wait_dma2 semaphore(%arg12 : memref<!tpu.dma_semaphore, #tpu.memory_space<semaphore_mem>>) src(%dma_wait3A_45 : memref<128xi32, #tpu.memory_space<hbm>>) dst(%arg10 : memref<128xi32, #tpu.memory_space<vmem>>)
      %scan3A_46 = arith.constant 0 : i32
      %scan3A_47 = arith.constant 0 : i32
      %scan3A_48 = arith.constant 8 : i32
      %scan3A_49 = arith.addi %scan3A_47, %scan3A_48 : i32
      %scan3A_50 = arith.constant 1 : i32
      scf.for %scan3A_112 = %scan3A_47 to %scan3A_49 step %scan3A_50  : i32 {
        %mul3A_113 = arith.constant 16 : i32
        %mul3A_114 = arith.muli %scan3A_112, %mul3A_113 : i32
        %get3A = arith.index_cast %mul3A_114 : i32 to index
        %get3A_115 = tpu.vector_load %arg10[%get3A] {strides = array<i32>} : memref<128xi32, #tpu.memory_space<vmem>>, vector<16xi32>,
        %get3A_116 = vector.shape_cast %get3A_115 : vector<16xi32> to vector<16xi32>
        %slice3A = vector.extract_strided_slice %get3A_116 {offsets = [0], sizes = [1], strides = [1]} : vector<16xi32> to vector<1xi32>
        %squeeze3A = vector.extract %slice3A[0] : i32 from vector<1xi32>
        %mul3A_117 = arith.constant 16 : i32
        %mul3A_118 = arith.muli %scan3A_112, %mul3A_117 : i32
        %add3A_119 = arith.constant 0 : i32
        %add3A_120 = arith.addi %mul3A_118, %add3A_119 : i32
        %get3A_121 = arith.index_cast %add3A_120 : i32 to index
        %get3A_122 = arith.constant 0 : index
        %get3A_123 = tpu.vector_load %arg8[%get3A_121, %get3A_122] {strides = array<i32>} : memref<128x64xf32, #tpu.memory_space<vmem>>, vector<1x16xf32>,
        %get3A_124 = vector.shape_cast %get3A_123 : vector<1x16xf32> to vector<16xf32>
        %get3A_125 = arith.index_cast %add3A_120 : i32 to index
        %get3A_126 = arith.constant 16 : index
        %get3A_127 = tpu.vector_load %arg8[%get3A_125, %get3A_126] {strides = array<i32>} : memref<128x64xf32, #tpu.memory_space<vmem>>, vector<1x16xf32>,
        %get3A_128 = vector.shape_cast %get3A_127 : vector<1x16xf32> to vector<16xf32>
        %get3A_129 = arith.index_cast %add3A_120 : i32 to index
        %get3A_130 = arith.constant 32 : index
        %get3A_131 = tpu.vector_load %arg8[%get3A_129, %get3A_130] {strides = array<i32>} : memref<128x64xf32, #tpu.memory_space<vmem>>, vector<1x16xf32>,
        %get3A_132 = vector.shape_cast %get3A_131 : vector<1x16xf32> to vector<16xf32>
        %get3A_133 = arith.index_cast %add3A_120 : i32 to index
        %get3A_134 = arith.constant 48 : index
        %get3A_135 = tpu.vector_load %arg8[%get3A_133, %get3A_134] {strides = array<i32>} : memref<128x64xf32, #tpu.memory_space<vmem>>, vector<1x16xf32>,
        %get3A_136 = vector.shape_cast %get3A_135 : vector<1x16xf32> to vector<16xf32>
        %swap3A = arith.index_cast %squeeze3A : i32 to index
        %swap3A_137 = arith.constant 0 : index
        %swap3A_138 = tpu.vector_load %arg6[%swap3A, %swap3A_137] {strides = array<i32>} : memref<1024x64xf32, #tpu.memory_space<vmem>>, vector<1x16xf32>,
        %swap3A_139 = vector.shape_cast %swap3A_138 : vector<1x16xf32> to vector<16xf32>
        %swap3A_140 = vector.shape_cast %get3A_124 : vector<16xf32> to vector<1x16xf32>
        tpu.vector_store %arg6[%swap3A, %swap3A_137], %swap3A_140 {add = true, strides = array<i32>} : memref<1024x64xf32, #tpu.memory_space<vmem>>, vector<1x16xf32>,
        %swap3A_141 = arith.index_cast %squeeze3A : i32 to index
        %swap3A_142 = arith.constant 16 : index
        %swap3A_143 = tpu.vector_load %arg6[%swap3A_141, %swap3A_142] {strides = array<i32>} : memref<1024x64xf32, #tpu.memory_space<vmem>>, vector<1x16xf32>,
        %swap3A_144 = vector.shape_cast %swap3A_143 : vector<1x16xf32> to vector<16xf32>
        %swap3A_145 = vector.shape_cast %get3A_128 : vector<16xf32> to vector<1x16xf32>
        tpu.vector_store %arg6[%swap3A_141, %swap3A_142], %swap3A_145 {add = true, strides = array<i32>} : memref<1024x64xf32, #tpu.memory_space<vmem>>, vector<1x16xf32>,
        %swap3A_146 = arith.index_cast %squeeze3A : i32 to index
        %swap3A_147 = arith.constant 32 : index
        %swap3A_148 = tpu.vector_load %arg6[%swap3A_146, %swap3A_147] {strides = array<i32>} : memref<1024x64xf32, #tpu.memory_space<vmem>>, vector<1x16xf32>,
        %swap3A_149 = vector.shape_cast %swap3A_148 : vector<1x16xf32> to vector<16xf32>
        %swap3A_150 = vector.shape_cast %get3A_132 : vector<16xf32> to vector<1x16xf32>
        tpu.vector_store %arg6[%swap3A_146, %swap3A_147], %swap3A_150 {add = true, strides = array<i32>} : memref<1024x64xf32, #tpu.memory_space<vmem>>, vector<1x16xf32>,
        %swap3A_151 = arith.index_cast %squeeze3A : i32 to index
        %swap3A_152 = arith.constant 48 : index
        %swap3A_153 = tpu.vector_load %arg6[%swap3A_151, %swap3A_152] {strides = array<i32>} : memref<1024x64xf32, #tpu.memory_space<vmem>>, vector<1x16xf32>,
        %swap3A_154 = vector.shape_cast %swap3A_153 : vector<1x16xf32> to vector<16xf32>
        %swap3A_155 = vector.shape_cast %get3A_136 : vector<16xf32> to vector<1x16xf32>
        tpu.vector_store %arg6[%swap3A_151, %swap3A_152], %swap3A_155 {add = true, strides = array<i32>} : memref<1024x64xf32, #tpu.memory_space<vmem>>, vector<1x16xf32>,
        %mul3A_156 = arith.mulf %get3A_124, %get3A_124 : vector<16xf32>
        %mul3A_157 = arith.mulf %get3A_128, %get3A_128 : vector<16xf32>
        %add3A_158 = arith.addf %mul3A_156, %mul3A_157 : vector<16xf32>
        %mul3A_159 = arith.mulf %get3A_132, %get3A_132 : vector<16xf32>
        %mul3A_160 = arith.mulf %get3A_136, %get3A_136 : vector<16xf32>
        %add3A_161 = arith.addf %mul3A_159, %mul3A_160 : vector<16xf32>
        %add3A_162 = arith.addf %add3A_158, %add3A_161 : vector<16xf32>
        %swap3A_163 = arith.index_cast %squeeze3A : i32 to index
        %swap3A_164 = arith.constant 0 : index
        %swap3A_165 = tpu.vector_load %arg7[%swap3A_163, %swap3A_164] {strides = array<i32>} : memref<1024x32xf32, #tpu.memory_space<vmem>>, vector<1x16xf32>,
        %swap3A_166 = vector.shape_cast %swap3A_165 : vector<1x16xf32> to vector<16xf32>
        %swap3A_167 = vector.shape_cast %add3A_162 : vector<16xf32> to vector<1x16xf32>
        tpu.vector_store %arg7[%swap3A_163, %swap3A_164], %swap3A_167 {add = true, strides = array<i32>} : memref<1024x32xf32, #tpu.memory_space<vmem>>, vector<1x16xf32>,
        %swap3A_168 = arith.index_cast %squeeze3A : i32 to index
        %swap3A_169 = arith.constant 16 : index
        %swap3A_170 = tpu.vector_load %arg7[%swap3A_168, %swap3A_169] {strides = array<i32>} : memref<1024x32xf32, #tpu.memory_space<vmem>>, vector<1x16xf32>,
        %swap3A_171 = vector.shape_cast %swap3A_170 : vector<1x16xf32> to vector<16xf32>
        %swap3A_172 = vector.shape_cast %select_n3A : vector<16xf32> to vector<1x16xf32>
        tpu.vector_store %arg7[%swap3A_168, %swap3A_169], %swap3A_172 {add = true, strides = array<i32>} : memref<1024x32xf32, #tpu.memory_space<vmem>>, vector<1x16xf32>,
        %slice3A_173 = vector.extract_strided_slice %get3A_116 {offsets = [1], sizes = [1], strides = [1]} : vector<16xi32> to vector<1xi32>
        %squeeze3A_174 = vector.extract %slice3A_173[0] : i32 from vector<1xi32>
        %mul3A_175 = arith.constant 16 : i32
        %mul3A_176 = arith.muli %scan3A_112, %mul3A_175 : i32
        %add3A_177 = arith.constant 1 : i32
        %add3A_178 = arith.addi %mul3A_176, %add3A_177 : i32
        %get3A_179 = arith.index_cast %add3A_178 : i32 to index
        %get3A_180 = arith.constant 0 : index
        %get3A_181 = tpu.vector_load %arg8[%get3A_179, %get3A_180] {strides = array<i32>} : memref<128x64xf32, #tpu.memory_space<vmem>>, vector<1x16xf32>,
        %get3A_182 = vector.shape_cast %get3A_181 : vector<1x16xf32> to vector<16xf32>
        %get3A_183 = arith.index_cast %add3A_178 : i32 to index
        %get3A_184 = arith.constant 16 : index
        %get3A_185 = tpu.vector_load %arg8[%get3A_183, %get3A_184] {strides = array<i32>} : memref<128x64xf32, #tpu.memory_space<vmem>>, vector<1x16xf32>,
        %get3A_186 = vector.shape_cast %get3A_185 : vector<1x16xf32> to vector<16xf32>
        %get3A_187 = arith.index_cast %add3A_178 : i32 to index
        %get3A_188 = arith.constant 32 : index
        %get3A_189 = tpu.vector_load %arg8[%get3A_187, %get3A_188] {strides = array<i32>} : memref<128x64xf32, #tpu.memory_space<vmem>>, vector<1x16xf32>,
        %get3A_190 = vector.shape_cast %get3A_189 : vector<1x16xf32> to vector<16xf32>
        %get3A_191 = arith.index_cast %add3A_178 : i32 to index
        %get3A_192 = arith.constant 48 : index
        %get3A_193 = tpu.vector_load %arg8[%get3A_191, %get3A_192] {strides = array<i32>} : memref<128x64xf32, #tpu.memory_space<vmem>>, vector<1x16xf32>,
        %get3A_194 = vector.shape_cast %get3A_193 : vector<1x16xf32> to vector<16xf32>
        %swap3A_195 = arith.index_cast %squeeze3A_174 : i32 to index
        %swap3A_196 = arith.constant 0 : index
        %swap3A_197 = tpu.vector_load %arg6[%swap3A_195, %swap3A_196] {strides = array<i32>} : memref<1024x64xf32, #tpu.memory_space<vmem>>, vector<1x16xf32>,
        %swap3A_198 = vector.shape_cast %swap3A_197 : vector<1x16xf32> to vector<16xf32>
        %swap3A_199 = vector.shape_cast %get3A_182 : vector<16xf32> to vector<1x16xf32>
        tpu.vector_store %arg6[%swap3A_195, %swap3A_196], %swap3A_199 {add = true, strides = array<i32>} : memref<1024x64xf32, #tpu.memory_space<vmem>>, vector<1x16xf32>,
        %swap3A_200 = arith.index_cast %squeeze3A_174 : i32 to index
        %swap3A_201 = arith.constant 16 : index
        %swap3A_202 = tpu.vector_load %arg6[%swap3A_200, %swap3A_201] {strides = array<i32>} : memref<1024x64xf32, #tpu.memory_space<vmem>>, vector<1x16xf32>,
        %swap3A_203 = vector.shape_cast %swap3A_202 : vector<1x16xf32> to vector<16xf32>
        %swap3A_204 = vector.shape_cast %get3A_186 : vector<16xf32> to vector<1x16xf32>
        tpu.vector_store %arg6[%swap3A_200, %swap3A_201], %swap3A_204 {add = true, strides = array<i32>} : memref<1024x64xf32, #tpu.memory_space<vmem>>, vector<1x16xf32>,
        %swap3A_205 = arith.index_cast %squeeze3A_174 : i32 to index
        %swap3A_206 = arith.constant 32 : index
        %swap3A_207 = tpu.vector_load %arg6[%swap3A_205, %swap3A_206] {strides = array<i32>} : memref<1024x64xf32, #tpu.memory_space<vmem>>, vector<1x16xf32>,
        %swap3A_208 = vector.shape_cast %swap3A_207 : vector<1x16xf32> to vector<16xf32>
        %swap3A_209 = vector.shape_cast %get3A_190 : vector<16xf32> to vector<1x16xf32>
        tpu.vector_store %arg6[%swap3A_205, %swap3A_206], %swap3A_209 {add = true, strides = array<i32>} : memref<1024x64xf32, #tpu.memory_space<vmem>>, vector<1x16xf32>,
        %swap3A_210 = arith.index_cast %squeeze3A_174 : i32 to index
        %swap3A_211 = arith.constant 48 : index
        %swap3A_212 = tpu.vector_load %arg6[%swap3A_210, %swap3A_211] {strides = array<i32>} : memref<1024x64xf32, #tpu.memory_space<vmem>>, vector<1x16xf32>,
        %swap3A_213 = vector.shape_cast %swap3A_212 : vector<1x16xf32> to vector<16xf32>
        %swap3A_214 = vector.shape_cast %get3A_194 : vector<16xf32> to vector<1x16xf32>
        tpu.vector_store %arg6[%swap3A_210, %swap3A_211], %swap3A_214 {add = true, strides = array<i32>} : memref<1024x64xf32, #tpu.memory_space<vmem>>, vector<1x16xf32>,
        %mul3A_215 = arith.mulf %get3A_182, %get3A_182 : vector<16xf32>
        %mul3A_216 = arith.mulf %get3A_186, %get3A_186 : vector<16xf32>
        %add3A_217 = arith.addf %mul3A_215, %mul3A_216 : vector<16xf32>
        %mul3A_218 = arith.mulf %get3A_190, %get3A_190 : vector<16xf32>
        %mul3A_219 = arith.mulf %get3A_194, %get3A_194 : vector<16xf32>
        %add3A_220 = arith.addf %mul3A_218, %mul3A_219 : vector<16xf32>
        %add3A_221 = arith.addf %add3A_217, %add3A_220 : vector<16xf32>
        %swap3A_222 = arith.index_cast %squeeze3A_174 : i32 to index
        %swap3A_223 = arith.constant 0 : index
        %swap3A_224 = tpu.vector_load %arg7[%swap3A_222, %swap3A_223] {strides = array<i32>} : memref<1024x32xf32, #tpu.memory_space<vmem>>, vector<1x16xf32>,
        %swap3A_225 = vector.shape_cast %swap3A_224 : vector<1x16xf32> to vector<16xf32>
        %swap3A_226 = vector.shape_cast %add3A_221 : vector<16xf32> to vector<1x16xf32>
        tpu.vector_store %arg7[%swap3A_222, %swap3A_223], %swap3A_226 {add = true, strides = array<i32>} : memref<1024x32xf32, #tpu.memory_space<vmem>>, vector<1x16xf32>,
        %swap3A_227 = arith.index_cast %squeeze3A_174 : i32 to index
        %swap3A_228 = arith.constant 16 : index
        %swap3A_229 = tpu.vector_load %arg7[%swap3A_227, %swap3A_228] {strides = array<i32>} : memref<1024x32xf32, #tpu.memory_space<vmem>>, vector<1x16xf32>,
        %swap3A_230 = vector.shape_cast %swap3A_229 : vector<1x16xf32> to vector<16xf32>
        %swap3A_231 = vector.shape_cast %select_n3A : vector<16xf32> to vector<1x16xf32>
        tpu.vector_store %arg7[%swap3A_227, %swap3A_228], %swap3A_231 {add = true, strides = array<i32>} : memref<1024x32xf32, #tpu.memory_space<vmem>>, vector<1x16xf32>,
        %slice3A_232 = vector.extract_strided_slice %get3A_116 {offsets = [2], sizes = [1], strides = [1]} : vector<16xi32> to vector<1xi32>
        %squeeze3A_233 = vector.extract %slice3A_232[0] : i32 from vector<1xi32>
        %mul3A_234 = arith.constant 16 : i32
        %mul3A_235 = arith.muli %scan3A_112, %mul3A_234 : i32
        %add3A_236 = arith.constant 2 : i32
        %add3A_237 = arith.addi %mul3A_235, %add3A_236 : i32
        %get3A_238 = arith.index_cast %add3A_237 : i32 to index
        %get3A_239 = arith.constant 0 : index
        %get3A_240 = tpu.vector_load %arg8[%get3A_238, %get3A_239] {strides = array<i32>} : memref<128x64xf32, #tpu.memory_space<vmem>>, vector<1x16xf32>,
        %get3A_241 = vector.shape_cast %get3A_240 : vector<1x16xf32> to vector<16xf32>
        %get3A_242 = arith.index_cast %add3A_237 : i32 to index
        %get3A_243 = arith.constant 16 : index
        %get3A_244 = tpu.vector_load %arg8[%get3A_242, %get3A_243] {strides = array<i32>} : memref<128x64xf32, #tpu.memory_space<vmem>>, vector<1x16xf32>,
        %get3A_245 = vector.shape_cast %get3A_244 : vector<1x16xf32> to vector<16xf32>
        %get3A_246 = arith.index_cast %add3A_237 : i32 to index
        %get3A_247 = arith.constant 32 : index
        %get3A_248 = tpu.vector_load %arg8[%get3A_246, %get3A_247] {strides = array<i32>} : memref<128x64xf32, #tpu.memory_space<vmem>>, vector<1x16xf32>,
        %get3A_249 = vector.shape_cast %get3A_248 : vector<1x16xf32> to vector<16xf32>
        %get3A_250 = arith.index_cast %add3A_237 : i32 to index
        %get3A_251 = arith.constant 48 : index
        %get3A_252 = tpu.vector_load %arg8[%get3A_250, %get3A_251] {strides = array<i32>} : memref<128x64xf32, #tpu.memory_space<vmem>>, vector<1x16xf32>,
        %get3A_253 = vector.shape_cast %get3A_252 : vector<1x16xf32> to vector<16xf32>
        %swap3A_254 = arith.index_cast %squeeze3A_233 : i32 to index
        %swap3A_255 = arith.constant 0 : index
        %swap3A_256 = tpu.vector_load %arg6[%swap3A_254, %swap3A_255] {strides = array<i32>} : memref<1024x64xf32, #tpu.memory_space<vmem>>, vector<1x16xf32>,
        %swap3A_257 = vector.shape_cast %swap3A_256 : vector<1x16xf32> to vector<16xf32>
        %swap3A_258 = vector.shape_cast %get3A_241 : vector<16xf32> to vector<1x16xf32>
        tpu.vector_store %arg6[%swap3A_254, %swap3A_255], %swap3A_258 {add = true, strides = array<i32>} : memref<1024x64xf32, #tpu.memory_space<vmem>>, vector<1x16xf32>,
        %swap3A_259 = arith.index_cast %squeeze3A_233 : i32 to index
        %swap3A_260 = arith.constant 16 : index
        %swap3A_261 = tpu.vector_load %arg6[%swap3A_259, %swap3A_260] {strides = array<i32>} : memref<1024x64xf32, #tpu.memory_space<vmem>>, vector<1x16xf32>,
        %swap3A_262 = vector.shape_cast %swap3A_261 : vector<1x16xf32> to vector<16xf32>
        %swap3A_263 = vector.shape_cast %get3A_245 : vector<16xf32> to vector<1x16xf32>
        tpu.vector_store %arg6[%swap3A_259, %swap3A_260], %swap3A_263 {add = true, strides = array<i32>} : memref<1024x64xf32, #tpu.memory_space<vmem>>, vector<1x16xf32>,
        %swap3A_264 = arith.index_cast %squeeze3A_233 : i32 to index
        %swap3A_265 = arith.constant 32 : index
        %swap3A_266 = tpu.vector_load %arg6[%swap3A_264, %swap3A_265] {strides = array<i32>} : memref<1024x64xf32, #tpu.memory_space<vmem>>, vector<1x16xf32>,
        %swap3A_267 = vector.shape_cast %swap3A_266 : vector<1x16xf32> to vector<16xf32>
        %swap3A_268 = vector.shape_cast %get3A_249 : vector<16xf32> to vector<1x16xf32>
        tpu.vector_store %arg6[%swap3A_264, %swap3A_265], %swap3A_268 {add = true, strides = array<i32>} : memref<1024x64xf32, #tpu.memory_space<vmem>>, vector<1x16xf32>,
        %swap3A_269 = arith.index_cast %squeeze3A_233 : i32 to index
        %swap3A_270 = arith.constant 48 : index
        %swap3A_271 = tpu.vector_load %arg6[%swap3A_269, %swap3A_270] {strides = array<i32>} : memref<1024x64xf32, #tpu.memory_space<vmem>>, vector<1x16xf32>,
        %swap3A_272 = vector.shape_cast %swap3A_271 : vector<1x16xf32> to vector<16xf32>
        %swap3A_273 = vector.shape_cast %get3A_253 : vector<16xf32> to vector<1x16xf32>
        tpu.vector_store %arg6[%swap3A_269, %swap3A_270], %swap3A_273 {add = true, strides = array<i32>} : memref<1024x64xf32, #tpu.memory_space<vmem>>, vector<1x16xf32>,
        %mul3A_274 = arith.mulf %get3A_241, %get3A_241 : vector<16xf32>
        %mul3A_275 = arith.mulf %get3A_245, %get3A_245 : vector<16xf32>
        %add3A_276 = arith.addf %mul3A_274, %mul3A_275 : vector<16xf32>
        %mul3A_277 = arith.mulf %get3A_249, %get3A_249 : vector<16xf32>
        %mul3A_278 = arith.mulf %get3A_253, %get3A_253 : vector<16xf32>
        %add3A_279 = arith.addf %mul3A_277, %mul3A_278 : vector<16xf32>
        %add3A_280 = arith.addf %add3A_276, %add3A_279 : vector<16xf32>
        %swap3A_281 = arith.index_cast %squeeze3A_233 : i32 to index
        %swap3A_282 = arith.constant 0 : index
        %swap3A_283 = tpu.vector_load %arg7[%swap3A_281, %swap3A_282] {strides = array<i32>} : memref<1024x32xf32, #tpu.memory_space<vmem>>, vector<1x16xf32>,
        %swap3A_284 = vector.shape_cast %swap3A_283 : vector<1x16xf32> to vector<16xf32>
        %swap3A_285 = vector.shape_cast %add3A_280 : vector<16xf32> to vector<1x16xf32>
        tpu.vector_store %arg7[%swap3A_281, %swap3A_282], %swap3A_285 {add = true, strides = array<i32>} : memref<1024x32xf32, #tpu.memory_space<vmem>>, vector<1x16xf32>,
        %swap3A_286 = arith.index_cast %squeeze3A_233 : i32 to index
        %swap3A_287 = arith.constant 16 : index
        %swap3A_288 = tpu.vector_load %arg7[%swap3A_286, %swap3A_287] {strides = array<i32>} : memref<1024x32xf32, #tpu.memory_space<vmem>>, vector<1x16xf32>,
        %swap3A_289 = vector.shape_cast %swap3A_288 : vector<1x16xf32> to vector<16xf32>
        %swap3A_290 = vector.shape_cast %select_n3A : vector<16xf32> to vector<1x16xf32>
        tpu.vector_store %arg7[%swap3A_286, %swap3A_287], %swap3A_290 {add = true, strides = array<i32>} : memref<1024x32xf32, #tpu.memory_space<vmem>>, vector<1x16xf32>,
        %slice3A_291 = vector.extract_strided_slice %get3A_116 {offsets = [3], sizes = [1], strides = [1]} : vector<16xi32> to vector<1xi32>
        %squeeze3A_292 = vector.extract %slice3A_291[0] : i32 from vector<1xi32>
        %mul3A_293 = arith.constant 16 : i32
        %mul3A_294 = arith.muli %scan3A_112, %mul3A_293 : i32
        %add3A_295 = arith.constant 3 : i32
        %add3A_296 = arith.addi %mul3A_294, %add3A_295 : i32
        %get3A_297 = arith.index_cast %add3A_296 : i32 to index
        %get3A_298 = arith.constant 0 : index
        %get3A_299 = tpu.vector_load %arg8[%get3A_297, %get3A_298] {strides = array<i32>} : memref<128x64xf32, #tpu.memory_space<vmem>>, vector<1x16xf32>,
        %get3A_300 = vector.shape_cast %get3A_299 : vector<1x16xf32> to vector<16xf32>
        %get3A_301 = arith.index_cast %add3A_296 : i32 to index
        %get3A_302 = arith.constant 16 : index
        %get3A_303 = tpu.vector_load %arg8[%get3A_301, %get3A_302] {strides = array<i32>} : memref<128x64xf32, #tpu.memory_space<vmem>>, vector<1x16xf32>,
        %get3A_304 = vector.shape_cast %get3A_303 : vector<1x16xf32> to vector<16xf32>
        %get3A_305 = arith.index_cast %add3A_296 : i32 to index
        %get3A_306 = arith.constant 32 : index
        %get3A_307 = tpu.vector_load %arg8[%get3A_305, %get3A_306] {strides = array<i32>} : memref<128x64xf32, #tpu.memory_space<vmem>>, vector<1x16xf32>,
        %get3A_308 = vector.shape_cast %get3A_307 : vector<1x16xf32> to vector<16xf32>
        %get3A_309 = arith.index_cast %add3A_296 : i32 to index
        %get3A_310 = arith.constant 48 : index
        %get3A_311 = tpu.vector_load %arg8[%get3A_309, %get3A_310] {strides = array<i32>} : memref<128x64xf32, #tpu.memory_space<vmem>>, vector<1x16xf32>,
        %get3A_312 = vector.shape_cast %get3A_311 : vector<1x16xf32> to vector<16xf32>
        %swap3A_313 = arith.index_cast %squeeze3A_292 : i32 to index
        %swap3A_314 = arith.constant 0 : index
        %swap3A_315 = tpu.vector_load %arg6[%swap3A_313, %swap3A_314] {strides = array<i32>} : memref<1024x64xf32, #tpu.memory_space<vmem>>, vector<1x16xf32>,
        %swap3A_316 = vector.shape_cast %swap3A_315 : vector<1x16xf32> to vector<16xf32>
        %swap3A_317 = vector.shape_cast %get3A_300 : vector<16xf32> to vector<1x16xf32>
        tpu.vector_store %arg6[%swap3A_313, %swap3A_314], %swap3A_317 {add = true, strides = array<i32>} : memref<1024x64xf32, #tpu.memory_space<vmem>>, vector<1x16xf32>,
        %swap3A_318 = arith.index_cast %squeeze3A_292 : i32 to index
        %swap3A_319 = arith.constant 16 : index
        %swap3A_320 = tpu.vector_load %arg6[%swap3A_318, %swap3A_319] {strides = array<i32>} : memref<1024x64xf32, #tpu.memory_space<vmem>>, vector<1x16xf32>,
        %swap3A_321 = vector.shape_cast %swap3A_320 : vector<1x16xf32> to vector<16xf32>
        %swap3A_322 = vector.shape_cast %get3A_304 : vector<16xf32> to vector<1x16xf32>
        tpu.vector_store %arg6[%swap3A_318, %swap3A_319], %swap3A_322 {add = true, strides = array<i32>} : memref<1024x64xf32, #tpu.memory_space<vmem>>, vector<1x16xf32>,
        %swap3A_323 = arith.index_cast %squeeze3A_292 : i32 to index
        %swap3A_324 = arith.constant 32 : index
        %swap3A_325 = tpu.vector_load %arg6[%swap3A_323, %swap3A_324] {strides = array<i32>} : memref<1024x64xf32, #tpu.memory_space<vmem>>, vector<1x16xf32>,
        %swap3A_326 = vector.shape_cast %swap3A_325 : vector<1x16xf32> to vector<16xf32>
        %swap3A_327 = vector.shape_cast %get3A_308 : vector<16xf32> to vector<1x16xf32>
        tpu.vector_store %arg6[%swap3A_323, %swap3A_324], %swap3A_327 {add = true, strides = array<i32>} : memref<1024x64xf32, #tpu.memory_space<vmem>>, vector<1x16xf32>,
        %swap3A_328 = arith.index_cast %squeeze3A_292 : i32 to index
        %swap3A_329 = arith.constant 48 : index
        %swap3A_330 = tpu.vector_load %arg6[%swap3A_328, %swap3A_329] {strides = array<i32>} : memref<1024x64xf32, #tpu.memory_space<vmem>>, vector<1x16xf32>,
        %swap3A_331 = vector.shape_cast %swap3A_330 : vector<1x16xf32> to vector<16xf32>
        %swap3A_332 = vector.shape_cast %get3A_312 : vector<16xf32> to vector<1x16xf32>
        tpu.vector_store %arg6[%swap3A_328, %swap3A_329], %swap3A_332 {add = true, strides = array<i32>} : memref<1024x64xf32, #tpu.memory_space<vmem>>, vector<1x16xf32>,
        %mul3A_333 = arith.mulf %get3A_300, %get3A_300 : vector<16xf32>
        %mul3A_334 = arith.mulf %get3A_304, %get3A_304 : vector<16xf32>
        %add3A_335 = arith.addf %mul3A_333, %mul3A_334 : vector<16xf32>
        %mul3A_336 = arith.mulf %get3A_308, %get3A_308 : vector<16xf32>
        %mul3A_337 = arith.mulf %get3A_312, %get3A_312 : vector<16xf32>
        %add3A_338 = arith.addf %mul3A_336, %mul3A_337 : vector<16xf32>
        %add3A_339 = arith.addf %add3A_335, %add3A_338 : vector<16xf32>
        %swap3A_340 = arith.index_cast %squeeze3A_292 : i32 to index
        %swap3A_341 = arith.constant 0 : index
        %swap3A_342 = tpu.vector_load %arg7[%swap3A_340, %swap3A_341] {strides = array<i32>} : memref<1024x32xf32, #tpu.memory_space<vmem>>, vector<1x16xf32>,
        %swap3A_343 = vector.shape_cast %swap3A_342 : vector<1x16xf32> to vector<16xf32>
        %swap3A_344 = vector.shape_cast %add3A_339 : vector<16xf32> to vector<1x16xf32>
        tpu.vector_store %arg7[%swap3A_340, %swap3A_341], %swap3A_344 {add = true, strides = array<i32>} : memref<1024x32xf32, #tpu.memory_space<vmem>>, vector<1x16xf32>,
        %swap3A_345 = arith.index_cast %squeeze3A_292 : i32 to index
        %swap3A_346 = arith.constant 16 : index
        %swap3A_347 = tpu.vector_load %arg7[%swap3A_345, %swap3A_346] {strides = array<i32>} : memref<1024x32xf32, #tpu.memory_space<vmem>>, vector<1x16xf32>,
        %swap3A_348 = vector.shape_cast %swap3A_347 : vector<1x16xf32> to vector<16xf32>
        %swap3A_349 = vector.shape_cast %select_n3A : vector<16xf32> to vector<1x16xf32>
        tpu.vector_store %arg7[%swap3A_345, %swap3A_346], %swap3A_349 {add = true, strides = array<i32>} : memref<1024x32xf32, #tpu.memory_space<vmem>>, vector<1x16xf32>,
        %slice3A_350 = vector.extract_strided_slice %get3A_116 {offsets = [4], sizes = [1], strides = [1]} : vector<16xi32> to vector<1xi32>
        %squeeze3A_351 = vector.extract %slice3A_350[0] : i32 from vector<1xi32>
        %mul3A_352 = arith.constant 16 : i32
        %mul3A_353 = arith.muli %scan3A_112, %mul3A_352 : i32
        %add3A_354 = arith.constant 4 : i32
        %add3A_355 = arith.addi %mul3A_353, %add3A_354 : i32
        %get3A_356 = arith.index_cast %add3A_355 : i32 to index
        %get3A_357 = arith.constant 0 : index
        %get3A_358 = tpu.vector_load %arg8[%get3A_356, %get3A_357] {strides = array<i32>} : memref<128x64xf32, #tpu.memory_space<vmem>>, vector<1x16xf32>,
        %get3A_359 = vector.shape_cast %get3A_358 : vector<1x16xf32> to vector<16xf32>
        %get3A_360 = arith.index_cast %add3A_355 : i32 to index
        %get3A_361 = arith.constant 16 : index
        %get3A_362 = tpu.vector_load %arg8[%get3A_360, %get3A_361] {strides = array<i32>} : memref<128x64xf32, #tpu.memory_space<vmem>>, vector<1x16xf32>,
        %get3A_363 = vector.shape_cast %get3A_362 : vector<1x16xf32> to vector<16xf32>
        %get3A_364 = arith.index_cast %add3A_355 : i32 to index
        %get3A_365 = arith.constant 32 : index
        %get3A_366 = tpu.vector_load %arg8[%get3A_364, %get3A_365] {strides = array<i32>} : memref<128x64xf32, #tpu.memory_space<vmem>>, vector<1x16xf32>,
        %get3A_367 = vector.shape_cast %get3A_366 : vector<1x16xf32> to vector<16xf32>
        %get3A_368 = arith.index_cast %add3A_355 : i32 to index
        %get3A_369 = arith.constant 48 : index
        %get3A_370 = tpu.vector_load %arg8[%get3A_368, %get3A_369] {strides = array<i32>} : memref<128x64xf32, #tpu.memory_space<vmem>>, vector<1x16xf32>,
        %get3A_371 = vector.shape_cast %get3A_370 : vector<1x16xf32> to vector<16xf32>
        %swap3A_372 = arith.index_cast %squeeze3A_351 : i32 to index
        %swap3A_373 = arith.constant 0 : index
        %swap3A_374 = tpu.vector_load %arg6[%swap3A_372, %swap3A_373] {strides = array<i32>} : memref<1024x64xf32, #tpu.memory_space<vmem>>, vector<1x16xf32>,
        %swap3A_375 = vector.shape_cast %swap3A_374 : vector<1x16xf32> to vector<16xf32>
        %swap3A_376 = vector.shape_cast %get3A_359 : vector<16xf32> to vector<1x16xf32>
        tpu.vector_store %arg6[%swap3A_372, %swap3A_373], %swap3A_376 {add = true, strides = array<i32>} : memref<1024x64xf32, #tpu.memory_space<vmem>>, vector<1x16xf32>,
        %swap3A_377 = arith.index_cast %squeeze3A_351 : i32 to index
        %swap3A_378 = arith.constant 16 : index
        %swap3A_379 = tpu.vector_load %arg6[%swap3A_377, %swap3A_378] {strides = array<i32>} : memref<1024x64xf32, #tpu.memory_space<vmem>>, vector<1x16xf32>,
        %swap3A_380 = vector.shape_cast %swap3A_379 : vector<1x16xf32> to vector<16xf32>
        %swap3A_381 = vector.shape_cast %get3A_363 : vector<16xf32> to vector<1x16xf32>
        tpu.vector_store %arg6[%swap3A_377, %swap3A_378], %swap3A_381 {add = true, strides = array<i32>} : memref<1024x64xf32, #tpu.memory_space<vmem>>, vector<1x16xf32>,
        %swap3A_382 = arith.index_cast %squeeze3A_351 : i32 to index
        %swap3A_383 = arith.constant 32 : index
        %swap3A_384 = tpu.vector_load %arg6[%swap3A_382, %swap3A_383] {strides = array<i32>} : memref<1024x64xf32, #tpu.memory_space<vmem>>, vector<1x16xf32>,
        %swap3A_385 = vector.shape_cast %swap3A_384 : vector<1x16xf32> to vector<16xf32>
        %swap3A_386 = vector.shape_cast %get3A_367 : vector<16xf32> to vector<1x16xf32>
        tpu.vector_store %arg6[%swap3A_382, %swap3A_383], %swap3A_386 {add = true, strides = array<i32>} : memref<1024x64xf32, #tpu.memory_space<vmem>>, vector<1x16xf32>,
        %swap3A_387 = arith.index_cast %squeeze3A_351 : i32 to index
        %swap3A_388 = arith.constant 48 : index
        %swap3A_389 = tpu.vector_load %arg6[%swap3A_387, %swap3A_388] {strides = array<i32>} : memref<1024x64xf32, #tpu.memory_space<vmem>>, vector<1x16xf32>,
        %swap3A_390 = vector.shape_cast %swap3A_389 : vector<1x16xf32> to vector<16xf32>
        %swap3A_391 = vector.shape_cast %get3A_371 : vector<16xf32> to vector<1x16xf32>
        tpu.vector_store %arg6[%swap3A_387, %swap3A_388], %swap3A_391 {add = true, strides = array<i32>} : memref<1024x64xf32, #tpu.memory_space<vmem>>, vector<1x16xf32>,
        %mul3A_392 = arith.mulf %get3A_359, %get3A_359 : vector<16xf32>
        %mul3A_393 = arith.mulf %get3A_363, %get3A_363 : vector<16xf32>
        %add3A_394 = arith.addf %mul3A_392, %mul3A_393 : vector<16xf32>
        %mul3A_395 = arith.mulf %get3A_367, %get3A_367 : vector<16xf32>
        %mul3A_396 = arith.mulf %get3A_371, %get3A_371 : vector<16xf32>
        %add3A_397 = arith.addf %mul3A_395, %mul3A_396 : vector<16xf32>
        %add3A_398 = arith.addf %add3A_394, %add3A_397 : vector<16xf32>
        %swap3A_399 = arith.index_cast %squeeze3A_351 : i32 to index
        %swap3A_400 = arith.constant 0 : index
        %swap3A_401 = tpu.vector_load %arg7[%swap3A_399, %swap3A_400] {strides = array<i32>} : memref<1024x32xf32, #tpu.memory_space<vmem>>, vector<1x16xf32>,
        %swap3A_402 = vector.shape_cast %swap3A_401 : vector<1x16xf32> to vector<16xf32>
        %swap3A_403 = vector.shape_cast %add3A_398 : vector<16xf32> to vector<1x16xf32>
        tpu.vector_store %arg7[%swap3A_399, %swap3A_400], %swap3A_403 {add = true, strides = array<i32>} : memref<1024x32xf32, #tpu.memory_space<vmem>>, vector<1x16xf32>,
        %swap3A_404 = arith.index_cast %squeeze3A_351 : i32 to index
        %swap3A_405 = arith.constant 16 : index
        %swap3A_406 = tpu.vector_load %arg7[%swap3A_404, %swap3A_405] {strides = array<i32>} : memref<1024x32xf32, #tpu.memory_space<vmem>>, vector<1x16xf32>,
        %swap3A_407 = vector.shape_cast %swap3A_406 : vector<1x16xf32> to vector<16xf32>
        %swap3A_408 = vector.shape_cast %select_n3A : vector<16xf32> to vector<1x16xf32>
        tpu.vector_store %arg7[%swap3A_404, %swap3A_405], %swap3A_408 {add = true, strides = array<i32>} : memref<1024x32xf32, #tpu.memory_space<vmem>>, vector<1x16xf32>,
        %slice3A_409 = vector.extract_strided_slice %get3A_116 {offsets = [5], sizes = [1], strides = [1]} : vector<16xi32> to vector<1xi32>
        %squeeze3A_410 = vector.extract %slice3A_409[0] : i32 from vector<1xi32>
        %mul3A_411 = arith.constant 16 : i32
        %mul3A_412 = arith.muli %scan3A_112, %mul3A_411 : i32
        %add3A_413 = arith.constant 5 : i32
        %add3A_414 = arith.addi %mul3A_412, %add3A_413 : i32
        %get3A_415 = arith.index_cast %add3A_414 : i32 to index
        %get3A_416 = arith.constant 0 : index
        %get3A_417 = tpu.vector_load %arg8[%get3A_415, %get3A_416] {strides = array<i32>} : memref<128x64xf32, #tpu.memory_space<vmem>>, vector<1x16xf32>,
        %get3A_418 = vector.shape_cast %get3A_417 : vector<1x16xf32> to vector<16xf32>
        %get3A_419 = arith.index_cast %add3A_414 : i32 to index
        %get3A_420 = arith.constant 16 : index
        %get3A_421 = tpu.vector_load %arg8[%get3A_419, %get3A_420] {strides = array<i32>} : memref<128x64xf32, #tpu.memory_space<vmem>>, vector<1x16xf32>,
        %get3A_422 = vector.shape_cast %get3A_421 : vector<1x16xf32> to vector<16xf32>
        %get3A_423 = arith.index_cast %add3A_414 : i32 to index
        %get3A_424 = arith.constant 32 : index
        %get3A_425 = tpu.vector_load %arg8[%get3A_423, %get3A_424] {strides = array<i32>} : memref<128x64xf32, #tpu.memory_space<vmem>>, vector<1x16xf32>,
        %get3A_426 = vector.shape_cast %get3A_425 : vector<1x16xf32> to vector<16xf32>
        %get3A_427 = arith.index_cast %add3A_414 : i32 to index
        %get3A_428 = arith.constant 48 : index
        %get3A_429 = tpu.vector_load %arg8[%get3A_427, %get3A_428] {strides = array<i32>} : memref<128x64xf32, #tpu.memory_space<vmem>>, vector<1x16xf32>,
        %get3A_430 = vector.shape_cast %get3A_429 : vector<1x16xf32> to vector<16xf32>
        %swap3A_431 = arith.index_cast %squeeze3A_410 : i32 to index
        %swap3A_432 = arith.constant 0 : index
        %swap3A_433 = tpu.vector_load %arg6[%swap3A_431, %swap3A_432] {strides = array<i32>} : memref<1024x64xf32, #tpu.memory_space<vmem>>, vector<1x16xf32>,
        %swap3A_434 = vector.shape_cast %swap3A_433 : vector<1x16xf32> to vector<16xf32>
        %swap3A_435 = vector.shape_cast %get3A_418 : vector<16xf32> to vector<1x16xf32>
        tpu.vector_store %arg6[%swap3A_431, %swap3A_432], %swap3A_435 {add = true, strides = array<i32>} : memref<1024x64xf32, #tpu.memory_space<vmem>>, vector<1x16xf32>,
        %swap3A_436 = arith.index_cast %squeeze3A_410 : i32 to index
        %swap3A_437 = arith.constant 16 : index
        %swap3A_438 = tpu.vector_load %arg6[%swap3A_436, %swap3A_437] {strides = array<i32>} : memref<1024x64xf32, #tpu.memory_space<vmem>>, vector<1x16xf32>,
        %swap3A_439 = vector.shape_cast %swap3A_438 : vector<1x16xf32> to vector<16xf32>
        %swap3A_440 = vector.shape_cast %get3A_422 : vector<16xf32> to vector<1x16xf32>
        tpu.vector_store %arg6[%swap3A_436, %swap3A_437], %swap3A_440 {add = true, strides = array<i32>} : memref<1024x64xf32, #tpu.memory_space<vmem>>, vector<1x16xf32>,
        %swap3A_441 = arith.index_cast %squeeze3A_410 : i32 to index
        %swap3A_442 = arith.constant 32 : index
        %swap3A_443 = tpu.vector_load %arg6[%swap3A_441, %swap3A_442] {strides = array<i32>} : memref<1024x64xf32, #tpu.memory_space<vmem>>, vector<1x16xf32>,
        %swap3A_444 = vector.shape_cast %swap3A_443 : vector<1x16xf32> to vector<16xf32>
        %swap3A_445 = vector.shape_cast %get3A_426 : vector<16xf32> to vector<1x16xf32>
        tpu.vector_store %arg6[%swap3A_441, %swap3A_442], %swap3A_445 {add = true, strides = array<i32>} : memref<1024x64xf32, #tpu.memory_space<vmem>>, vector<1x16xf32>,
        %swap3A_446 = arith.index_cast %squeeze3A_410 : i32 to index
        %swap3A_447 = arith.constant 48 : index
        %swap3A_448 = tpu.vector_load %arg6[%swap3A_446, %swap3A_447] {strides = array<i32>} : memref<1024x64xf32, #tpu.memory_space<vmem>>, vector<1x16xf32>,
        %swap3A_449 = vector.shape_cast %swap3A_448 : vector<1x16xf32> to vector<16xf32>
        %swap3A_450 = vector.shape_cast %get3A_430 : vector<16xf32> to vector<1x16xf32>
        tpu.vector_store %arg6[%swap3A_446, %swap3A_447], %swap3A_450 {add = true, strides = array<i32>} : memref<1024x64xf32, #tpu.memory_space<vmem>>, vector<1x16xf32>,
        %mul3A_451 = arith.mulf %get3A_418, %get3A_418 : vector<16xf32>
        %mul3A_452 = arith.mulf %get3A_422, %get3A_422 : vector<16xf32>
        %add3A_453 = arith.addf %mul3A_451, %mul3A_452 : vector<16xf32>
        %mul3A_454 = arith.mulf %get3A_426, %get3A_426 : vector<16xf32>
        %mul3A_455 = arith.mulf %get3A_430, %get3A_430 : vector<16xf32>
        %add3A_456 = arith.addf %mul3A_454, %mul3A_455 : vector<16xf32>
        %add3A_457 = arith.addf %add3A_453, %add3A_456 : vector<16xf32>
        %swap3A_458 = arith.index_cast %squeeze3A_410 : i32 to index
        %swap3A_459 = arith.constant 0 : index
        %swap3A_460 = tpu.vector_load %arg7[%swap3A_458, %swap3A_459] {strides = array<i32>} : memref<1024x32xf32, #tpu.memory_space<vmem>>, vector<1x16xf32>,
        %swap3A_461 = vector.shape_cast %swap3A_460 : vector<1x16xf32> to vector<16xf32>
        %swap3A_462 = vector.shape_cast %add3A_457 : vector<16xf32> to vector<1x16xf32>
        tpu.vector_store %arg7[%swap3A_458, %swap3A_459], %swap3A_462 {add = true, strides = array<i32>} : memref<1024x32xf32, #tpu.memory_space<vmem>>, vector<1x16xf32>,
        %swap3A_463 = arith.index_cast %squeeze3A_410 : i32 to index
        %swap3A_464 = arith.constant 16 : index
        %swap3A_465 = tpu.vector_load %arg7[%swap3A_463, %swap3A_464] {strides = array<i32>} : memref<1024x32xf32, #tpu.memory_space<vmem>>, vector<1x16xf32>,
        %swap3A_466 = vector.shape_cast %swap3A_465 : vector<1x16xf32> to vector<16xf32>
        %swap3A_467 = vector.shape_cast %select_n3A : vector<16xf32> to vector<1x16xf32>
        tpu.vector_store %arg7[%swap3A_463, %swap3A_464], %swap3A_467 {add = true, strides = array<i32>} : memref<1024x32xf32, #tpu.memory_space<vmem>>, vector<1x16xf32>,
        %slice3A_468 = vector.extract_strided_slice %get3A_116 {offsets = [6], sizes = [1], strides = [1]} : vector<16xi32> to vector<1xi32>
        %squeeze3A_469 = vector.extract %slice3A_468[0] : i32 from vector<1xi32>
        %mul3A_470 = arith.constant 16 : i32
        %mul3A_471 = arith.muli %scan3A_112, %mul3A_470 : i32
        %add3A_472 = arith.constant 6 : i32
        %add3A_473 = arith.addi %mul3A_471, %add3A_472 : i32
        %get3A_474 = arith.index_cast %add3A_473 : i32 to index
        %get3A_475 = arith.constant 0 : index
        %get3A_476 = tpu.vector_load %arg8[%get3A_474, %get3A_475] {strides = array<i32>} : memref<128x64xf32, #tpu.memory_space<vmem>>, vector<1x16xf32>,
        %get3A_477 = vector.shape_cast %get3A_476 : vector<1x16xf32> to vector<16xf32>
        %get3A_478 = arith.index_cast %add3A_473 : i32 to index
        %get3A_479 = arith.constant 16 : index
        %get3A_480 = tpu.vector_load %arg8[%get3A_478, %get3A_479] {strides = array<i32>} : memref<128x64xf32, #tpu.memory_space<vmem>>, vector<1x16xf32>,
        %get3A_481 = vector.shape_cast %get3A_480 : vector<1x16xf32> to vector<16xf32>
        %get3A_482 = arith.index_cast %add3A_473 : i32 to index
        %get3A_483 = arith.constant 32 : index
        %get3A_484 = tpu.vector_load %arg8[%get3A_482, %get3A_483] {strides = array<i32>} : memref<128x64xf32, #tpu.memory_space<vmem>>, vector<1x16xf32>,
        %get3A_485 = vector.shape_cast %get3A_484 : vector<1x16xf32> to vector<16xf32>
        %get3A_486 = arith.index_cast %add3A_473 : i32 to index
        %get3A_487 = arith.constant 48 : index
        %get3A_488 = tpu.vector_load %arg8[%get3A_486, %get3A_487] {strides = array<i32>} : memref<128x64xf32, #tpu.memory_space<vmem>>, vector<1x16xf32>,
        %get3A_489 = vector.shape_cast %get3A_488 : vector<1x16xf32> to vector<16xf32>
        %swap3A_490 = arith.index_cast %squeeze3A_469 : i32 to index
        %swap3A_491 = arith.constant 0 : index
        %swap3A_492 = tpu.vector_load %arg6[%swap3A_490, %swap3A_491] {strides = array<i32>} : memref<1024x64xf32, #tpu.memory_space<vmem>>, vector<1x16xf32>,
        %swap3A_493 = vector.shape_cast %swap3A_492 : vector<1x16xf32> to vector<16xf32>
        %swap3A_494 = vector.shape_cast %get3A_477 : vector<16xf32> to vector<1x16xf32>
        tpu.vector_store %arg6[%swap3A_490, %swap3A_491], %swap3A_494 {add = true, strides = array<i32>} : memref<1024x64xf32, #tpu.memory_space<vmem>>, vector<1x16xf32>,
        %swap3A_495 = arith.index_cast %squeeze3A_469 : i32 to index
        %swap3A_496 = arith.constant 16 : index
        %swap3A_497 = tpu.vector_load %arg6[%swap3A_495, %swap3A_496] {strides = array<i32>} : memref<1024x64xf32, #tpu.memory_space<vmem>>, vector<1x16xf32>,
        %swap3A_498 = vector.shape_cast %swap3A_497 : vector<1x16xf32> to vector<16xf32>
        %swap3A_499 = vector.shape_cast %get3A_481 : vector<16xf32> to vector<1x16xf32>
        tpu.vector_store %arg6[%swap3A_495, %swap3A_496], %swap3A_499 {add = true, strides = array<i32>} : memref<1024x64xf32, #tpu.memory_space<vmem>>, vector<1x16xf32>,
        %swap3A_500 = arith.index_cast %squeeze3A_469 : i32 to index
        %swap3A_501 = arith.constant 32 : index
        %swap3A_502 = tpu.vector_load %arg6[%swap3A_500, %swap3A_501] {strides = array<i32>} : memref<1024x64xf32, #tpu.memory_space<vmem>>, vector<1x16xf32>,
        %swap3A_503 = vector.shape_cast %swap3A_502 : vector<1x16xf32> to vector<16xf32>
        %swap3A_504 = vector.shape_cast %get3A_485 : vector<16xf32> to vector<1x16xf32>
        tpu.vector_store %arg6[%swap3A_500, %swap3A_501], %swap3A_504 {add = true, strides = array<i32>} : memref<1024x64xf32, #tpu.memory_space<vmem>>, vector<1x16xf32>,
        %swap3A_505 = arith.index_cast %squeeze3A_469 : i32 to index
        %swap3A_506 = arith.constant 48 : index
        %swap3A_507 = tpu.vector_load %arg6[%swap3A_505, %swap3A_506] {strides = array<i32>} : memref<1024x64xf32, #tpu.memory_space<vmem>>, vector<1x16xf32>,
        %swap3A_508 = vector.shape_cast %swap3A_507 : vector<1x16xf32> to vector<16xf32>
        %swap3A_509 = vector.shape_cast %get3A_489 : vector<16xf32> to vector<1x16xf32>
        tpu.vector_store %arg6[%swap3A_505, %swap3A_506], %swap3A_509 {add = true, strides = array<i32>} : memref<1024x64xf32, #tpu.memory_space<vmem>>, vector<1x16xf32>,
        %mul3A_510 = arith.mulf %get3A_477, %get3A_477 : vector<16xf32>
        %mul3A_511 = arith.mulf %get3A_481, %get3A_481 : vector<16xf32>
        %add3A_512 = arith.addf %mul3A_510, %mul3A_511 : vector<16xf32>
        %mul3A_513 = arith.mulf %get3A_485, %get3A_485 : vector<16xf32>
        %mul3A_514 = arith.mulf %get3A_489, %get3A_489 : vector<16xf32>
        %add3A_515 = arith.addf %mul3A_513, %mul3A_514 : vector<16xf32>
        %add3A_516 = arith.addf %add3A_512, %add3A_515 : vector<16xf32>
        %swap3A_517 = arith.index_cast %squeeze3A_469 : i32 to index
        %swap3A_518 = arith.constant 0 : index
        %swap3A_519 = tpu.vector_load %arg7[%swap3A_517, %swap3A_518] {strides = array<i32>} : memref<1024x32xf32, #tpu.memory_space<vmem>>, vector<1x16xf32>,
        %swap3A_520 = vector.shape_cast %swap3A_519 : vector<1x16xf32> to vector<16xf32>
        %swap3A_521 = vector.shape_cast %add3A_516 : vector<16xf32> to vector<1x16xf32>
        tpu.vector_store %arg7[%swap3A_517, %swap3A_518], %swap3A_521 {add = true, strides = array<i32>} : memref<1024x32xf32, #tpu.memory_space<vmem>>, vector<1x16xf32>,
        %swap3A_522 = arith.index_cast %squeeze3A_469 : i32 to index
        %swap3A_523 = arith.constant 16 : index
        %swap3A_524 = tpu.vector_load %arg7[%swap3A_522, %swap3A_523] {strides = array<i32>} : memref<1024x32xf32, #tpu.memory_space<vmem>>, vector<1x16xf32>,
        %swap3A_525 = vector.shape_cast %swap3A_524 : vector<1x16xf32> to vector<16xf32>
        %swap3A_526 = vector.shape_cast %select_n3A : vector<16xf32> to vector<1x16xf32>
        tpu.vector_store %arg7[%swap3A_522, %swap3A_523], %swap3A_526 {add = true, strides = array<i32>} : memref<1024x32xf32, #tpu.memory_space<vmem>>, vector<1x16xf32>,
        %slice3A_527 = vector.extract_strided_slice %get3A_116 {offsets = [7], sizes = [1], strides = [1]} : vector<16xi32> to vector<1xi32>
        %squeeze3A_528 = vector.extract %slice3A_527[0] : i32 from vector<1xi32>
        %mul3A_529 = arith.constant 16 : i32
        %mul3A_530 = arith.muli %scan3A_112, %mul3A_529 : i32
        %add3A_531 = arith.constant 7 : i32
        %add3A_532 = arith.addi %mul3A_530, %add3A_531 : i32
        %get3A_533 = arith.index_cast %add3A_532 : i32 to index
        %get3A_534 = arith.constant 0 : index
        %get3A_535 = tpu.vector_load %arg8[%get3A_533, %get3A_534] {strides = array<i32>} : memref<128x64xf32, #tpu.memory_space<vmem>>, vector<1x16xf32>,
        %get3A_536 = vector.shape_cast %get3A_535 : vector<1x16xf32> to vector<16xf32>
        %get3A_537 = arith.index_cast %add3A_532 : i32 to index
        %get3A_538 = arith.constant 16 : index
        %get3A_539 = tpu.vector_load %arg8[%get3A_537, %get3A_538] {strides = array<i32>} : memref<128x64xf32, #tpu.memory_space<vmem>>, vector<1x16xf32>,
        %get3A_540 = vector.shape_cast %get3A_539 : vector<1x16xf32> to vector<16xf32>
        %get3A_541 = arith.index_cast %add3A_532 : i32 to index
        %get3A_542 = arith.constant 32 : index
        %get3A_543 = tpu.vector_load %arg8[%get3A_541, %get3A_542] {strides = array<i32>} : memref<128x64xf32, #tpu.memory_space<vmem>>, vector<1x16xf32>,
        %get3A_544 = vector.shape_cast %get3A_543 : vector<1x16xf32> to vector<16xf32>
        %get3A_545 = arith.index_cast %add3A_532 : i32 to index
        %get3A_546 = arith.constant 48 : index
        %get3A_547 = tpu.vector_load %arg8[%get3A_545, %get3A_546] {strides = array<i32>} : memref<128x64xf32, #tpu.memory_space<vmem>>, vector<1x16xf32>,
        %get3A_548 = vector.shape_cast %get3A_547 : vector<1x16xf32> to vector<16xf32>
        %swap3A_549 = arith.index_cast %squeeze3A_528 : i32 to index
        %swap3A_550 = arith.constant 0 : index
        %swap3A_551 = tpu.vector_load %arg6[%swap3A_549, %swap3A_550] {strides = array<i32>} : memref<1024x64xf32, #tpu.memory_space<vmem>>, vector<1x16xf32>,
        %swap3A_552 = vector.shape_cast %swap3A_551 : vector<1x16xf32> to vector<16xf32>
        %swap3A_553 = vector.shape_cast %get3A_536 : vector<16xf32> to vector<1x16xf32>
        tpu.vector_store %arg6[%swap3A_549, %swap3A_550], %swap3A_553 {add = true, strides = array<i32>} : memref<1024x64xf32, #tpu.memory_space<vmem>>, vector<1x16xf32>,
        %swap3A_554 = arith.index_cast %squeeze3A_528 : i32 to index
        %swap3A_555 = arith.constant 16 : index
        %swap3A_556 = tpu.vector_load %arg6[%swap3A_554, %swap3A_555] {strides = array<i32>} : memref<1024x64xf32, #tpu.memory_space<vmem>>, vector<1x16xf32>,
        %swap3A_557 = vector.shape_cast %swap3A_556 : vector<1x16xf32> to vector<16xf32>
        %swap3A_558 = vector.shape_cast %get3A_540 : vector<16xf32> to vector<1x16xf32>
        tpu.vector_store %arg6[%swap3A_554, %swap3A_555], %swap3A_558 {add = true, strides = array<i32>} : memref<1024x64xf32, #tpu.memory_space<vmem>>, vector<1x16xf32>,
        %swap3A_559 = arith.index_cast %squeeze3A_528 : i32 to index
        %swap3A_560 = arith.constant 32 : index
        %swap3A_561 = tpu.vector_load %arg6[%swap3A_559, %swap3A_560] {strides = array<i32>} : memref<1024x64xf32, #tpu.memory_space<vmem>>, vector<1x16xf32>,
        %swap3A_562 = vector.shape_cast %swap3A_561 : vector<1x16xf32> to vector<16xf32>
        %swap3A_563 = vector.shape_cast %get3A_544 : vector<16xf32> to vector<1x16xf32>
        tpu.vector_store %arg6[%swap3A_559, %swap3A_560], %swap3A_563 {add = true, strides = array<i32>} : memref<1024x64xf32, #tpu.memory_space<vmem>>, vector<1x16xf32>,
        %swap3A_564 = arith.index_cast %squeeze3A_528 : i32 to index
        %swap3A_565 = arith.constant 48 : index
        %swap3A_566 = tpu.vector_load %arg6[%swap3A_564, %swap3A_565] {strides = array<i32>} : memref<1024x64xf32, #tpu.memory_space<vmem>>, vector<1x16xf32>,
        %swap3A_567 = vector.shape_cast %swap3A_566 : vector<1x16xf32> to vector<16xf32>
        %swap3A_568 = vector.shape_cast %get3A_548 : vector<16xf32> to vector<1x16xf32>
        tpu.vector_store %arg6[%swap3A_564, %swap3A_565], %swap3A_568 {add = true, strides = array<i32>} : memref<1024x64xf32, #tpu.memory_space<vmem>>, vector<1x16xf32>,
        %mul3A_569 = arith.mulf %get3A_536, %get3A_536 : vector<16xf32>
        %mul3A_570 = arith.mulf %get3A_540, %get3A_540 : vector<16xf32>
        %add3A_571 = arith.addf %mul3A_569, %mul3A_570 : vector<16xf32>
        %mul3A_572 = arith.mulf %get3A_544, %get3A_544 : vector<16xf32>
        %mul3A_573 = arith.mulf %get3A_548, %get3A_548 : vector<16xf32>
        %add3A_574 = arith.addf %mul3A_572, %mul3A_573 : vector<16xf32>
        %add3A_575 = arith.addf %add3A_571, %add3A_574 : vector<16xf32>
        %swap3A_576 = arith.index_cast %squeeze3A_528 : i32 to index
        %swap3A_577 = arith.constant 0 : index
        %swap3A_578 = tpu.vector_load %arg7[%swap3A_576, %swap3A_577] {strides = array<i32>} : memref<1024x32xf32, #tpu.memory_space<vmem>>, vector<1x16xf32>,
        %swap3A_579 = vector.shape_cast %swap3A_578 : vector<1x16xf32> to vector<16xf32>
        %swap3A_580 = vector.shape_cast %add3A_575 : vector<16xf32> to vector<1x16xf32>
        tpu.vector_store %arg7[%swap3A_576, %swap3A_577], %swap3A_580 {add = true, strides = array<i32>} : memref<1024x32xf32, #tpu.memory_space<vmem>>, vector<1x16xf32>,
        %swap3A_581 = arith.index_cast %squeeze3A_528 : i32 to index
        %swap3A_582 = arith.constant 16 : index
        %swap3A_583 = tpu.vector_load %arg7[%swap3A_581, %swap3A_582] {strides = array<i32>} : memref<1024x32xf32, #tpu.memory_space<vmem>>, vector<1x16xf32>,
        %swap3A_584 = vector.shape_cast %swap3A_583 : vector<1x16xf32> to vector<16xf32>
        %swap3A_585 = vector.shape_cast %select_n3A : vector<16xf32> to vector<1x16xf32>
        tpu.vector_store %arg7[%swap3A_581, %swap3A_582], %swap3A_585 {add = true, strides = array<i32>} : memref<1024x32xf32, #tpu.memory_space<vmem>>, vector<1x16xf32>,
        %slice3A_586 = vector.extract_strided_slice %get3A_116 {offsets = [8], sizes = [1], strides = [1]} : vector<16xi32> to vector<1xi32>
        %squeeze3A_587 = vector.extract %slice3A_586[0] : i32 from vector<1xi32>
        %mul3A_588 = arith.constant 16 : i32
        %mul3A_589 = arith.muli %scan3A_112, %mul3A_588 : i32
        %add3A_590 = arith.constant 8 : i32
        %add3A_591 = arith.addi %mul3A_589, %add3A_590 : i32
        %get3A_592 = arith.index_cast %add3A_591 : i32 to index
        %get3A_593 = arith.constant 0 : index
        %get3A_594 = tpu.vector_load %arg8[%get3A_592, %get3A_593] {strides = array<i32>} : memref<128x64xf32, #tpu.memory_space<vmem>>, vector<1x16xf32>,
        %get3A_595 = vector.shape_cast %get3A_594 : vector<1x16xf32> to vector<16xf32>
        %get3A_596 = arith.index_cast %add3A_591 : i32 to index
        %get3A_597 = arith.constant 16 : index
        %get3A_598 = tpu.vector_load %arg8[%get3A_596, %get3A_597] {strides = array<i32>} : memref<128x64xf32, #tpu.memory_space<vmem>>, vector<1x16xf32>,
        %get3A_599 = vector.shape_cast %get3A_598 : vector<1x16xf32> to vector<16xf32>
        %get3A_600 = arith.index_cast %add3A_591 : i32 to index
        %get3A_601 = arith.constant 32 : index
        %get3A_602 = tpu.vector_load %arg8[%get3A_600, %get3A_601] {strides = array<i32>} : memref<128x64xf32, #tpu.memory_space<vmem>>, vector<1x16xf32>,
        %get3A_603 = vector.shape_cast %get3A_602 : vector<1x16xf32> to vector<16xf32>
        %get3A_604 = arith.index_cast %add3A_591 : i32 to index
        %get3A_605 = arith.constant 48 : index
        %get3A_606 = tpu.vector_load %arg8[%get3A_604, %get3A_605] {strides = array<i32>} : memref<128x64xf32, #tpu.memory_space<vmem>>, vector<1x16xf32>,
        %get3A_607 = vector.shape_cast %get3A_606 : vector<1x16xf32> to vector<16xf32>
        %swap3A_608 = arith.index_cast %squeeze3A_587 : i32 to index
        %swap3A_609 = arith.constant 0 : index
        %swap3A_610 = tpu.vector_load %arg6[%swap3A_608, %swap3A_609] {strides = array<i32>} : memref<1024x64xf32, #tpu.memory_space<vmem>>, vector<1x16xf32>,
        %swap3A_611 = vector.shape_cast %swap3A_610 : vector<1x16xf32> to vector<16xf32>
        %swap3A_612 = vector.shape_cast %get3A_595 : vector<16xf32> to vector<1x16xf32>
        tpu.vector_store %arg6[%swap3A_608, %swap3A_609], %swap3A_612 {add = true, strides = array<i32>} : memref<1024x64xf32, #tpu.memory_space<vmem>>, vector<1x16xf32>,
        %swap3A_613 = arith.index_cast %squeeze3A_587 : i32 to index
        %swap3A_614 = arith.constant 16 : index
        %swap3A_615 = tpu.vector_load %arg6[%swap3A_613, %swap3A_614] {strides = array<i32>} : memref<1024x64xf32, #tpu.memory_space<vmem>>, vector<1x16xf32>,
        %swap3A_616 = vector.shape_cast %swap3A_615 : vector<1x16xf32> to vector<16xf32>
        %swap3A_617 = vector.shape_cast %get3A_599 : vector<16xf32> to vector<1x16xf32>
        tpu.vector_store %arg6[%swap3A_613, %swap3A_614], %swap3A_617 {add = true, strides = array<i32>} : memref<1024x64xf32, #tpu.memory_space<vmem>>, vector<1x16xf32>,
        %swap3A_618 = arith.index_cast %squeeze3A_587 : i32 to index
        %swap3A_619 = arith.constant 32 : index
        %swap3A_620 = tpu.vector_load %arg6[%swap3A_618, %swap3A_619] {strides = array<i32>} : memref<1024x64xf32, #tpu.memory_space<vmem>>, vector<1x16xf32>,
        %swap3A_621 = vector.shape_cast %swap3A_620 : vector<1x16xf32> to vector<16xf32>
        %swap3A_622 = vector.shape_cast %get3A_603 : vector<16xf32> to vector<1x16xf32>
        tpu.vector_store %arg6[%swap3A_618, %swap3A_619], %swap3A_622 {add = true, strides = array<i32>} : memref<1024x64xf32, #tpu.memory_space<vmem>>, vector<1x16xf32>,
        %swap3A_623 = arith.index_cast %squeeze3A_587 : i32 to index
        %swap3A_624 = arith.constant 48 : index
        %swap3A_625 = tpu.vector_load %arg6[%swap3A_623, %swap3A_624] {strides = array<i32>} : memref<1024x64xf32, #tpu.memory_space<vmem>>, vector<1x16xf32>,
        %swap3A_626 = vector.shape_cast %swap3A_625 : vector<1x16xf32> to vector<16xf32>
        %swap3A_627 = vector.shape_cast %get3A_607 : vector<16xf32> to vector<1x16xf32>
        tpu.vector_store %arg6[%swap3A_623, %swap3A_624], %swap3A_627 {add = true, strides = array<i32>} : memref<1024x64xf32, #tpu.memory_space<vmem>>, vector<1x16xf32>,
        %mul3A_628 = arith.mulf %get3A_595, %get3A_595 : vector<16xf32>
        %mul3A_629 = arith.mulf %get3A_599, %get3A_599 : vector<16xf32>
        %add3A_630 = arith.addf %mul3A_628, %mul3A_629 : vector<16xf32>
        %mul3A_631 = arith.mulf %get3A_603, %get3A_603 : vector<16xf32>
        %mul3A_632 = arith.mulf %get3A_607, %get3A_607 : vector<16xf32>
        %add3A_633 = arith.addf %mul3A_631, %mul3A_632 : vector<16xf32>
        %add3A_634 = arith.addf %add3A_630, %add3A_633 : vector<16xf32>
        %swap3A_635 = arith.index_cast %squeeze3A_587 : i32 to index
        %swap3A_636 = arith.constant 0 : index
        %swap3A_637 = tpu.vector_load %arg7[%swap3A_635, %swap3A_636] {strides = array<i32>} : memref<1024x32xf32, #tpu.memory_space<vmem>>, vector<1x16xf32>,
        %swap3A_638 = vector.shape_cast %swap3A_637 : vector<1x16xf32> to vector<16xf32>
        %swap3A_639 = vector.shape_cast %add3A_634 : vector<16xf32> to vector<1x16xf32>
        tpu.vector_store %arg7[%swap3A_635, %swap3A_636], %swap3A_639 {add = true, strides = array<i32>} : memref<1024x32xf32, #tpu.memory_space<vmem>>, vector<1x16xf32>,
        %swap3A_640 = arith.index_cast %squeeze3A_587 : i32 to index
        %swap3A_641 = arith.constant 16 : index
        %swap3A_642 = tpu.vector_load %arg7[%swap3A_640, %swap3A_641] {strides = array<i32>} : memref<1024x32xf32, #tpu.memory_space<vmem>>, vector<1x16xf32>,
        %swap3A_643 = vector.shape_cast %swap3A_642 : vector<1x16xf32> to vector<16xf32>
        %swap3A_644 = vector.shape_cast %select_n3A : vector<16xf32> to vector<1x16xf32>
        tpu.vector_store %arg7[%swap3A_640, %swap3A_641], %swap3A_644 {add = true, strides = array<i32>} : memref<1024x32xf32, #tpu.memory_space<vmem>>, vector<1x16xf32>,
        %slice3A_645 = vector.extract_strided_slice %get3A_116 {offsets = [9], sizes = [1], strides = [1]} : vector<16xi32> to vector<1xi32>
        %squeeze3A_646 = vector.extract %slice3A_645[0] : i32 from vector<1xi32>
        %mul3A_647 = arith.constant 16 : i32
        %mul3A_648 = arith.muli %scan3A_112, %mul3A_647 : i32
        %add3A_649 = arith.constant 9 : i32
        %add3A_650 = arith.addi %mul3A_648, %add3A_649 : i32
        %get3A_651 = arith.index_cast %add3A_650 : i32 to index
        %get3A_652 = arith.constant 0 : index
        %get3A_653 = tpu.vector_load %arg8[%get3A_651, %get3A_652] {strides = array<i32>} : memref<128x64xf32, #tpu.memory_space<vmem>>, vector<1x16xf32>,
        %get3A_654 = vector.shape_cast %get3A_653 : vector<1x16xf32> to vector<16xf32>
        %get3A_655 = arith.index_cast %add3A_650 : i32 to index
        %get3A_656 = arith.constant 16 : index
        %get3A_657 = tpu.vector_load %arg8[%get3A_655, %get3A_656] {strides = array<i32>} : memref<128x64xf32, #tpu.memory_space<vmem>>, vector<1x16xf32>,
        %get3A_658 = vector.shape_cast %get3A_657 : vector<1x16xf32> to vector<16xf32>
        %get3A_659 = arith.index_cast %add3A_650 : i32 to index
        %get3A_660 = arith.constant 32 : index
        %get3A_661 = tpu.vector_load %arg8[%get3A_659, %get3A_660] {strides = array<i32>} : memref<128x64xf32, #tpu.memory_space<vmem>>, vector<1x16xf32>,
        %get3A_662 = vector.shape_cast %get3A_661 : vector<1x16xf32> to vector<16xf32>
        %get3A_663 = arith.index_cast %add3A_650 : i32 to index
        %get3A_664 = arith.constant 48 : index
        %get3A_665 = tpu.vector_load %arg8[%get3A_663, %get3A_664] {strides = array<i32>} : memref<128x64xf32, #tpu.memory_space<vmem>>, vector<1x16xf32>,
        %get3A_666 = vector.shape_cast %get3A_665 : vector<1x16xf32> to vector<16xf32>
        %swap3A_667 = arith.index_cast %squeeze3A_646 : i32 to index
        %swap3A_668 = arith.constant 0 : index
        %swap3A_669 = tpu.vector_load %arg6[%swap3A_667, %swap3A_668] {strides = array<i32>} : memref<1024x64xf32, #tpu.memory_space<vmem>>, vector<1x16xf32>,
        %swap3A_670 = vector.shape_cast %swap3A_669 : vector<1x16xf32> to vector<16xf32>
        %swap3A_671 = vector.shape_cast %get3A_654 : vector<16xf32> to vector<1x16xf32>
        tpu.vector_store %arg6[%swap3A_667, %swap3A_668], %swap3A_671 {add = true, strides = array<i32>} : memref<1024x64xf32, #tpu.memory_space<vmem>>, vector<1x16xf32>,
        %swap3A_672 = arith.index_cast %squeeze3A_646 : i32 to index
        %swap3A_673 = arith.constant 16 : index
        %swap3A_674 = tpu.vector_load %arg6[%swap3A_672, %swap3A_673] {strides = array<i32>} : memref<1024x64xf32, #tpu.memory_space<vmem>>, vector<1x16xf32>,
        %swap3A_675 = vector.shape_cast %swap3A_674 : vector<1x16xf32> to vector<16xf32>
        %swap3A_676 = vector.shape_cast %get3A_658 : vector<16xf32> to vector<1x16xf32>
        tpu.vector_store %arg6[%swap3A_672, %swap3A_673], %swap3A_676 {add = true, strides = array<i32>} : memref<1024x64xf32, #tpu.memory_space<vmem>>, vector<1x16xf32>,
        %swap3A_677 = arith.index_cast %squeeze3A_646 : i32 to index
        %swap3A_678 = arith.constant 32 : index
        %swap3A_679 = tpu.vector_load %arg6[%swap3A_677, %swap3A_678] {strides = array<i32>} : memref<1024x64xf32, #tpu.memory_space<vmem>>, vector<1x16xf32>,
        %swap3A_680 = vector.shape_cast %swap3A_679 : vector<1x16xf32> to vector<16xf32>
        %swap3A_681 = vector.shape_cast %get3A_662 : vector<16xf32> to vector<1x16xf32>
        tpu.vector_store %arg6[%swap3A_677, %swap3A_678], %swap3A_681 {add = true, strides = array<i32>} : memref<1024x64xf32, #tpu.memory_space<vmem>>, vector<1x16xf32>,
        %swap3A_682 = arith.index_cast %squeeze3A_646 : i32 to index
        %swap3A_683 = arith.constant 48 : index
        %swap3A_684 = tpu.vector_load %arg6[%swap3A_682, %swap3A_683] {strides = array<i32>} : memref<1024x64xf32, #tpu.memory_space<vmem>>, vector<1x16xf32>,
        %swap3A_685 = vector.shape_cast %swap3A_684 : vector<1x16xf32> to vector<16xf32>
        %swap3A_686 = vector.shape_cast %get3A_666 : vector<16xf32> to vector<1x16xf32>
        tpu.vector_store %arg6[%swap3A_682, %swap3A_683], %swap3A_686 {add = true, strides = array<i32>} : memref<1024x64xf32, #tpu.memory_space<vmem>>, vector<1x16xf32>,
        %mul3A_687 = arith.mulf %get3A_654, %get3A_654 : vector<16xf32>
        %mul3A_688 = arith.mulf %get3A_658, %get3A_658 : vector<16xf32>
        %add3A_689 = arith.addf %mul3A_687, %mul3A_688 : vector<16xf32>
        %mul3A_690 = arith.mulf %get3A_662, %get3A_662 : vector<16xf32>
        %mul3A_691 = arith.mulf %get3A_666, %get3A_666 : vector<16xf32>
        %add3A_692 = arith.addf %mul3A_690, %mul3A_691 : vector<16xf32>
        %add3A_693 = arith.addf %add3A_689, %add3A_692 : vector<16xf32>
        %swap3A_694 = arith.index_cast %squeeze3A_646 : i32 to index
        %swap3A_695 = arith.constant 0 : index
        %swap3A_696 = tpu.vector_load %arg7[%swap3A_694, %swap3A_695] {strides = array<i32>} : memref<1024x32xf32, #tpu.memory_space<vmem>>, vector<1x16xf32>,
        %swap3A_697 = vector.shape_cast %swap3A_696 : vector<1x16xf32> to vector<16xf32>
        %swap3A_698 = vector.shape_cast %add3A_693 : vector<16xf32> to vector<1x16xf32>
        tpu.vector_store %arg7[%swap3A_694, %swap3A_695], %swap3A_698 {add = true, strides = array<i32>} : memref<1024x32xf32, #tpu.memory_space<vmem>>, vector<1x16xf32>,
        %swap3A_699 = arith.index_cast %squeeze3A_646 : i32 to index
        %swap3A_700 = arith.constant 16 : index
        %swap3A_701 = tpu.vector_load %arg7[%swap3A_699, %swap3A_700] {strides = array<i32>} : memref<1024x32xf32, #tpu.memory_space<vmem>>, vector<1x16xf32>,
        %swap3A_702 = vector.shape_cast %swap3A_701 : vector<1x16xf32> to vector<16xf32>
        %swap3A_703 = vector.shape_cast %select_n3A : vector<16xf32> to vector<1x16xf32>
        tpu.vector_store %arg7[%swap3A_699, %swap3A_700], %swap3A_703 {add = true, strides = array<i32>} : memref<1024x32xf32, #tpu.memory_space<vmem>>, vector<1x16xf32>,
        %slice3A_704 = vector.extract_strided_slice %get3A_116 {offsets = [10], sizes = [1], strides = [1]} : vector<16xi32> to vector<1xi32>
        %squeeze3A_705 = vector.extract %slice3A_704[0] : i32 from vector<1xi32>
        %mul3A_706 = arith.constant 16 : i32
        %mul3A_707 = arith.muli %scan3A_112, %mul3A_706 : i32
        %add3A_708 = arith.constant 10 : i32
        %add3A_709 = arith.addi %mul3A_707, %add3A_708 : i32
        %get3A_710 = arith.index_cast %add3A_709 : i32 to index
        %get3A_711 = arith.constant 0 : index
        %get3A_712 = tpu.vector_load %arg8[%get3A_710, %get3A_711] {strides = array<i32>} : memref<128x64xf32, #tpu.memory_space<vmem>>, vector<1x16xf32>,
        %get3A_713 = vector.shape_cast %get3A_712 : vector<1x16xf32> to vector<16xf32>
        %get3A_714 = arith.index_cast %add3A_709 : i32 to index
        %get3A_715 = arith.constant 16 : index
        %get3A_716 = tpu.vector_load %arg8[%get3A_714, %get3A_715] {strides = array<i32>} : memref<128x64xf32, #tpu.memory_space<vmem>>, vector<1x16xf32>,
        %get3A_717 = vector.shape_cast %get3A_716 : vector<1x16xf32> to vector<16xf32>
        %get3A_718 = arith.index_cast %add3A_709 : i32 to index
        %get3A_719 = arith.constant 32 : index
        %get3A_720 = tpu.vector_load %arg8[%get3A_718, %get3A_719] {strides = array<i32>} : memref<128x64xf32, #tpu.memory_space<vmem>>, vector<1x16xf32>,
        %get3A_721 = vector.shape_cast %get3A_720 : vector<1x16xf32> to vector<16xf32>
        %get3A_722 = arith.index_cast %add3A_709 : i32 to index
        %get3A_723 = arith.constant 48 : index
        %get3A_724 = tpu.vector_load %arg8[%get3A_722, %get3A_723] {strides = array<i32>} : memref<128x64xf32, #tpu.memory_space<vmem>>, vector<1x16xf32>,
        %get3A_725 = vector.shape_cast %get3A_724 : vector<1x16xf32> to vector<16xf32>
        %swap3A_726 = arith.index_cast %squeeze3A_705 : i32 to index
        %swap3A_727 = arith.constant 0 : index
        %swap3A_728 = tpu.vector_load %arg6[%swap3A_726, %swap3A_727] {strides = array<i32>} : memref<1024x64xf32, #tpu.memory_space<vmem>>, vector<1x16xf32>,
        %swap3A_729 = vector.shape_cast %swap3A_728 : vector<1x16xf32> to vector<16xf32>
        %swap3A_730 = vector.shape_cast %get3A_713 : vector<16xf32> to vector<1x16xf32>
        tpu.vector_store %arg6[%swap3A_726, %swap3A_727], %swap3A_730 {add = true, strides = array<i32>} : memref<1024x64xf32, #tpu.memory_space<vmem>>, vector<1x16xf32>,
        %swap3A_731 = arith.index_cast %squeeze3A_705 : i32 to index
        %swap3A_732 = arith.constant 16 : index
        %swap3A_733 = tpu.vector_load %arg6[%swap3A_731, %swap3A_732] {strides = array<i32>} : memref<1024x64xf32, #tpu.memory_space<vmem>>, vector<1x16xf32>,
        %swap3A_734 = vector.shape_cast %swap3A_733 : vector<1x16xf32> to vector<16xf32>
        %swap3A_735 = vector.shape_cast %get3A_717 : vector<16xf32> to vector<1x16xf32>
        tpu.vector_store %arg6[%swap3A_731, %swap3A_732], %swap3A_735 {add = true, strides = array<i32>} : memref<1024x64xf32, #tpu.memory_space<vmem>>, vector<1x16xf32>,
        %swap3A_736 = arith.index_cast %squeeze3A_705 : i32 to index
        %swap3A_737 = arith.constant 32 : index
        %swap3A_738 = tpu.vector_load %arg6[%swap3A_736, %swap3A_737] {strides = array<i32>} : memref<1024x64xf32, #tpu.memory_space<vmem>>, vector<1x16xf32>,
        %swap3A_739 = vector.shape_cast %swap3A_738 : vector<1x16xf32> to vector<16xf32>
        %swap3A_740 = vector.shape_cast %get3A_721 : vector<16xf32> to vector<1x16xf32>
        tpu.vector_store %arg6[%swap3A_736, %swap3A_737], %swap3A_740 {add = true, strides = array<i32>} : memref<1024x64xf32, #tpu.memory_space<vmem>>, vector<1x16xf32>,
        %swap3A_741 = arith.index_cast %squeeze3A_705 : i32 to index
        %swap3A_742 = arith.constant 48 : index
        %swap3A_743 = tpu.vector_load %arg6[%swap3A_741, %swap3A_742] {strides = array<i32>} : memref<1024x64xf32, #tpu.memory_space<vmem>>, vector<1x16xf32>,
        %swap3A_744 = vector.shape_cast %swap3A_743 : vector<1x16xf32> to vector<16xf32>
        %swap3A_745 = vector.shape_cast %get3A_725 : vector<16xf32> to vector<1x16xf32>
        tpu.vector_store %arg6[%swap3A_741, %swap3A_742], %swap3A_745 {add = true, strides = array<i32>} : memref<1024x64xf32, #tpu.memory_space<vmem>>, vector<1x16xf32>,
        %mul3A_746 = arith.mulf %get3A_713, %get3A_713 : vector<16xf32>
        %mul3A_747 = arith.mulf %get3A_717, %get3A_717 : vector<16xf32>
        %add3A_748 = arith.addf %mul3A_746, %mul3A_747 : vector<16xf32>
        %mul3A_749 = arith.mulf %get3A_721, %get3A_721 : vector<16xf32>
        %mul3A_750 = arith.mulf %get3A_725, %get3A_725 : vector<16xf32>
        %add3A_751 = arith.addf %mul3A_749, %mul3A_750 : vector<16xf32>
        %add3A_752 = arith.addf %add3A_748, %add3A_751 : vector<16xf32>
        %swap3A_753 = arith.index_cast %squeeze3A_705 : i32 to index
        %swap3A_754 = arith.constant 0 : index
        %swap3A_755 = tpu.vector_load %arg7[%swap3A_753, %swap3A_754] {strides = array<i32>} : memref<1024x32xf32, #tpu.memory_space<vmem>>, vector<1x16xf32>,
        %swap3A_756 = vector.shape_cast %swap3A_755 : vector<1x16xf32> to vector<16xf32>
        %swap3A_757 = vector.shape_cast %add3A_752 : vector<16xf32> to vector<1x16xf32>
        tpu.vector_store %arg7[%swap3A_753, %swap3A_754], %swap3A_757 {add = true, strides = array<i32>} : memref<1024x32xf32, #tpu.memory_space<vmem>>, vector<1x16xf32>,
        %swap3A_758 = arith.index_cast %squeeze3A_705 : i32 to index
        %swap3A_759 = arith.constant 16 : index
        %swap3A_760 = tpu.vector_load %arg7[%swap3A_758, %swap3A_759] {strides = array<i32>} : memref<1024x32xf32, #tpu.memory_space<vmem>>, vector<1x16xf32>,
        %swap3A_761 = vector.shape_cast %swap3A_760 : vector<1x16xf32> to vector<16xf32>
        %swap3A_762 = vector.shape_cast %select_n3A : vector<16xf32> to vector<1x16xf32>
        tpu.vector_store %arg7[%swap3A_758, %swap3A_759], %swap3A_762 {add = true, strides = array<i32>} : memref<1024x32xf32, #tpu.memory_space<vmem>>, vector<1x16xf32>,
        %slice3A_763 = vector.extract_strided_slice %get3A_116 {offsets = [11], sizes = [1], strides = [1]} : vector<16xi32> to vector<1xi32>
        %squeeze3A_764 = vector.extract %slice3A_763[0] : i32 from vector<1xi32>
        %mul3A_765 = arith.constant 16 : i32
        %mul3A_766 = arith.muli %scan3A_112, %mul3A_765 : i32
        %add3A_767 = arith.constant 11 : i32
        %add3A_768 = arith.addi %mul3A_766, %add3A_767 : i32
        %get3A_769 = arith.index_cast %add3A_768 : i32 to index
        %get3A_770 = arith.constant 0 : index
        %get3A_771 = tpu.vector_load %arg8[%get3A_769, %get3A_770] {strides = array<i32>} : memref<128x64xf32, #tpu.memory_space<vmem>>, vector<1x16xf32>,
        %get3A_772 = vector.shape_cast %get3A_771 : vector<1x16xf32> to vector<16xf32>
        %get3A_773 = arith.index_cast %add3A_768 : i32 to index
        %get3A_774 = arith.constant 16 : index
        %get3A_775 = tpu.vector_load %arg8[%get3A_773, %get3A_774] {strides = array<i32>} : memref<128x64xf32, #tpu.memory_space<vmem>>, vector<1x16xf32>,
        %get3A_776 = vector.shape_cast %get3A_775 : vector<1x16xf32> to vector<16xf32>
        %get3A_777 = arith.index_cast %add3A_768 : i32 to index
        %get3A_778 = arith.constant 32 : index
        %get3A_779 = tpu.vector_load %arg8[%get3A_777, %get3A_778] {strides = array<i32>} : memref<128x64xf32, #tpu.memory_space<vmem>>, vector<1x16xf32>,
        %get3A_780 = vector.shape_cast %get3A_779 : vector<1x16xf32> to vector<16xf32>
        %get3A_781 = arith.index_cast %add3A_768 : i32 to index
        %get3A_782 = arith.constant 48 : index
        %get3A_783 = tpu.vector_load %arg8[%get3A_781, %get3A_782] {strides = array<i32>} : memref<128x64xf32, #tpu.memory_space<vmem>>, vector<1x16xf32>,
        %get3A_784 = vector.shape_cast %get3A_783 : vector<1x16xf32> to vector<16xf32>
        %swap3A_785 = arith.index_cast %squeeze3A_764 : i32 to index
        %swap3A_786 = arith.constant 0 : index
        %swap3A_787 = tpu.vector_load %arg6[%swap3A_785, %swap3A_786] {strides = array<i32>} : memref<1024x64xf32, #tpu.memory_space<vmem>>, vector<1x16xf32>,
        %swap3A_788 = vector.shape_cast %swap3A_787 : vector<1x16xf32> to vector<16xf32>
        %swap3A_789 = vector.shape_cast %get3A_772 : vector<16xf32> to vector<1x16xf32>
        tpu.vector_store %arg6[%swap3A_785, %swap3A_786], %swap3A_789 {add = true, strides = array<i32>} : memref<1024x64xf32, #tpu.memory_space<vmem>>, vector<1x16xf32>,
        %swap3A_790 = arith.index_cast %squeeze3A_764 : i32 to index
        %swap3A_791 = arith.constant 16 : index
        %swap3A_792 = tpu.vector_load %arg6[%swap3A_790, %swap3A_791] {strides = array<i32>} : memref<1024x64xf32, #tpu.memory_space<vmem>>, vector<1x16xf32>,
        %swap3A_793 = vector.shape_cast %swap3A_792 : vector<1x16xf32> to vector<16xf32>
        %swap3A_794 = vector.shape_cast %get3A_776 : vector<16xf32> to vector<1x16xf32>
        tpu.vector_store %arg6[%swap3A_790, %swap3A_791], %swap3A_794 {add = true, strides = array<i32>} : memref<1024x64xf32, #tpu.memory_space<vmem>>, vector<1x16xf32>,
        %swap3A_795 = arith.index_cast %squeeze3A_764 : i32 to index
        %swap3A_796 = arith.constant 32 : index
        %swap3A_797 = tpu.vector_load %arg6[%swap3A_795, %swap3A_796] {strides = array<i32>} : memref<1024x64xf32, #tpu.memory_space<vmem>>, vector<1x16xf32>,
        %swap3A_798 = vector.shape_cast %swap3A_797 : vector<1x16xf32> to vector<16xf32>
        %swap3A_799 = vector.shape_cast %get3A_780 : vector<16xf32> to vector<1x16xf32>
        tpu.vector_store %arg6[%swap3A_795, %swap3A_796], %swap3A_799 {add = true, strides = array<i32>} : memref<1024x64xf32, #tpu.memory_space<vmem>>, vector<1x16xf32>,
        %swap3A_800 = arith.index_cast %squeeze3A_764 : i32 to index
        %swap3A_801 = arith.constant 48 : index
        %swap3A_802 = tpu.vector_load %arg6[%swap3A_800, %swap3A_801] {strides = array<i32>} : memref<1024x64xf32, #tpu.memory_space<vmem>>, vector<1x16xf32>,
        %swap3A_803 = vector.shape_cast %swap3A_802 : vector<1x16xf32> to vector<16xf32>
        %swap3A_804 = vector.shape_cast %get3A_784 : vector<16xf32> to vector<1x16xf32>
        tpu.vector_store %arg6[%swap3A_800, %swap3A_801], %swap3A_804 {add = true, strides = array<i32>} : memref<1024x64xf32, #tpu.memory_space<vmem>>, vector<1x16xf32>,
        %mul3A_805 = arith.mulf %get3A_772, %get3A_772 : vector<16xf32>
        %mul3A_806 = arith.mulf %get3A_776, %get3A_776 : vector<16xf32>
        %add3A_807 = arith.addf %mul3A_805, %mul3A_806 : vector<16xf32>
        %mul3A_808 = arith.mulf %get3A_780, %get3A_780 : vector<16xf32>
        %mul3A_809 = arith.mulf %get3A_784, %get3A_784 : vector<16xf32>
        %add3A_810 = arith.addf %mul3A_808, %mul3A_809 : vector<16xf32>
        %add3A_811 = arith.addf %add3A_807, %add3A_810 : vector<16xf32>
        %swap3A_812 = arith.index_cast %squeeze3A_764 : i32 to index
        %swap3A_813 = arith.constant 0 : index
        %swap3A_814 = tpu.vector_load %arg7[%swap3A_812, %swap3A_813] {strides = array<i32>} : memref<1024x32xf32, #tpu.memory_space<vmem>>, vector<1x16xf32>,
        %swap3A_815 = vector.shape_cast %swap3A_814 : vector<1x16xf32> to vector<16xf32>
        %swap3A_816 = vector.shape_cast %add3A_811 : vector<16xf32> to vector<1x16xf32>
        tpu.vector_store %arg7[%swap3A_812, %swap3A_813], %swap3A_816 {add = true, strides = array<i32>} : memref<1024x32xf32, #tpu.memory_space<vmem>>, vector<1x16xf32>,
        %swap3A_817 = arith.index_cast %squeeze3A_764 : i32 to index
        %swap3A_818 = arith.constant 16 : index
        %swap3A_819 = tpu.vector_load %arg7[%swap3A_817, %swap3A_818] {strides = array<i32>} : memref<1024x32xf32, #tpu.memory_space<vmem>>, vector<1x16xf32>,
        %swap3A_820 = vector.shape_cast %swap3A_819 : vector<1x16xf32> to vector<16xf32>
        %swap3A_821 = vector.shape_cast %select_n3A : vector<16xf32> to vector<1x16xf32>
        tpu.vector_store %arg7[%swap3A_817, %swap3A_818], %swap3A_821 {add = true, strides = array<i32>} : memref<1024x32xf32, #tpu.memory_space<vmem>>, vector<1x16xf32>,
        %slice3A_822 = vector.extract_strided_slice %get3A_116 {offsets = [12], sizes = [1], strides = [1]} : vector<16xi32> to vector<1xi32>
        %squeeze3A_823 = vector.extract %slice3A_822[0] : i32 from vector<1xi32>
        %mul3A_824 = arith.constant 16 : i32
        %mul3A_825 = arith.muli %scan3A_112, %mul3A_824 : i32
        %add3A_826 = arith.constant 12 : i32
        %add3A_827 = arith.addi %mul3A_825, %add3A_826 : i32
        %get3A_828 = arith.index_cast %add3A_827 : i32 to index
        %get3A_829 = arith.constant 0 : index
        %get3A_830 = tpu.vector_load %arg8[%get3A_828, %get3A_829] {strides = array<i32>} : memref<128x64xf32, #tpu.memory_space<vmem>>, vector<1x16xf32>,
        %get3A_831 = vector.shape_cast %get3A_830 : vector<1x16xf32> to vector<16xf32>
        %get3A_832 = arith.index_cast %add3A_827 : i32 to index
        %get3A_833 = arith.constant 16 : index
        %get3A_834 = tpu.vector_load %arg8[%get3A_832, %get3A_833] {strides = array<i32>} : memref<128x64xf32, #tpu.memory_space<vmem>>, vector<1x16xf32>,
        %get3A_835 = vector.shape_cast %get3A_834 : vector<1x16xf32> to vector<16xf32>
        %get3A_836 = arith.index_cast %add3A_827 : i32 to index
        %get3A_837 = arith.constant 32 : index
        %get3A_838 = tpu.vector_load %arg8[%get3A_836, %get3A_837] {strides = array<i32>} : memref<128x64xf32, #tpu.memory_space<vmem>>, vector<1x16xf32>,
        %get3A_839 = vector.shape_cast %get3A_838 : vector<1x16xf32> to vector<16xf32>
        %get3A_840 = arith.index_cast %add3A_827 : i32 to index
        %get3A_841 = arith.constant 48 : index
        %get3A_842 = tpu.vector_load %arg8[%get3A_840, %get3A_841] {strides = array<i32>} : memref<128x64xf32, #tpu.memory_space<vmem>>, vector<1x16xf32>,
        %get3A_843 = vector.shape_cast %get3A_842 : vector<1x16xf32> to vector<16xf32>
        %swap3A_844 = arith.index_cast %squeeze3A_823 : i32 to index
        %swap3A_845 = arith.constant 0 : index
        %swap3A_846 = tpu.vector_load %arg6[%swap3A_844, %swap3A_845] {strides = array<i32>} : memref<1024x64xf32, #tpu.memory_space<vmem>>, vector<1x16xf32>,
        %swap3A_847 = vector.shape_cast %swap3A_846 : vector<1x16xf32> to vector<16xf32>
        %swap3A_848 = vector.shape_cast %get3A_831 : vector<16xf32> to vector<1x16xf32>
        tpu.vector_store %arg6[%swap3A_844, %swap3A_845], %swap3A_848 {add = true, strides = array<i32>} : memref<1024x64xf32, #tpu.memory_space<vmem>>, vector<1x16xf32>,
        %swap3A_849 = arith.index_cast %squeeze3A_823 : i32 to index
        %swap3A_850 = arith.constant 16 : index
        %swap3A_851 = tpu.vector_load %arg6[%swap3A_849, %swap3A_850] {strides = array<i32>} : memref<1024x64xf32, #tpu.memory_space<vmem>>, vector<1x16xf32>,
        %swap3A_852 = vector.shape_cast %swap3A_851 : vector<1x16xf32> to vector<16xf32>
        %swap3A_853 = vector.shape_cast %get3A_835 : vector<16xf32> to vector<1x16xf32>
        tpu.vector_store %arg6[%swap3A_849, %swap3A_850], %swap3A_853 {add = true, strides = array<i32>} : memref<1024x64xf32, #tpu.memory_space<vmem>>, vector<1x16xf32>,
        %swap3A_854 = arith.index_cast %squeeze3A_823 : i32 to index
        %swap3A_855 = arith.constant 32 : index
        %swap3A_856 = tpu.vector_load %arg6[%swap3A_854, %swap3A_855] {strides = array<i32>} : memref<1024x64xf32, #tpu.memory_space<vmem>>, vector<1x16xf32>,
        %swap3A_857 = vector.shape_cast %swap3A_856 : vector<1x16xf32> to vector<16xf32>
        %swap3A_858 = vector.shape_cast %get3A_839 : vector<16xf32> to vector<1x16xf32>
        tpu.vector_store %arg6[%swap3A_854, %swap3A_855], %swap3A_858 {add = true, strides = array<i32>} : memref<1024x64xf32, #tpu.memory_space<vmem>>, vector<1x16xf32>,
        %swap3A_859 = arith.index_cast %squeeze3A_823 : i32 to index
        %swap3A_860 = arith.constant 48 : index
        %swap3A_861 = tpu.vector_load %arg6[%swap3A_859, %swap3A_860] {strides = array<i32>} : memref<1024x64xf32, #tpu.memory_space<vmem>>, vector<1x16xf32>,
        %swap3A_862 = vector.shape_cast %swap3A_861 : vector<1x16xf32> to vector<16xf32>
        %swap3A_863 = vector.shape_cast %get3A_843 : vector<16xf32> to vector<1x16xf32>
        tpu.vector_store %arg6[%swap3A_859, %swap3A_860], %swap3A_863 {add = true, strides = array<i32>} : memref<1024x64xf32, #tpu.memory_space<vmem>>, vector<1x16xf32>,
        %mul3A_864 = arith.mulf %get3A_831, %get3A_831 : vector<16xf32>
        %mul3A_865 = arith.mulf %get3A_835, %get3A_835 : vector<16xf32>
        %add3A_866 = arith.addf %mul3A_864, %mul3A_865 : vector<16xf32>
        %mul3A_867 = arith.mulf %get3A_839, %get3A_839 : vector<16xf32>
        %mul3A_868 = arith.mulf %get3A_843, %get3A_843 : vector<16xf32>
        %add3A_869 = arith.addf %mul3A_867, %mul3A_868 : vector<16xf32>
        %add3A_870 = arith.addf %add3A_866, %add3A_869 : vector<16xf32>
        %swap3A_871 = arith.index_cast %squeeze3A_823 : i32 to index
        %swap3A_872 = arith.constant 0 : index
        %swap3A_873 = tpu.vector_load %arg7[%swap3A_871, %swap3A_872] {strides = array<i32>} : memref<1024x32xf32, #tpu.memory_space<vmem>>, vector<1x16xf32>,
        %swap3A_874 = vector.shape_cast %swap3A_873 : vector<1x16xf32> to vector<16xf32>
        %swap3A_875 = vector.shape_cast %add3A_870 : vector<16xf32> to vector<1x16xf32>
        tpu.vector_store %arg7[%swap3A_871, %swap3A_872], %swap3A_875 {add = true, strides = array<i32>} : memref<1024x32xf32, #tpu.memory_space<vmem>>, vector<1x16xf32>,
        %swap3A_876 = arith.index_cast %squeeze3A_823 : i32 to index
        %swap3A_877 = arith.constant 16 : index
        %swap3A_878 = tpu.vector_load %arg7[%swap3A_876, %swap3A_877] {strides = array<i32>} : memref<1024x32xf32, #tpu.memory_space<vmem>>, vector<1x16xf32>,
        %swap3A_879 = vector.shape_cast %swap3A_878 : vector<1x16xf32> to vector<16xf32>
        %swap3A_880 = vector.shape_cast %select_n3A : vector<16xf32> to vector<1x16xf32>
        tpu.vector_store %arg7[%swap3A_876, %swap3A_877], %swap3A_880 {add = true, strides = array<i32>} : memref<1024x32xf32, #tpu.memory_space<vmem>>, vector<1x16xf32>,
        %slice3A_881 = vector.extract_strided_slice %get3A_116 {offsets = [13], sizes = [1], strides = [1]} : vector<16xi32> to vector<1xi32>
        %squeeze3A_882 = vector.extract %slice3A_881[0] : i32 from vector<1xi32>
        %mul3A_883 = arith.constant 16 : i32
        %mul3A_884 = arith.muli %scan3A_112, %mul3A_883 : i32
        %add3A_885 = arith.constant 13 : i32
        %add3A_886 = arith.addi %mul3A_884, %add3A_885 : i32
        %get3A_887 = arith.index_cast %add3A_886 : i32 to index
        %get3A_888 = arith.constant 0 : index
        %get3A_889 = tpu.vector_load %arg8[%get3A_887, %get3A_888] {strides = array<i32>} : memref<128x64xf32, #tpu.memory_space<vmem>>, vector<1x16xf32>,
        %get3A_890 = vector.shape_cast %get3A_889 : vector<1x16xf32> to vector<16xf32>
        %get3A_891 = arith.index_cast %add3A_886 : i32 to index
        %get3A_892 = arith.constant 16 : index
        %get3A_893 = tpu.vector_load %arg8[%get3A_891, %get3A_892] {strides = array<i32>} : memref<128x64xf32, #tpu.memory_space<vmem>>, vector<1x16xf32>,
        %get3A_894 = vector.shape_cast %get3A_893 : vector<1x16xf32> to vector<16xf32>
        %get3A_895 = arith.index_cast %add3A_886 : i32 to index
        %get3A_896 = arith.constant 32 : index
        %get3A_897 = tpu.vector_load %arg8[%get3A_895, %get3A_896] {strides = array<i32>} : memref<128x64xf32, #tpu.memory_space<vmem>>, vector<1x16xf32>,
        %get3A_898 = vector.shape_cast %get3A_897 : vector<1x16xf32> to vector<16xf32>
        %get3A_899 = arith.index_cast %add3A_886 : i32 to index
        %get3A_900 = arith.constant 48 : index
        %get3A_901 = tpu.vector_load %arg8[%get3A_899, %get3A_900] {strides = array<i32>} : memref<128x64xf32, #tpu.memory_space<vmem>>, vector<1x16xf32>,
        %get3A_902 = vector.shape_cast %get3A_901 : vector<1x16xf32> to vector<16xf32>
        %swap3A_903 = arith.index_cast %squeeze3A_882 : i32 to index
        %swap3A_904 = arith.constant 0 : index
        %swap3A_905 = tpu.vector_load %arg6[%swap3A_903, %swap3A_904] {strides = array<i32>} : memref<1024x64xf32, #tpu.memory_space<vmem>>, vector<1x16xf32>,
        %swap3A_906 = vector.shape_cast %swap3A_905 : vector<1x16xf32> to vector<16xf32>
        %swap3A_907 = vector.shape_cast %get3A_890 : vector<16xf32> to vector<1x16xf32>
        tpu.vector_store %arg6[%swap3A_903, %swap3A_904], %swap3A_907 {add = true, strides = array<i32>} : memref<1024x64xf32, #tpu.memory_space<vmem>>, vector<1x16xf32>,
        %swap3A_908 = arith.index_cast %squeeze3A_882 : i32 to index
        %swap3A_909 = arith.constant 16 : index
        %swap3A_910 = tpu.vector_load %arg6[%swap3A_908, %swap3A_909] {strides = array<i32>} : memref<1024x64xf32, #tpu.memory_space<vmem>>, vector<1x16xf32>,
        %swap3A_911 = vector.shape_cast %swap3A_910 : vector<1x16xf32> to vector<16xf32>
        %swap3A_912 = vector.shape_cast %get3A_894 : vector<16xf32> to vector<1x16xf32>
        tpu.vector_store %arg6[%swap3A_908, %swap3A_909], %swap3A_912 {add = true, strides = array<i32>} : memref<1024x64xf32, #tpu.memory_space<vmem>>, vector<1x16xf32>,
        %swap3A_913 = arith.index_cast %squeeze3A_882 : i32 to index
        %swap3A_914 = arith.constant 32 : index
        %swap3A_915 = tpu.vector_load %arg6[%swap3A_913, %swap3A_914] {strides = array<i32>} : memref<1024x64xf32, #tpu.memory_space<vmem>>, vector<1x16xf32>,
        %swap3A_916 = vector.shape_cast %swap3A_915 : vector<1x16xf32> to vector<16xf32>
        %swap3A_917 = vector.shape_cast %get3A_898 : vector<16xf32> to vector<1x16xf32>
        tpu.vector_store %arg6[%swap3A_913, %swap3A_914], %swap3A_917 {add = true, strides = array<i32>} : memref<1024x64xf32, #tpu.memory_space<vmem>>, vector<1x16xf32>,
        %swap3A_918 = arith.index_cast %squeeze3A_882 : i32 to index
        %swap3A_919 = arith.constant 48 : index
        %swap3A_920 = tpu.vector_load %arg6[%swap3A_918, %swap3A_919] {strides = array<i32>} : memref<1024x64xf32, #tpu.memory_space<vmem>>, vector<1x16xf32>,
        %swap3A_921 = vector.shape_cast %swap3A_920 : vector<1x16xf32> to vector<16xf32>
        %swap3A_922 = vector.shape_cast %get3A_902 : vector<16xf32> to vector<1x16xf32>
        tpu.vector_store %arg6[%swap3A_918, %swap3A_919], %swap3A_922 {add = true, strides = array<i32>} : memref<1024x64xf32, #tpu.memory_space<vmem>>, vector<1x16xf32>,
        %mul3A_923 = arith.mulf %get3A_890, %get3A_890 : vector<16xf32>
        %mul3A_924 = arith.mulf %get3A_894, %get3A_894 : vector<16xf32>
        %add3A_925 = arith.addf %mul3A_923, %mul3A_924 : vector<16xf32>
        %mul3A_926 = arith.mulf %get3A_898, %get3A_898 : vector<16xf32>
        %mul3A_927 = arith.mulf %get3A_902, %get3A_902 : vector<16xf32>
        %add3A_928 = arith.addf %mul3A_926, %mul3A_927 : vector<16xf32>
        %add3A_929 = arith.addf %add3A_925, %add3A_928 : vector<16xf32>
        %swap3A_930 = arith.index_cast %squeeze3A_882 : i32 to index
        %swap3A_931 = arith.constant 0 : index
        %swap3A_932 = tpu.vector_load %arg7[%swap3A_930, %swap3A_931] {strides = array<i32>} : memref<1024x32xf32, #tpu.memory_space<vmem>>, vector<1x16xf32>,
        %swap3A_933 = vector.shape_cast %swap3A_932 : vector<1x16xf32> to vector<16xf32>
        %swap3A_934 = vector.shape_cast %add3A_929 : vector<16xf32> to vector<1x16xf32>
        tpu.vector_store %arg7[%swap3A_930, %swap3A_931], %swap3A_934 {add = true, strides = array<i32>} : memref<1024x32xf32, #tpu.memory_space<vmem>>, vector<1x16xf32>,
        %swap3A_935 = arith.index_cast %squeeze3A_882 : i32 to index
        %swap3A_936 = arith.constant 16 : index
        %swap3A_937 = tpu.vector_load %arg7[%swap3A_935, %swap3A_936] {strides = array<i32>} : memref<1024x32xf32, #tpu.memory_space<vmem>>, vector<1x16xf32>,
        %swap3A_938 = vector.shape_cast %swap3A_937 : vector<1x16xf32> to vector<16xf32>
        %swap3A_939 = vector.shape_cast %select_n3A : vector<16xf32> to vector<1x16xf32>
        tpu.vector_store %arg7[%swap3A_935, %swap3A_936], %swap3A_939 {add = true, strides = array<i32>} : memref<1024x32xf32, #tpu.memory_space<vmem>>, vector<1x16xf32>,
        %slice3A_940 = vector.extract_strided_slice %get3A_116 {offsets = [14], sizes = [1], strides = [1]} : vector<16xi32> to vector<1xi32>
        %squeeze3A_941 = vector.extract %slice3A_940[0] : i32 from vector<1xi32>
        %mul3A_942 = arith.constant 16 : i32
        %mul3A_943 = arith.muli %scan3A_112, %mul3A_942 : i32
        %add3A_944 = arith.constant 14 : i32
        %add3A_945 = arith.addi %mul3A_943, %add3A_944 : i32
        %get3A_946 = arith.index_cast %add3A_945 : i32 to index
        %get3A_947 = arith.constant 0 : index
        %get3A_948 = tpu.vector_load %arg8[%get3A_946, %get3A_947] {strides = array<i32>} : memref<128x64xf32, #tpu.memory_space<vmem>>, vector<1x16xf32>,
        %get3A_949 = vector.shape_cast %get3A_948 : vector<1x16xf32> to vector<16xf32>
        %get3A_950 = arith.index_cast %add3A_945 : i32 to index
        %get3A_951 = arith.constant 16 : index
        %get3A_952 = tpu.vector_load %arg8[%get3A_950, %get3A_951] {strides = array<i32>} : memref<128x64xf32, #tpu.memory_space<vmem>>, vector<1x16xf32>,
        %get3A_953 = vector.shape_cast %get3A_952 : vector<1x16xf32> to vector<16xf32>
        %get3A_954 = arith.index_cast %add3A_945 : i32 to index
        %get3A_955 = arith.constant 32 : index
        %get3A_956 = tpu.vector_load %arg8[%get3A_954, %get3A_955] {strides = array<i32>} : memref<128x64xf32, #tpu.memory_space<vmem>>, vector<1x16xf32>,
        %get3A_957 = vector.shape_cast %get3A_956 : vector<1x16xf32> to vector<16xf32>
        %get3A_958 = arith.index_cast %add3A_945 : i32 to index
        %get3A_959 = arith.constant 48 : index
        %get3A_960 = tpu.vector_load %arg8[%get3A_958, %get3A_959] {strides = array<i32>} : memref<128x64xf32, #tpu.memory_space<vmem>>, vector<1x16xf32>,
        %get3A_961 = vector.shape_cast %get3A_960 : vector<1x16xf32> to vector<16xf32>
        %swap3A_962 = arith.index_cast %squeeze3A_941 : i32 to index
        %swap3A_963 = arith.constant 0 : index
        %swap3A_964 = tpu.vector_load %arg6[%swap3A_962, %swap3A_963] {strides = array<i32>} : memref<1024x64xf32, #tpu.memory_space<vmem>>, vector<1x16xf32>,
        %swap3A_965 = vector.shape_cast %swap3A_964 : vector<1x16xf32> to vector<16xf32>
        %swap3A_966 = vector.shape_cast %get3A_949 : vector<16xf32> to vector<1x16xf32>
        tpu.vector_store %arg6[%swap3A_962, %swap3A_963], %swap3A_966 {add = true, strides = array<i32>} : memref<1024x64xf32, #tpu.memory_space<vmem>>, vector<1x16xf32>,
        %swap3A_967 = arith.index_cast %squeeze3A_941 : i32 to index
        %swap3A_968 = arith.constant 16 : index
        %swap3A_969 = tpu.vector_load %arg6[%swap3A_967, %swap3A_968] {strides = array<i32>} : memref<1024x64xf32, #tpu.memory_space<vmem>>, vector<1x16xf32>,
        %swap3A_970 = vector.shape_cast %swap3A_969 : vector<1x16xf32> to vector<16xf32>
        %swap3A_971 = vector.shape_cast %get3A_953 : vector<16xf32> to vector<1x16xf32>
        tpu.vector_store %arg6[%swap3A_967, %swap3A_968], %swap3A_971 {add = true, strides = array<i32>} : memref<1024x64xf32, #tpu.memory_space<vmem>>, vector<1x16xf32>,
        %swap3A_972 = arith.index_cast %squeeze3A_941 : i32 to index
        %swap3A_973 = arith.constant 32 : index
        %swap3A_974 = tpu.vector_load %arg6[%swap3A_972, %swap3A_973] {strides = array<i32>} : memref<1024x64xf32, #tpu.memory_space<vmem>>, vector<1x16xf32>,
        %swap3A_975 = vector.shape_cast %swap3A_974 : vector<1x16xf32> to vector<16xf32>
        %swap3A_976 = vector.shape_cast %get3A_957 : vector<16xf32> to vector<1x16xf32>
        tpu.vector_store %arg6[%swap3A_972, %swap3A_973], %swap3A_976 {add = true, strides = array<i32>} : memref<1024x64xf32, #tpu.memory_space<vmem>>, vector<1x16xf32>,
        %swap3A_977 = arith.index_cast %squeeze3A_941 : i32 to index
        %swap3A_978 = arith.constant 48 : index
        %swap3A_979 = tpu.vector_load %arg6[%swap3A_977, %swap3A_978] {strides = array<i32>} : memref<1024x64xf32, #tpu.memory_space<vmem>>, vector<1x16xf32>,
        %swap3A_980 = vector.shape_cast %swap3A_979 : vector<1x16xf32> to vector<16xf32>
        %swap3A_981 = vector.shape_cast %get3A_961 : vector<16xf32> to vector<1x16xf32>
        tpu.vector_store %arg6[%swap3A_977, %swap3A_978], %swap3A_981 {add = true, strides = array<i32>} : memref<1024x64xf32, #tpu.memory_space<vmem>>, vector<1x16xf32>,
        %mul3A_982 = arith.mulf %get3A_949, %get3A_949 : vector<16xf32>
        %mul3A_983 = arith.mulf %get3A_953, %get3A_953 : vector<16xf32>
        %add3A_984 = arith.addf %mul3A_982, %mul3A_983 : vector<16xf32>
        %mul3A_985 = arith.mulf %get3A_957, %get3A_957 : vector<16xf32>
        %mul3A_986 = arith.mulf %get3A_961, %get3A_961 : vector<16xf32>
        %add3A_987 = arith.addf %mul3A_985, %mul3A_986 : vector<16xf32>
        %add3A_988 = arith.addf %add3A_984, %add3A_987 : vector<16xf32>
        %swap3A_989 = arith.index_cast %squeeze3A_941 : i32 to index
        %swap3A_990 = arith.constant 0 : index
        %swap3A_991 = tpu.vector_load %arg7[%swap3A_989, %swap3A_990] {strides = array<i32>} : memref<1024x32xf32, #tpu.memory_space<vmem>>, vector<1x16xf32>,
        %swap3A_992 = vector.shape_cast %swap3A_991 : vector<1x16xf32> to vector<16xf32>
        %swap3A_993 = vector.shape_cast %add3A_988 : vector<16xf32> to vector<1x16xf32>
        tpu.vector_store %arg7[%swap3A_989, %swap3A_990], %swap3A_993 {add = true, strides = array<i32>} : memref<1024x32xf32, #tpu.memory_space<vmem>>, vector<1x16xf32>,
        %swap3A_994 = arith.index_cast %squeeze3A_941 : i32 to index
        %swap3A_995 = arith.constant 16 : index
        %swap3A_996 = tpu.vector_load %arg7[%swap3A_994, %swap3A_995] {strides = array<i32>} : memref<1024x32xf32, #tpu.memory_space<vmem>>, vector<1x16xf32>,
        %swap3A_997 = vector.shape_cast %swap3A_996 : vector<1x16xf32> to vector<16xf32>
        %swap3A_998 = vector.shape_cast %select_n3A : vector<16xf32> to vector<1x16xf32>
        tpu.vector_store %arg7[%swap3A_994, %swap3A_995], %swap3A_998 {add = true, strides = array<i32>} : memref<1024x32xf32, #tpu.memory_space<vmem>>, vector<1x16xf32>,
        %slice3A_999 = vector.extract_strided_slice %get3A_116 {offsets = [15], sizes = [1], strides = [1]} : vector<16xi32> to vector<1xi32>
        %squeeze3A_1000 = vector.extract %slice3A_999[0] : i32 from vector<1xi32>
        %mul3A_1001 = arith.constant 16 : i32
        %mul3A_1002 = arith.muli %scan3A_112, %mul3A_1001 : i32
        %add3A_1003 = arith.constant 15 : i32
        %add3A_1004 = arith.addi %mul3A_1002, %add3A_1003 : i32
        %get3A_1005 = arith.index_cast %add3A_1004 : i32 to index
        %get3A_1006 = arith.constant 0 : index
        %get3A_1007 = tpu.vector_load %arg8[%get3A_1005, %get3A_1006] {strides = array<i32>} : memref<128x64xf32, #tpu.memory_space<vmem>>, vector<1x16xf32>,
        %get3A_1008 = vector.shape_cast %get3A_1007 : vector<1x16xf32> to vector<16xf32>
        %get3A_1009 = arith.index_cast %add3A_1004 : i32 to index
        %get3A_1010 = arith.constant 16 : index
        %get3A_1011 = tpu.vector_load %arg8[%get3A_1009, %get3A_1010] {strides = array<i32>} : memref<128x64xf32, #tpu.memory_space<vmem>>, vector<1x16xf32>,
        %get3A_1012 = vector.shape_cast %get3A_1011 : vector<1x16xf32> to vector<16xf32>
        %get3A_1013 = arith.index_cast %add3A_1004 : i32 to index
        %get3A_1014 = arith.constant 32 : index
        %get3A_1015 = tpu.vector_load %arg8[%get3A_1013, %get3A_1014] {strides = array<i32>} : memref<128x64xf32, #tpu.memory_space<vmem>>, vector<1x16xf32>,
        %get3A_1016 = vector.shape_cast %get3A_1015 : vector<1x16xf32> to vector<16xf32>
        %get3A_1017 = arith.index_cast %add3A_1004 : i32 to index
        %get3A_1018 = arith.constant 48 : index
        %get3A_1019 = tpu.vector_load %arg8[%get3A_1017, %get3A_1018] {strides = array<i32>} : memref<128x64xf32, #tpu.memory_space<vmem>>, vector<1x16xf32>,
        %get3A_1020 = vector.shape_cast %get3A_1019 : vector<1x16xf32> to vector<16xf32>
        %swap3A_1021 = arith.index_cast %squeeze3A_1000 : i32 to index
        %swap3A_1022 = arith.constant 0 : index
        %swap3A_1023 = tpu.vector_load %arg6[%swap3A_1021, %swap3A_1022] {strides = array<i32>} : memref<1024x64xf32, #tpu.memory_space<vmem>>, vector<1x16xf32>,
        %swap3A_1024 = vector.shape_cast %swap3A_1023 : vector<1x16xf32> to vector<16xf32>
        %swap3A_1025 = vector.shape_cast %get3A_1008 : vector<16xf32> to vector<1x16xf32>
        tpu.vector_store %arg6[%swap3A_1021, %swap3A_1022], %swap3A_1025 {add = true, strides = array<i32>} : memref<1024x64xf32, #tpu.memory_space<vmem>>, vector<1x16xf32>,
        %swap3A_1026 = arith.index_cast %squeeze3A_1000 : i32 to index
        %swap3A_1027 = arith.constant 16 : index
        %swap3A_1028 = tpu.vector_load %arg6[%swap3A_1026, %swap3A_1027] {strides = array<i32>} : memref<1024x64xf32, #tpu.memory_space<vmem>>, vector<1x16xf32>,
        %swap3A_1029 = vector.shape_cast %swap3A_1028 : vector<1x16xf32> to vector<16xf32>
        %swap3A_1030 = vector.shape_cast %get3A_1012 : vector<16xf32> to vector<1x16xf32>
        tpu.vector_store %arg6[%swap3A_1026, %swap3A_1027], %swap3A_1030 {add = true, strides = array<i32>} : memref<1024x64xf32, #tpu.memory_space<vmem>>, vector<1x16xf32>,
        %swap3A_1031 = arith.index_cast %squeeze3A_1000 : i32 to index
        %swap3A_1032 = arith.constant 32 : index
        %swap3A_1033 = tpu.vector_load %arg6[%swap3A_1031, %swap3A_1032] {strides = array<i32>} : memref<1024x64xf32, #tpu.memory_space<vmem>>, vector<1x16xf32>,
        %swap3A_1034 = vector.shape_cast %swap3A_1033 : vector<1x16xf32> to vector<16xf32>
        %swap3A_1035 = vector.shape_cast %get3A_1016 : vector<16xf32> to vector<1x16xf32>
        tpu.vector_store %arg6[%swap3A_1031, %swap3A_1032], %swap3A_1035 {add = true, strides = array<i32>} : memref<1024x64xf32, #tpu.memory_space<vmem>>, vector<1x16xf32>,
        %swap3A_1036 = arith.index_cast %squeeze3A_1000 : i32 to index
        %swap3A_1037 = arith.constant 48 : index
        %swap3A_1038 = tpu.vector_load %arg6[%swap3A_1036, %swap3A_1037] {strides = array<i32>} : memref<1024x64xf32, #tpu.memory_space<vmem>>, vector<1x16xf32>,
        %swap3A_1039 = vector.shape_cast %swap3A_1038 : vector<1x16xf32> to vector<16xf32>
        %swap3A_1040 = vector.shape_cast %get3A_1020 : vector<16xf32> to vector<1x16xf32>
        tpu.vector_store %arg6[%swap3A_1036, %swap3A_1037], %swap3A_1040 {add = true, strides = array<i32>} : memref<1024x64xf32, #tpu.memory_space<vmem>>, vector<1x16xf32>,
        %mul3A_1041 = arith.mulf %get3A_1008, %get3A_1008 : vector<16xf32>
        %mul3A_1042 = arith.mulf %get3A_1012, %get3A_1012 : vector<16xf32>
        %add3A_1043 = arith.addf %mul3A_1041, %mul3A_1042 : vector<16xf32>
        %mul3A_1044 = arith.mulf %get3A_1016, %get3A_1016 : vector<16xf32>
        %mul3A_1045 = arith.mulf %get3A_1020, %get3A_1020 : vector<16xf32>
        %add3A_1046 = arith.addf %mul3A_1044, %mul3A_1045 : vector<16xf32>
        %add3A_1047 = arith.addf %add3A_1043, %add3A_1046 : vector<16xf32>
        %swap3A_1048 = arith.index_cast %squeeze3A_1000 : i32 to index
        %swap3A_1049 = arith.constant 0 : index
        %swap3A_1050 = tpu.vector_load %arg7[%swap3A_1048, %swap3A_1049] {strides = array<i32>} : memref<1024x32xf32, #tpu.memory_space<vmem>>, vector<1x16xf32>,
        %swap3A_1051 = vector.shape_cast %swap3A_1050 : vector<1x16xf32> to vector<16xf32>
        %swap3A_1052 = vector.shape_cast %add3A_1047 : vector<16xf32> to vector<1x16xf32>
        tpu.vector_store %arg7[%swap3A_1048, %swap3A_1049], %swap3A_1052 {add = true, strides = array<i32>} : memref<1024x32xf32, #tpu.memory_space<vmem>>, vector<1x16xf32>,
        %swap3A_1053 = arith.index_cast %squeeze3A_1000 : i32 to index
        %swap3A_1054 = arith.constant 16 : index
        %swap3A_1055 = tpu.vector_load %arg7[%swap3A_1053, %swap3A_1054] {strides = array<i32>} : memref<1024x32xf32, #tpu.memory_space<vmem>>, vector<1x16xf32>,
        %swap3A_1056 = vector.shape_cast %swap3A_1055 : vector<1x16xf32> to vector<16xf32>
        %swap3A_1057 = vector.shape_cast %select_n3A : vector<16xf32> to vector<1x16xf32>
        tpu.vector_store %arg7[%swap3A_1053, %swap3A_1054], %swap3A_1057 {add = true, strides = array<i32>} : memref<1024x32xf32, #tpu.memory_space<vmem>>, vector<1x16xf32>,
      }
      %scan3A_51 = arith.constant 8 : i32
      %add3A_52 = arith.constant 2 : i32
      %add3A_53 = arith.addi %add3A_41, %add3A_52 : i32
      %jit3A_54 = arith.constant 16 : i32
      %eq3A_55 = arith.constant 0 : i32
      %eq3A_56 = arith.cmpi eq, %jit3A_54, %eq3A_55 : i32
      %jit3A_57 = arith.constant 1 : i32
      %select_n3A_58 = arith.select %eq3A_56, %jit3A_57, %jit3A_54 : i32
      %rem3A = arith.remsi %add3A_53, %select_n3A_58 : i32
      %ne3A = arith.constant 0 : i32
      %ne3A_59 = arith.cmpi ne, %rem3A, %ne3A : i32
      %lt3A = arith.constant 0 : i32
      %lt3A_60 = arith.cmpi slt, %rem3A, %lt3A : i32
      %lt3A_61 = arith.constant 0 : i32
      %lt3A_62 = arith.cmpi slt, %select_n3A_58, %lt3A_61 : i32
      %ne3A_63 = arith.xori %lt3A_60, %lt3A_62 : i1
      %and3A = arith.andi %ne3A_63, %ne3A_59 : i1
      %add3A_64 = arith.addi %rem3A, %select_n3A_58 : i32
      %select_n3A_65 = arith.select %and3A, %add3A_64, %rem3A : i32
      %mul3A_66 = arith.constant 128 : i32
      %mul3A_67 = arith.muli %select_n3A_65, %mul3A_66 : i32
      %add3A_68 = arith.addi %mul3A_0, %mul3A_67 : i32
      %dma_start3A_69 = tpu.memref_slice %arg2[%add3A_68, %mul3A_2] : memref<4096x1024xf32, #tpu.memory_space<hbm>> -> memref<128x64xf32, #tpu.memory_space<hbm>>
      %dma_start3A_70 = tpu.memref_slice %arg2[%add3A_68, %mul3A_2] : memref<4096x1024xf32, #tpu.memory_space<hbm>> -> memref<128x64xf32, #tpu.memory_space<hbm>>
      tpu.enqueue_dma source(%dma_start3A_70 : memref<128x64xf32, #tpu.memory_space<hbm>>) target(%arg8 : memref<128x64xf32, #tpu.memory_space<vmem>>) target_semaphore(%arg12 : memref<!tpu.dma_semaphore, #tpu.memory_space<semaphore_mem>>)
      %dma_start3A_71 = tpu.memref_slice %arg3[%add3A_68] : memref<4096xi32, #tpu.memory_space<hbm>> -> memref<128xi32, #tpu.memory_space<hbm>>
      %dma_start3A_72 = tpu.memref_slice %arg3[%add3A_68] : memref<4096xi32, #tpu.memory_space<hbm>> -> memref<128xi32, #tpu.memory_space<hbm>>
      tpu.enqueue_dma source(%dma_start3A_72 : memref<128xi32, #tpu.memory_space<hbm>>) target(%arg10 : memref<128xi32, #tpu.memory_space<vmem>>) target_semaphore(%arg12 : memref<!tpu.dma_semaphore, #tpu.memory_space<semaphore_mem>>)
      %mul3A_73 = arith.constant 2 : i32
      %mul3A_74 = arith.muli %mul3A_73, %scan3A_37 : i32
      %add3A_75 = arith.constant 1 : i32
      %add3A_76 = arith.addi %mul3A_74, %add3A_75 : i32
      %dma_wait3A_77 = tpu.memref_slice %arg2[%mul3A_0, %mul3A_2] : memref<4096x1024xf32, #tpu.memory_space<hbm>> -> memref<128x64xf32, #tpu.memory_space<hbm>>
      %dma_wait3A_78 = tpu.memref_slice %arg2[%mul3A_0, %mul3A_2] : memref<4096x1024xf32, #tpu.memory_space<hbm>> -> memref<128x64xf32, #tpu.memory_space<hbm>>
      tpu.wait_dma2 semaphore(%arg13 : memref<!tpu.dma_semaphore, #tpu.memory_space<semaphore_mem>>) src(%dma_wait3A_78 : memref<128x64xf32, #tpu.memory_space<hbm>>) dst(%arg9 : memref<128x64xf32, #tpu.memory_space<vmem>>)
      %dma_wait3A_79 = tpu.memref_slice %arg3[%mul3A_0] : memref<4096xi32, #tpu.memory_space<hbm>> -> memref<128xi32, #tpu.memory_space<hbm>>
      %dma_wait3A_80 = tpu.memref_slice %arg3[%mul3A_0] : memref<4096xi32, #tpu.memory_space<hbm>> -> memref<128xi32, #tpu.memory_space<hbm>>
      tpu.wait_dma2 semaphore(%arg13 : memref<!tpu.dma_semaphore, #tpu.memory_space<semaphore_mem>>) src(%dma_wait3A_80 : memref<128xi32, #tpu.memory_space<hbm>>) dst(%arg11 : memref<128xi32, #tpu.memory_space<vmem>>)
      %scan3A_81 = arith.constant 0 : i32
      %scan3A_82 = arith.constant 0 : i32
      %scan3A_83 = arith.constant 8 : i32
      %scan3A_84 = arith.addi %scan3A_82, %scan3A_83 : i32
      %scan3A_85 = arith.constant 1 : i32
      scf.for %scan3A_112 = %scan3A_82 to %scan3A_84 step %scan3A_85  : i32 {
        %mul3A_113 = arith.constant 16 : i32
        %mul3A_114 = arith.muli %scan3A_112, %mul3A_113 : i32
        %get3A = arith.index_cast %mul3A_114 : i32 to index
        %get3A_115 = tpu.vector_load %arg11[%get3A] {strides = array<i32>} : memref<128xi32, #tpu.memory_space<vmem>>, vector<16xi32>,
        %get3A_116 = vector.shape_cast %get3A_115 : vector<16xi32> to vector<16xi32>
        %slice3A = vector.extract_strided_slice %get3A_116 {offsets = [0], sizes = [1], strides = [1]} : vector<16xi32> to vector<1xi32>
        %squeeze3A = vector.extract %slice3A[0] : i32 from vector<1xi32>
        %mul3A_117 = arith.constant 16 : i32
        %mul3A_118 = arith.muli %scan3A_112, %mul3A_117 : i32
        %add3A_119 = arith.constant 0 : i32
        %add3A_120 = arith.addi %mul3A_118, %add3A_119 : i32
        %get3A_121 = arith.index_cast %add3A_120 : i32 to index
        %get3A_122 = arith.constant 0 : index
        %get3A_123 = tpu.vector_load %arg9[%get3A_121, %get3A_122] {strides = array<i32>} : memref<128x64xf32, #tpu.memory_space<vmem>>, vector<1x16xf32>,
        %get3A_124 = vector.shape_cast %get3A_123 : vector<1x16xf32> to vector<16xf32>
        %get3A_125 = arith.index_cast %add3A_120 : i32 to index
        %get3A_126 = arith.constant 16 : index
        %get3A_127 = tpu.vector_load %arg9[%get3A_125, %get3A_126] {strides = array<i32>} : memref<128x64xf32, #tpu.memory_space<vmem>>, vector<1x16xf32>,
        %get3A_128 = vector.shape_cast %get3A_127 : vector<1x16xf32> to vector<16xf32>
        %get3A_129 = arith.index_cast %add3A_120 : i32 to index
        %get3A_130 = arith.constant 32 : index
        %get3A_131 = tpu.vector_load %arg9[%get3A_129, %get3A_130] {strides = array<i32>} : memref<128x64xf32, #tpu.memory_space<vmem>>, vector<1x16xf32>,
        %get3A_132 = vector.shape_cast %get3A_131 : vector<1x16xf32> to vector<16xf32>
        %get3A_133 = arith.index_cast %add3A_120 : i32 to index
        %get3A_134 = arith.constant 48 : index
        %get3A_135 = tpu.vector_load %arg9[%get3A_133, %get3A_134] {strides = array<i32>} : memref<128x64xf32, #tpu.memory_space<vmem>>, vector<1x16xf32>,
        %get3A_136 = vector.shape_cast %get3A_135 : vector<1x16xf32> to vector<16xf32>
        %swap3A = arith.index_cast %squeeze3A : i32 to index
        %swap3A_137 = arith.constant 0 : index
        %swap3A_138 = tpu.vector_load %arg6[%swap3A, %swap3A_137] {strides = array<i32>} : memref<1024x64xf32, #tpu.memory_space<vmem>>, vector<1x16xf32>,
        %swap3A_139 = vector.shape_cast %swap3A_138 : vector<1x16xf32> to vector<16xf32>
        %swap3A_140 = vector.shape_cast %get3A_124 : vector<16xf32> to vector<1x16xf32>
        tpu.vector_store %arg6[%swap3A, %swap3A_137], %swap3A_140 {add = true, strides = array<i32>} : memref<1024x64xf32, #tpu.memory_space<vmem>>, vector<1x16xf32>,
        %swap3A_141 = arith.index_cast %squeeze3A : i32 to index
        %swap3A_142 = arith.constant 16 : index
        %swap3A_143 = tpu.vector_load %arg6[%swap3A_141, %swap3A_142] {strides = array<i32>} : memref<1024x64xf32, #tpu.memory_space<vmem>>, vector<1x16xf32>,
        %swap3A_144 = vector.shape_cast %swap3A_143 : vector<1x16xf32> to vector<16xf32>
        %swap3A_145 = vector.shape_cast %get3A_128 : vector<16xf32> to vector<1x16xf32>
        tpu.vector_store %arg6[%swap3A_141, %swap3A_142], %swap3A_145 {add = true, strides = array<i32>} : memref<1024x64xf32, #tpu.memory_space<vmem>>, vector<1x16xf32>,
        %swap3A_146 = arith.index_cast %squeeze3A : i32 to index
        %swap3A_147 = arith.constant 32 : index
        %swap3A_148 = tpu.vector_load %arg6[%swap3A_146, %swap3A_147] {strides = array<i32>} : memref<1024x64xf32, #tpu.memory_space<vmem>>, vector<1x16xf32>,
        %swap3A_149 = vector.shape_cast %swap3A_148 : vector<1x16xf32> to vector<16xf32>
        %swap3A_150 = vector.shape_cast %get3A_132 : vector<16xf32> to vector<1x16xf32>
        tpu.vector_store %arg6[%swap3A_146, %swap3A_147], %swap3A_150 {add = true, strides = array<i32>} : memref<1024x64xf32, #tpu.memory_space<vmem>>, vector<1x16xf32>,
        %swap3A_151 = arith.index_cast %squeeze3A : i32 to index
        %swap3A_152 = arith.constant 48 : index
        %swap3A_153 = tpu.vector_load %arg6[%swap3A_151, %swap3A_152] {strides = array<i32>} : memref<1024x64xf32, #tpu.memory_space<vmem>>, vector<1x16xf32>,
        %swap3A_154 = vector.shape_cast %swap3A_153 : vector<1x16xf32> to vector<16xf32>
        %swap3A_155 = vector.shape_cast %get3A_136 : vector<16xf32> to vector<1x16xf32>
        tpu.vector_store %arg6[%swap3A_151, %swap3A_152], %swap3A_155 {add = true, strides = array<i32>} : memref<1024x64xf32, #tpu.memory_space<vmem>>, vector<1x16xf32>,
        %mul3A_156 = arith.mulf %get3A_124, %get3A_124 : vector<16xf32>
        %mul3A_157 = arith.mulf %get3A_128, %get3A_128 : vector<16xf32>
        %add3A_158 = arith.addf %mul3A_156, %mul3A_157 : vector<16xf32>
        %mul3A_159 = arith.mulf %get3A_132, %get3A_132 : vector<16xf32>
        %mul3A_160 = arith.mulf %get3A_136, %get3A_136 : vector<16xf32>
        %add3A_161 = arith.addf %mul3A_159, %mul3A_160 : vector<16xf32>
        %add3A_162 = arith.addf %add3A_158, %add3A_161 : vector<16xf32>
        %swap3A_163 = arith.index_cast %squeeze3A : i32 to index
        %swap3A_164 = arith.constant 0 : index
        %swap3A_165 = tpu.vector_load %arg7[%swap3A_163, %swap3A_164] {strides = array<i32>} : memref<1024x32xf32, #tpu.memory_space<vmem>>, vector<1x16xf32>,
        %swap3A_166 = vector.shape_cast %swap3A_165 : vector<1x16xf32> to vector<16xf32>
        %swap3A_167 = vector.shape_cast %add3A_162 : vector<16xf32> to vector<1x16xf32>
        tpu.vector_store %arg7[%swap3A_163, %swap3A_164], %swap3A_167 {add = true, strides = array<i32>} : memref<1024x32xf32, #tpu.memory_space<vmem>>, vector<1x16xf32>,
        %swap3A_168 = arith.index_cast %squeeze3A : i32 to index
        %swap3A_169 = arith.constant 16 : index
        %swap3A_170 = tpu.vector_load %arg7[%swap3A_168, %swap3A_169] {strides = array<i32>} : memref<1024x32xf32, #tpu.memory_space<vmem>>, vector<1x16xf32>,
        %swap3A_171 = vector.shape_cast %swap3A_170 : vector<1x16xf32> to vector<16xf32>
        %swap3A_172 = vector.shape_cast %select_n3A : vector<16xf32> to vector<1x16xf32>
        tpu.vector_store %arg7[%swap3A_168, %swap3A_169], %swap3A_172 {add = true, strides = array<i32>} : memref<1024x32xf32, #tpu.memory_space<vmem>>, vector<1x16xf32>,
        %slice3A_173 = vector.extract_strided_slice %get3A_116 {offsets = [1], sizes = [1], strides = [1]} : vector<16xi32> to vector<1xi32>
        %squeeze3A_174 = vector.extract %slice3A_173[0] : i32 from vector<1xi32>
        %mul3A_175 = arith.constant 16 : i32
        %mul3A_176 = arith.muli %scan3A_112, %mul3A_175 : i32
        %add3A_177 = arith.constant 1 : i32
        %add3A_178 = arith.addi %mul3A_176, %add3A_177 : i32
        %get3A_179 = arith.index_cast %add3A_178 : i32 to index
        %get3A_180 = arith.constant 0 : index
        %get3A_181 = tpu.vector_load %arg9[%get3A_179, %get3A_180] {strides = array<i32>} : memref<128x64xf32, #tpu.memory_space<vmem>>, vector<1x16xf32>,
        %get3A_182 = vector.shape_cast %get3A_181 : vector<1x16xf32> to vector<16xf32>
        %get3A_183 = arith.index_cast %add3A_178 : i32 to index
        %get3A_184 = arith.constant 16 : index
        %get3A_185 = tpu.vector_load %arg9[%get3A_183, %get3A_184] {strides = array<i32>} : memref<128x64xf32, #tpu.memory_space<vmem>>, vector<1x16xf32>,
        %get3A_186 = vector.shape_cast %get3A_185 : vector<1x16xf32> to vector<16xf32>
        %get3A_187 = arith.index_cast %add3A_178 : i32 to index
        %get3A_188 = arith.constant 32 : index
        %get3A_189 = tpu.vector_load %arg9[%get3A_187, %get3A_188] {strides = array<i32>} : memref<128x64xf32, #tpu.memory_space<vmem>>, vector<1x16xf32>,
        %get3A_190 = vector.shape_cast %get3A_189 : vector<1x16xf32> to vector<16xf32>
        %get3A_191 = arith.index_cast %add3A_178 : i32 to index
        %get3A_192 = arith.constant 48 : index
        %get3A_193 = tpu.vector_load %arg9[%get3A_191, %get3A_192] {strides = array<i32>} : memref<128x64xf32, #tpu.memory_space<vmem>>, vector<1x16xf32>,
        %get3A_194 = vector.shape_cast %get3A_193 : vector<1x16xf32> to vector<16xf32>
        %swap3A_195 = arith.index_cast %squeeze3A_174 : i32 to index
        %swap3A_196 = arith.constant 0 : index
        %swap3A_197 = tpu.vector_load %arg6[%swap3A_195, %swap3A_196] {strides = array<i32>} : memref<1024x64xf32, #tpu.memory_space<vmem>>, vector<1x16xf32>,
        %swap3A_198 = vector.shape_cast %swap3A_197 : vector<1x16xf32> to vector<16xf32>
        %swap3A_199 = vector.shape_cast %get3A_182 : vector<16xf32> to vector<1x16xf32>
        tpu.vector_store %arg6[%swap3A_195, %swap3A_196], %swap3A_199 {add = true, strides = array<i32>} : memref<1024x64xf32, #tpu.memory_space<vmem>>, vector<1x16xf32>,
        %swap3A_200 = arith.index_cast %squeeze3A_174 : i32 to index
        %swap3A_201 = arith.constant 16 : index
        %swap3A_202 = tpu.vector_load %arg6[%swap3A_200, %swap3A_201] {strides = array<i32>} : memref<1024x64xf32, #tpu.memory_space<vmem>>, vector<1x16xf32>,
        %swap3A_203 = vector.shape_cast %swap3A_202 : vector<1x16xf32> to vector<16xf32>
        %swap3A_204 = vector.shape_cast %get3A_186 : vector<16xf32> to vector<1x16xf32>
        tpu.vector_store %arg6[%swap3A_200, %swap3A_201], %swap3A_204 {add = true, strides = array<i32>} : memref<1024x64xf32, #tpu.memory_space<vmem>>, vector<1x16xf32>,
        %swap3A_205 = arith.index_cast %squeeze3A_174 : i32 to index
        %swap3A_206 = arith.constant 32 : index
        %swap3A_207 = tpu.vector_load %arg6[%swap3A_205, %swap3A_206] {strides = array<i32>} : memref<1024x64xf32, #tpu.memory_space<vmem>>, vector<1x16xf32>,
        %swap3A_208 = vector.shape_cast %swap3A_207 : vector<1x16xf32> to vector<16xf32>
        %swap3A_209 = vector.shape_cast %get3A_190 : vector<16xf32> to vector<1x16xf32>
        tpu.vector_store %arg6[%swap3A_205, %swap3A_206], %swap3A_209 {add = true, strides = array<i32>} : memref<1024x64xf32, #tpu.memory_space<vmem>>, vector<1x16xf32>,
        %swap3A_210 = arith.index_cast %squeeze3A_174 : i32 to index
        %swap3A_211 = arith.constant 48 : index
        %swap3A_212 = tpu.vector_load %arg6[%swap3A_210, %swap3A_211] {strides = array<i32>} : memref<1024x64xf32, #tpu.memory_space<vmem>>, vector<1x16xf32>,
        %swap3A_213 = vector.shape_cast %swap3A_212 : vector<1x16xf32> to vector<16xf32>
        %swap3A_214 = vector.shape_cast %get3A_194 : vector<16xf32> to vector<1x16xf32>
        tpu.vector_store %arg6[%swap3A_210, %swap3A_211], %swap3A_214 {add = true, strides = array<i32>} : memref<1024x64xf32, #tpu.memory_space<vmem>>, vector<1x16xf32>,
        %mul3A_215 = arith.mulf %get3A_182, %get3A_182 : vector<16xf32>
        %mul3A_216 = arith.mulf %get3A_186, %get3A_186 : vector<16xf32>
        %add3A_217 = arith.addf %mul3A_215, %mul3A_216 : vector<16xf32>
        %mul3A_218 = arith.mulf %get3A_190, %get3A_190 : vector<16xf32>
        %mul3A_219 = arith.mulf %get3A_194, %get3A_194 : vector<16xf32>
        %add3A_220 = arith.addf %mul3A_218, %mul3A_219 : vector<16xf32>
        %add3A_221 = arith.addf %add3A_217, %add3A_220 : vector<16xf32>
        %swap3A_222 = arith.index_cast %squeeze3A_174 : i32 to index
        %swap3A_223 = arith.constant 0 : index
        %swap3A_224 = tpu.vector_load %arg7[%swap3A_222, %swap3A_223] {strides = array<i32>} : memref<1024x32xf32, #tpu.memory_space<vmem>>, vector<1x16xf32>,
        %swap3A_225 = vector.shape_cast %swap3A_224 : vector<1x16xf32> to vector<16xf32>
        %swap3A_226 = vector.shape_cast %add3A_221 : vector<16xf32> to vector<1x16xf32>
        tpu.vector_store %arg7[%swap3A_222, %swap3A_223], %swap3A_226 {add = true, strides = array<i32>} : memref<1024x32xf32, #tpu.memory_space<vmem>>, vector<1x16xf32>,
        %swap3A_227 = arith.index_cast %squeeze3A_174 : i32 to index
        %swap3A_228 = arith.constant 16 : index
        %swap3A_229 = tpu.vector_load %arg7[%swap3A_227, %swap3A_228] {strides = array<i32>} : memref<1024x32xf32, #tpu.memory_space<vmem>>, vector<1x16xf32>,
        %swap3A_230 = vector.shape_cast %swap3A_229 : vector<1x16xf32> to vector<16xf32>
        %swap3A_231 = vector.shape_cast %select_n3A : vector<16xf32> to vector<1x16xf32>
        tpu.vector_store %arg7[%swap3A_227, %swap3A_228], %swap3A_231 {add = true, strides = array<i32>} : memref<1024x32xf32, #tpu.memory_space<vmem>>, vector<1x16xf32>,
        %slice3A_232 = vector.extract_strided_slice %get3A_116 {offsets = [2], sizes = [1], strides = [1]} : vector<16xi32> to vector<1xi32>
        %squeeze3A_233 = vector.extract %slice3A_232[0] : i32 from vector<1xi32>
        %mul3A_234 = arith.constant 16 : i32
        %mul3A_235 = arith.muli %scan3A_112, %mul3A_234 : i32
        %add3A_236 = arith.constant 2 : i32
        %add3A_237 = arith.addi %mul3A_235, %add3A_236 : i32
        %get3A_238 = arith.index_cast %add3A_237 : i32 to index
        %get3A_239 = arith.constant 0 : index
        %get3A_240 = tpu.vector_load %arg9[%get3A_238, %get3A_239] {strides = array<i32>} : memref<128x64xf32, #tpu.memory_space<vmem>>, vector<1x16xf32>,
        %get3A_241 = vector.shape_cast %get3A_240 : vector<1x16xf32> to vector<16xf32>
        %get3A_242 = arith.index_cast %add3A_237 : i32 to index
        %get3A_243 = arith.constant 16 : index
        %get3A_244 = tpu.vector_load %arg9[%get3A_242, %get3A_243] {strides = array<i32>} : memref<128x64xf32, #tpu.memory_space<vmem>>, vector<1x16xf32>,
        %get3A_245 = vector.shape_cast %get3A_244 : vector<1x16xf32> to vector<16xf32>
        %get3A_246 = arith.index_cast %add3A_237 : i32 to index
        %get3A_247 = arith.constant 32 : index
        %get3A_248 = tpu.vector_load %arg9[%get3A_246, %get3A_247] {strides = array<i32>} : memref<128x64xf32, #tpu.memory_space<vmem>>, vector<1x16xf32>,
        %get3A_249 = vector.shape_cast %get3A_248 : vector<1x16xf32> to vector<16xf32>
        %get3A_250 = arith.index_cast %add3A_237 : i32 to index
        %get3A_251 = arith.constant 48 : index
        %get3A_252 = tpu.vector_load %arg9[%get3A_250, %get3A_251] {strides = array<i32>} : memref<128x64xf32, #tpu.memory_space<vmem>>, vector<1x16xf32>,
        %get3A_253 = vector.shape_cast %get3A_252 : vector<1x16xf32> to vector<16xf32>
        %swap3A_254 = arith.index_cast %squeeze3A_233 : i32 to index
        %swap3A_255 = arith.constant 0 : index
        %swap3A_256 = tpu.vector_load %arg6[%swap3A_254, %swap3A_255] {strides = array<i32>} : memref<1024x64xf32, #tpu.memory_space<vmem>>, vector<1x16xf32>,
        %swap3A_257 = vector.shape_cast %swap3A_256 : vector<1x16xf32> to vector<16xf32>
        %swap3A_258 = vector.shape_cast %get3A_241 : vector<16xf32> to vector<1x16xf32>
        tpu.vector_store %arg6[%swap3A_254, %swap3A_255], %swap3A_258 {add = true, strides = array<i32>} : memref<1024x64xf32, #tpu.memory_space<vmem>>, vector<1x16xf32>,
        %swap3A_259 = arith.index_cast %squeeze3A_233 : i32 to index
        %swap3A_260 = arith.constant 16 : index
        %swap3A_261 = tpu.vector_load %arg6[%swap3A_259, %swap3A_260] {strides = array<i32>} : memref<1024x64xf32, #tpu.memory_space<vmem>>, vector<1x16xf32>,
        %swap3A_262 = vector.shape_cast %swap3A_261 : vector<1x16xf32> to vector<16xf32>
        %swap3A_263 = vector.shape_cast %get3A_245 : vector<16xf32> to vector<1x16xf32>
        tpu.vector_store %arg6[%swap3A_259, %swap3A_260], %swap3A_263 {add = true, strides = array<i32>} : memref<1024x64xf32, #tpu.memory_space<vmem>>, vector<1x16xf32>,
        %swap3A_264 = arith.index_cast %squeeze3A_233 : i32 to index
        %swap3A_265 = arith.constant 32 : index
        %swap3A_266 = tpu.vector_load %arg6[%swap3A_264, %swap3A_265] {strides = array<i32>} : memref<1024x64xf32, #tpu.memory_space<vmem>>, vector<1x16xf32>,
        %swap3A_267 = vector.shape_cast %swap3A_266 : vector<1x16xf32> to vector<16xf32>
        %swap3A_268 = vector.shape_cast %get3A_249 : vector<16xf32> to vector<1x16xf32>
        tpu.vector_store %arg6[%swap3A_264, %swap3A_265], %swap3A_268 {add = true, strides = array<i32>} : memref<1024x64xf32, #tpu.memory_space<vmem>>, vector<1x16xf32>,
        %swap3A_269 = arith.index_cast %squeeze3A_233 : i32 to index
        %swap3A_270 = arith.constant 48 : index
        %swap3A_271 = tpu.vector_load %arg6[%swap3A_269, %swap3A_270] {strides = array<i32>} : memref<1024x64xf32, #tpu.memory_space<vmem>>, vector<1x16xf32>,
        %swap3A_272 = vector.shape_cast %swap3A_271 : vector<1x16xf32> to vector<16xf32>
        %swap3A_273 = vector.shape_cast %get3A_253 : vector<16xf32> to vector<1x16xf32>
        tpu.vector_store %arg6[%swap3A_269, %swap3A_270], %swap3A_273 {add = true, strides = array<i32>} : memref<1024x64xf32, #tpu.memory_space<vmem>>, vector<1x16xf32>,
        %mul3A_274 = arith.mulf %get3A_241, %get3A_241 : vector<16xf32>
        %mul3A_275 = arith.mulf %get3A_245, %get3A_245 : vector<16xf32>
        %add3A_276 = arith.addf %mul3A_274, %mul3A_275 : vector<16xf32>
        %mul3A_277 = arith.mulf %get3A_249, %get3A_249 : vector<16xf32>
        %mul3A_278 = arith.mulf %get3A_253, %get3A_253 : vector<16xf32>
        %add3A_279 = arith.addf %mul3A_277, %mul3A_278 : vector<16xf32>
        %add3A_280 = arith.addf %add3A_276, %add3A_279 : vector<16xf32>
        %swap3A_281 = arith.index_cast %squeeze3A_233 : i32 to index
        %swap3A_282 = arith.constant 0 : index
        %swap3A_283 = tpu.vector_load %arg7[%swap3A_281, %swap3A_282] {strides = array<i32>} : memref<1024x32xf32, #tpu.memory_space<vmem>>, vector<1x16xf32>,
        %swap3A_284 = vector.shape_cast %swap3A_283 : vector<1x16xf32> to vector<16xf32>
        %swap3A_285 = vector.shape_cast %add3A_280 : vector<16xf32> to vector<1x16xf32>
        tpu.vector_store %arg7[%swap3A_281, %swap3A_282], %swap3A_285 {add = true, strides = array<i32>} : memref<1024x32xf32, #tpu.memory_space<vmem>>, vector<1x16xf32>,
        %swap3A_286 = arith.index_cast %squeeze3A_233 : i32 to index
        %swap3A_287 = arith.constant 16 : index
        %swap3A_288 = tpu.vector_load %arg7[%swap3A_286, %swap3A_287] {strides = array<i32>} : memref<1024x32xf32, #tpu.memory_space<vmem>>, vector<1x16xf32>,
        %swap3A_289 = vector.shape_cast %swap3A_288 : vector<1x16xf32> to vector<16xf32>
        %swap3A_290 = vector.shape_cast %select_n3A : vector<16xf32> to vector<1x16xf32>
        tpu.vector_store %arg7[%swap3A_286, %swap3A_287], %swap3A_290 {add = true, strides = array<i32>} : memref<1024x32xf32, #tpu.memory_space<vmem>>, vector<1x16xf32>,
        %slice3A_291 = vector.extract_strided_slice %get3A_116 {offsets = [3], sizes = [1], strides = [1]} : vector<16xi32> to vector<1xi32>
        %squeeze3A_292 = vector.extract %slice3A_291[0] : i32 from vector<1xi32>
        %mul3A_293 = arith.constant 16 : i32
        %mul3A_294 = arith.muli %scan3A_112, %mul3A_293 : i32
        %add3A_295 = arith.constant 3 : i32
        %add3A_296 = arith.addi %mul3A_294, %add3A_295 : i32
        %get3A_297 = arith.index_cast %add3A_296 : i32 to index
        %get3A_298 = arith.constant 0 : index
        %get3A_299 = tpu.vector_load %arg9[%get3A_297, %get3A_298] {strides = array<i32>} : memref<128x64xf32, #tpu.memory_space<vmem>>, vector<1x16xf32>,
        %get3A_300 = vector.shape_cast %get3A_299 : vector<1x16xf32> to vector<16xf32>
        %get3A_301 = arith.index_cast %add3A_296 : i32 to index
        %get3A_302 = arith.constant 16 : index
        %get3A_303 = tpu.vector_load %arg9[%get3A_301, %get3A_302] {strides = array<i32>} : memref<128x64xf32, #tpu.memory_space<vmem>>, vector<1x16xf32>,
        %get3A_304 = vector.shape_cast %get3A_303 : vector<1x16xf32> to vector<16xf32>
        %get3A_305 = arith.index_cast %add3A_296 : i32 to index
        %get3A_306 = arith.constant 32 : index
        %get3A_307 = tpu.vector_load %arg9[%get3A_305, %get3A_306] {strides = array<i32>} : memref<128x64xf32, #tpu.memory_space<vmem>>, vector<1x16xf32>,
        %get3A_308 = vector.shape_cast %get3A_307 : vector<1x16xf32> to vector<16xf32>
        %get3A_309 = arith.index_cast %add3A_296 : i32 to index
        %get3A_310 = arith.constant 48 : index
        %get3A_311 = tpu.vector_load %arg9[%get3A_309, %get3A_310] {strides = array<i32>} : memref<128x64xf32, #tpu.memory_space<vmem>>, vector<1x16xf32>,
        %get3A_312 = vector.shape_cast %get3A_311 : vector<1x16xf32> to vector<16xf32>
        %swap3A_313 = arith.index_cast %squeeze3A_292 : i32 to index
        %swap3A_314 = arith.constant 0 : index
        %swap3A_315 = tpu.vector_load %arg6[%swap3A_313, %swap3A_314] {strides = array<i32>} : memref<1024x64xf32, #tpu.memory_space<vmem>>, vector<1x16xf32>,
        %swap3A_316 = vector.shape_cast %swap3A_315 : vector<1x16xf32> to vector<16xf32>
        %swap3A_317 = vector.shape_cast %get3A_300 : vector<16xf32> to vector<1x16xf32>
        tpu.vector_store %arg6[%swap3A_313, %swap3A_314], %swap3A_317 {add = true, strides = array<i32>} : memref<1024x64xf32, #tpu.memory_space<vmem>>, vector<1x16xf32>,
        %swap3A_318 = arith.index_cast %squeeze3A_292 : i32 to index
        %swap3A_319 = arith.constant 16 : index
        %swap3A_320 = tpu.vector_load %arg6[%swap3A_318, %swap3A_319] {strides = array<i32>} : memref<1024x64xf32, #tpu.memory_space<vmem>>, vector<1x16xf32>,
        %swap3A_321 = vector.shape_cast %swap3A_320 : vector<1x16xf32> to vector<16xf32>
        %swap3A_322 = vector.shape_cast %get3A_304 : vector<16xf32> to vector<1x16xf32>
        tpu.vector_store %arg6[%swap3A_318, %swap3A_319], %swap3A_322 {add = true, strides = array<i32>} : memref<1024x64xf32, #tpu.memory_space<vmem>>, vector<1x16xf32>,
        %swap3A_323 = arith.index_cast %squeeze3A_292 : i32 to index
        %swap3A_324 = arith.constant 32 : index
        %swap3A_325 = tpu.vector_load %arg6[%swap3A_323, %swap3A_324] {strides = array<i32>} : memref<1024x64xf32, #tpu.memory_space<vmem>>, vector<1x16xf32>,
        %swap3A_326 = vector.shape_cast %swap3A_325 : vector<1x16xf32> to vector<16xf32>
        %swap3A_327 = vector.shape_cast %get3A_308 : vector<16xf32> to vector<1x16xf32>
        tpu.vector_store %arg6[%swap3A_323, %swap3A_324], %swap3A_327 {add = true, strides = array<i32>} : memref<1024x64xf32, #tpu.memory_space<vmem>>, vector<1x16xf32>,
        %swap3A_328 = arith.index_cast %squeeze3A_292 : i32 to index
        %swap3A_329 = arith.constant 48 : index
        %swap3A_330 = tpu.vector_load %arg6[%swap3A_328, %swap3A_329] {strides = array<i32>} : memref<1024x64xf32, #tpu.memory_space<vmem>>, vector<1x16xf32>,
        %swap3A_331 = vector.shape_cast %swap3A_330 : vector<1x16xf32> to vector<16xf32>
        %swap3A_332 = vector.shape_cast %get3A_312 : vector<16xf32> to vector<1x16xf32>
        tpu.vector_store %arg6[%swap3A_328, %swap3A_329], %swap3A_332 {add = true, strides = array<i32>} : memref<1024x64xf32, #tpu.memory_space<vmem>>, vector<1x16xf32>,
        %mul3A_333 = arith.mulf %get3A_300, %get3A_300 : vector<16xf32>
        %mul3A_334 = arith.mulf %get3A_304, %get3A_304 : vector<16xf32>
        %add3A_335 = arith.addf %mul3A_333, %mul3A_334 : vector<16xf32>
        %mul3A_336 = arith.mulf %get3A_308, %get3A_308 : vector<16xf32>
        %mul3A_337 = arith.mulf %get3A_312, %get3A_312 : vector<16xf32>
        %add3A_338 = arith.addf %mul3A_336, %mul3A_337 : vector<16xf32>
        %add3A_339 = arith.addf %add3A_335, %add3A_338 : vector<16xf32>
        %swap3A_340 = arith.index_cast %squeeze3A_292 : i32 to index
        %swap3A_341 = arith.constant 0 : index
        %swap3A_342 = tpu.vector_load %arg7[%swap3A_340, %swap3A_341] {strides = array<i32>} : memref<1024x32xf32, #tpu.memory_space<vmem>>, vector<1x16xf32>,
        %swap3A_343 = vector.shape_cast %swap3A_342 : vector<1x16xf32> to vector<16xf32>
        %swap3A_344 = vector.shape_cast %add3A_339 : vector<16xf32> to vector<1x16xf32>
        tpu.vector_store %arg7[%swap3A_340, %swap3A_341], %swap3A_344 {add = true, strides = array<i32>} : memref<1024x32xf32, #tpu.memory_space<vmem>>, vector<1x16xf32>,
        %swap3A_345 = arith.index_cast %squeeze3A_292 : i32 to index
        %swap3A_346 = arith.constant 16 : index
        %swap3A_347 = tpu.vector_load %arg7[%swap3A_345, %swap3A_346] {strides = array<i32>} : memref<1024x32xf32, #tpu.memory_space<vmem>>, vector<1x16xf32>,
        %swap3A_348 = vector.shape_cast %swap3A_347 : vector<1x16xf32> to vector<16xf32>
        %swap3A_349 = vector.shape_cast %select_n3A : vector<16xf32> to vector<1x16xf32>
        tpu.vector_store %arg7[%swap3A_345, %swap3A_346], %swap3A_349 {add = true, strides = array<i32>} : memref<1024x32xf32, #tpu.memory_space<vmem>>, vector<1x16xf32>,
        %slice3A_350 = vector.extract_strided_slice %get3A_116 {offsets = [4], sizes = [1], strides = [1]} : vector<16xi32> to vector<1xi32>
        %squeeze3A_351 = vector.extract %slice3A_350[0] : i32 from vector<1xi32>
        %mul3A_352 = arith.constant 16 : i32
        %mul3A_353 = arith.muli %scan3A_112, %mul3A_352 : i32
        %add3A_354 = arith.constant 4 : i32
        %add3A_355 = arith.addi %mul3A_353, %add3A_354 : i32
        %get3A_356 = arith.index_cast %add3A_355 : i32 to index
        %get3A_357 = arith.constant 0 : index
        %get3A_358 = tpu.vector_load %arg9[%get3A_356, %get3A_357] {strides = array<i32>} : memref<128x64xf32, #tpu.memory_space<vmem>>, vector<1x16xf32>,
        %get3A_359 = vector.shape_cast %get3A_358 : vector<1x16xf32> to vector<16xf32>
        %get3A_360 = arith.index_cast %add3A_355 : i32 to index
        %get3A_361 = arith.constant 16 : index
        %get3A_362 = tpu.vector_load %arg9[%get3A_360, %get3A_361] {strides = array<i32>} : memref<128x64xf32, #tpu.memory_space<vmem>>, vector<1x16xf32>,
        %get3A_363 = vector.shape_cast %get3A_362 : vector<1x16xf32> to vector<16xf32>
        %get3A_364 = arith.index_cast %add3A_355 : i32 to index
        %get3A_365 = arith.constant 32 : index
        %get3A_366 = tpu.vector_load %arg9[%get3A_364, %get3A_365] {strides = array<i32>} : memref<128x64xf32, #tpu.memory_space<vmem>>, vector<1x16xf32>,
        %get3A_367 = vector.shape_cast %get3A_366 : vector<1x16xf32> to vector<16xf32>
        %get3A_368 = arith.index_cast %add3A_355 : i32 to index
        %get3A_369 = arith.constant 48 : index
        %get3A_370 = tpu.vector_load %arg9[%get3A_368, %get3A_369] {strides = array<i32>} : memref<128x64xf32, #tpu.memory_space<vmem>>, vector<1x16xf32>,
        %get3A_371 = vector.shape_cast %get3A_370 : vector<1x16xf32> to vector<16xf32>
        %swap3A_372 = arith.index_cast %squeeze3A_351 : i32 to index
        %swap3A_373 = arith.constant 0 : index
        %swap3A_374 = tpu.vector_load %arg6[%swap3A_372, %swap3A_373] {strides = array<i32>} : memref<1024x64xf32, #tpu.memory_space<vmem>>, vector<1x16xf32>,
        %swap3A_375 = vector.shape_cast %swap3A_374 : vector<1x16xf32> to vector<16xf32>
        %swap3A_376 = vector.shape_cast %get3A_359 : vector<16xf32> to vector<1x16xf32>
        tpu.vector_store %arg6[%swap3A_372, %swap3A_373], %swap3A_376 {add = true, strides = array<i32>} : memref<1024x64xf32, #tpu.memory_space<vmem>>, vector<1x16xf32>,
        %swap3A_377 = arith.index_cast %squeeze3A_351 : i32 to index
        %swap3A_378 = arith.constant 16 : index
        %swap3A_379 = tpu.vector_load %arg6[%swap3A_377, %swap3A_378] {strides = array<i32>} : memref<1024x64xf32, #tpu.memory_space<vmem>>, vector<1x16xf32>,
        %swap3A_380 = vector.shape_cast %swap3A_379 : vector<1x16xf32> to vector<16xf32>
        %swap3A_381 = vector.shape_cast %get3A_363 : vector<16xf32> to vector<1x16xf32>
        tpu.vector_store %arg6[%swap3A_377, %swap3A_378], %swap3A_381 {add = true, strides = array<i32>} : memref<1024x64xf32, #tpu.memory_space<vmem>>, vector<1x16xf32>,
        %swap3A_382 = arith.index_cast %squeeze3A_351 : i32 to index
        %swap3A_383 = arith.constant 32 : index
        %swap3A_384 = tpu.vector_load %arg6[%swap3A_382, %swap3A_383] {strides = array<i32>} : memref<1024x64xf32, #tpu.memory_space<vmem>>, vector<1x16xf32>,
        %swap3A_385 = vector.shape_cast %swap3A_384 : vector<1x16xf32> to vector<16xf32>
        %swap3A_386 = vector.shape_cast %get3A_367 : vector<16xf32> to vector<1x16xf32>
        tpu.vector_store %arg6[%swap3A_382, %swap3A_383], %swap3A_386 {add = true, strides = array<i32>} : memref<1024x64xf32, #tpu.memory_space<vmem>>, vector<1x16xf32>,
        %swap3A_387 = arith.index_cast %squeeze3A_351 : i32 to index
        %swap3A_388 = arith.constant 48 : index
        %swap3A_389 = tpu.vector_load %arg6[%swap3A_387, %swap3A_388] {strides = array<i32>} : memref<1024x64xf32, #tpu.memory_space<vmem>>, vector<1x16xf32>,
        %swap3A_390 = vector.shape_cast %swap3A_389 : vector<1x16xf32> to vector<16xf32>
        %swap3A_391 = vector.shape_cast %get3A_371 : vector<16xf32> to vector<1x16xf32>
        tpu.vector_store %arg6[%swap3A_387, %swap3A_388], %swap3A_391 {add = true, strides = array<i32>} : memref<1024x64xf32, #tpu.memory_space<vmem>>, vector<1x16xf32>,
        %mul3A_392 = arith.mulf %get3A_359, %get3A_359 : vector<16xf32>
        %mul3A_393 = arith.mulf %get3A_363, %get3A_363 : vector<16xf32>
        %add3A_394 = arith.addf %mul3A_392, %mul3A_393 : vector<16xf32>
        %mul3A_395 = arith.mulf %get3A_367, %get3A_367 : vector<16xf32>
        %mul3A_396 = arith.mulf %get3A_371, %get3A_371 : vector<16xf32>
        %add3A_397 = arith.addf %mul3A_395, %mul3A_396 : vector<16xf32>
        %add3A_398 = arith.addf %add3A_394, %add3A_397 : vector<16xf32>
        %swap3A_399 = arith.index_cast %squeeze3A_351 : i32 to index
        %swap3A_400 = arith.constant 0 : index
        %swap3A_401 = tpu.vector_load %arg7[%swap3A_399, %swap3A_400] {strides = array<i32>} : memref<1024x32xf32, #tpu.memory_space<vmem>>, vector<1x16xf32>,
        %swap3A_402 = vector.shape_cast %swap3A_401 : vector<1x16xf32> to vector<16xf32>
        %swap3A_403 = vector.shape_cast %add3A_398 : vector<16xf32> to vector<1x16xf32>
        tpu.vector_store %arg7[%swap3A_399, %swap3A_400], %swap3A_403 {add = true, strides = array<i32>} : memref<1024x32xf32, #tpu.memory_space<vmem>>, vector<1x16xf32>,
        %swap3A_404 = arith.index_cast %squeeze3A_351 : i32 to index
        %swap3A_405 = arith.constant 16 : index
        %swap3A_406 = tpu.vector_load %arg7[%swap3A_404, %swap3A_405] {strides = array<i32>} : memref<1024x32xf32, #tpu.memory_space<vmem>>, vector<1x16xf32>,
        %swap3A_407 = vector.shape_cast %swap3A_406 : vector<1x16xf32> to vector<16xf32>
        %swap3A_408 = vector.shape_cast %select_n3A : vector<16xf32> to vector<1x16xf32>
        tpu.vector_store %arg7[%swap3A_404, %swap3A_405], %swap3A_408 {add = true, strides = array<i32>} : memref<1024x32xf32, #tpu.memory_space<vmem>>, vector<1x16xf32>,
        %slice3A_409 = vector.extract_strided_slice %get3A_116 {offsets = [5], sizes = [1], strides = [1]} : vector<16xi32> to vector<1xi32>
        %squeeze3A_410 = vector.extract %slice3A_409[0] : i32 from vector<1xi32>
        %mul3A_411 = arith.constant 16 : i32
        %mul3A_412 = arith.muli %scan3A_112, %mul3A_411 : i32
        %add3A_413 = arith.constant 5 : i32
        %add3A_414 = arith.addi %mul3A_412, %add3A_413 : i32
        %get3A_415 = arith.index_cast %add3A_414 : i32 to index
        %get3A_416 = arith.constant 0 : index
        %get3A_417 = tpu.vector_load %arg9[%get3A_415, %get3A_416] {strides = array<i32>} : memref<128x64xf32, #tpu.memory_space<vmem>>, vector<1x16xf32>,
        %get3A_418 = vector.shape_cast %get3A_417 : vector<1x16xf32> to vector<16xf32>
        %get3A_419 = arith.index_cast %add3A_414 : i32 to index
        %get3A_420 = arith.constant 16 : index
        %get3A_421 = tpu.vector_load %arg9[%get3A_419, %get3A_420] {strides = array<i32>} : memref<128x64xf32, #tpu.memory_space<vmem>>, vector<1x16xf32>,
        %get3A_422 = vector.shape_cast %get3A_421 : vector<1x16xf32> to vector<16xf32>
        %get3A_423 = arith.index_cast %add3A_414 : i32 to index
        %get3A_424 = arith.constant 32 : index
        %get3A_425 = tpu.vector_load %arg9[%get3A_423, %get3A_424] {strides = array<i32>} : memref<128x64xf32, #tpu.memory_space<vmem>>, vector<1x16xf32>,
        %get3A_426 = vector.shape_cast %get3A_425 : vector<1x16xf32> to vector<16xf32>
        %get3A_427 = arith.index_cast %add3A_414 : i32 to index
        %get3A_428 = arith.constant 48 : index
        %get3A_429 = tpu.vector_load %arg9[%get3A_427, %get3A_428] {strides = array<i32>} : memref<128x64xf32, #tpu.memory_space<vmem>>, vector<1x16xf32>,
        %get3A_430 = vector.shape_cast %get3A_429 : vector<1x16xf32> to vector<16xf32>
        %swap3A_431 = arith.index_cast %squeeze3A_410 : i32 to index
        %swap3A_432 = arith.constant 0 : index
        %swap3A_433 = tpu.vector_load %arg6[%swap3A_431, %swap3A_432] {strides = array<i32>} : memref<1024x64xf32, #tpu.memory_space<vmem>>, vector<1x16xf32>,
        %swap3A_434 = vector.shape_cast %swap3A_433 : vector<1x16xf32> to vector<16xf32>
        %swap3A_435 = vector.shape_cast %get3A_418 : vector<16xf32> to vector<1x16xf32>
        tpu.vector_store %arg6[%swap3A_431, %swap3A_432], %swap3A_435 {add = true, strides = array<i32>} : memref<1024x64xf32, #tpu.memory_space<vmem>>, vector<1x16xf32>,
        %swap3A_436 = arith.index_cast %squeeze3A_410 : i32 to index
        %swap3A_437 = arith.constant 16 : index
        %swap3A_438 = tpu.vector_load %arg6[%swap3A_436, %swap3A_437] {strides = array<i32>} : memref<1024x64xf32, #tpu.memory_space<vmem>>, vector<1x16xf32>,
        %swap3A_439 = vector.shape_cast %swap3A_438 : vector<1x16xf32> to vector<16xf32>
        %swap3A_440 = vector.shape_cast %get3A_422 : vector<16xf32> to vector<1x16xf32>
        tpu.vector_store %arg6[%swap3A_436, %swap3A_437], %swap3A_440 {add = true, strides = array<i32>} : memref<1024x64xf32, #tpu.memory_space<vmem>>, vector<1x16xf32>,
        %swap3A_441 = arith.index_cast %squeeze3A_410 : i32 to index
        %swap3A_442 = arith.constant 32 : index
        %swap3A_443 = tpu.vector_load %arg6[%swap3A_441, %swap3A_442] {strides = array<i32>} : memref<1024x64xf32, #tpu.memory_space<vmem>>, vector<1x16xf32>,
        %swap3A_444 = vector.shape_cast %swap3A_443 : vector<1x16xf32> to vector<16xf32>
        %swap3A_445 = vector.shape_cast %get3A_426 : vector<16xf32> to vector<1x16xf32>
        tpu.vector_store %arg6[%swap3A_441, %swap3A_442], %swap3A_445 {add = true, strides = array<i32>} : memref<1024x64xf32, #tpu.memory_space<vmem>>, vector<1x16xf32>,
        %swap3A_446 = arith.index_cast %squeeze3A_410 : i32 to index
        %swap3A_447 = arith.constant 48 : index
        %swap3A_448 = tpu.vector_load %arg6[%swap3A_446, %swap3A_447] {strides = array<i32>} : memref<1024x64xf32, #tpu.memory_space<vmem>>, vector<1x16xf32>,
        %swap3A_449 = vector.shape_cast %swap3A_448 : vector<1x16xf32> to vector<16xf32>
        %swap3A_450 = vector.shape_cast %get3A_430 : vector<16xf32> to vector<1x16xf32>
        tpu.vector_store %arg6[%swap3A_446, %swap3A_447], %swap3A_450 {add = true, strides = array<i32>} : memref<1024x64xf32, #tpu.memory_space<vmem>>, vector<1x16xf32>,
        %mul3A_451 = arith.mulf %get3A_418, %get3A_418 : vector<16xf32>
        %mul3A_452 = arith.mulf %get3A_422, %get3A_422 : vector<16xf32>
        %add3A_453 = arith.addf %mul3A_451, %mul3A_452 : vector<16xf32>
        %mul3A_454 = arith.mulf %get3A_426, %get3A_426 : vector<16xf32>
        %mul3A_455 = arith.mulf %get3A_430, %get3A_430 : vector<16xf32>
        %add3A_456 = arith.addf %mul3A_454, %mul3A_455 : vector<16xf32>
        %add3A_457 = arith.addf %add3A_453, %add3A_456 : vector<16xf32>
        %swap3A_458 = arith.index_cast %squeeze3A_410 : i32 to index
        %swap3A_459 = arith.constant 0 : index
        %swap3A_460 = tpu.vector_load %arg7[%swap3A_458, %swap3A_459] {strides = array<i32>} : memref<1024x32xf32, #tpu.memory_space<vmem>>, vector<1x16xf32>,
        %swap3A_461 = vector.shape_cast %swap3A_460 : vector<1x16xf32> to vector<16xf32>
        %swap3A_462 = vector.shape_cast %add3A_457 : vector<16xf32> to vector<1x16xf32>
        tpu.vector_store %arg7[%swap3A_458, %swap3A_459], %swap3A_462 {add = true, strides = array<i32>} : memref<1024x32xf32, #tpu.memory_space<vmem>>, vector<1x16xf32>,
        %swap3A_463 = arith.index_cast %squeeze3A_410 : i32 to index
        %swap3A_464 = arith.constant 16 : index
        %swap3A_465 = tpu.vector_load %arg7[%swap3A_463, %swap3A_464] {strides = array<i32>} : memref<1024x32xf32, #tpu.memory_space<vmem>>, vector<1x16xf32>,
        %swap3A_466 = vector.shape_cast %swap3A_465 : vector<1x16xf32> to vector<16xf32>
        %swap3A_467 = vector.shape_cast %select_n3A : vector<16xf32> to vector<1x16xf32>
        tpu.vector_store %arg7[%swap3A_463, %swap3A_464], %swap3A_467 {add = true, strides = array<i32>} : memref<1024x32xf32, #tpu.memory_space<vmem>>, vector<1x16xf32>,
        %slice3A_468 = vector.extract_strided_slice %get3A_116 {offsets = [6], sizes = [1], strides = [1]} : vector<16xi32> to vector<1xi32>
        %squeeze3A_469 = vector.extract %slice3A_468[0] : i32 from vector<1xi32>
        %mul3A_470 = arith.constant 16 : i32
        %mul3A_471 = arith.muli %scan3A_112, %mul3A_470 : i32
        %add3A_472 = arith.constant 6 : i32
        %add3A_473 = arith.addi %mul3A_471, %add3A_472 : i32
        %get3A_474 = arith.index_cast %add3A_473 : i32 to index
        %get3A_475 = arith.constant 0 : index
        %get3A_476 = tpu.vector_load %arg9[%get3A_474, %get3A_475] {strides = array<i32>} : memref<128x64xf32, #tpu.memory_space<vmem>>, vector<1x16xf32>,
        %get3A_477 = vector.shape_cast %get3A_476 : vector<1x16xf32> to vector<16xf32>
        %get3A_478 = arith.index_cast %add3A_473 : i32 to index
        %get3A_479 = arith.constant 16 : index
        %get3A_480 = tpu.vector_load %arg9[%get3A_478, %get3A_479] {strides = array<i32>} : memref<128x64xf32, #tpu.memory_space<vmem>>, vector<1x16xf32>,
        %get3A_481 = vector.shape_cast %get3A_480 : vector<1x16xf32> to vector<16xf32>
        %get3A_482 = arith.index_cast %add3A_473 : i32 to index
        %get3A_483 = arith.constant 32 : index
        %get3A_484 = tpu.vector_load %arg9[%get3A_482, %get3A_483] {strides = array<i32>} : memref<128x64xf32, #tpu.memory_space<vmem>>, vector<1x16xf32>,
        %get3A_485 = vector.shape_cast %get3A_484 : vector<1x16xf32> to vector<16xf32>
        %get3A_486 = arith.index_cast %add3A_473 : i32 to index
        %get3A_487 = arith.constant 48 : index
        %get3A_488 = tpu.vector_load %arg9[%get3A_486, %get3A_487] {strides = array<i32>} : memref<128x64xf32, #tpu.memory_space<vmem>>, vector<1x16xf32>,
        %get3A_489 = vector.shape_cast %get3A_488 : vector<1x16xf32> to vector<16xf32>
        %swap3A_490 = arith.index_cast %squeeze3A_469 : i32 to index
        %swap3A_491 = arith.constant 0 : index
        %swap3A_492 = tpu.vector_load %arg6[%swap3A_490, %swap3A_491] {strides = array<i32>} : memref<1024x64xf32, #tpu.memory_space<vmem>>, vector<1x16xf32>,
        %swap3A_493 = vector.shape_cast %swap3A_492 : vector<1x16xf32> to vector<16xf32>
        %swap3A_494 = vector.shape_cast %get3A_477 : vector<16xf32> to vector<1x16xf32>
        tpu.vector_store %arg6[%swap3A_490, %swap3A_491], %swap3A_494 {add = true, strides = array<i32>} : memref<1024x64xf32, #tpu.memory_space<vmem>>, vector<1x16xf32>,
        %swap3A_495 = arith.index_cast %squeeze3A_469 : i32 to index
        %swap3A_496 = arith.constant 16 : index
        %swap3A_497 = tpu.vector_load %arg6[%swap3A_495, %swap3A_496] {strides = array<i32>} : memref<1024x64xf32, #tpu.memory_space<vmem>>, vector<1x16xf32>,
        %swap3A_498 = vector.shape_cast %swap3A_497 : vector<1x16xf32> to vector<16xf32>
        %swap3A_499 = vector.shape_cast %get3A_481 : vector<16xf32> to vector<1x16xf32>
        tpu.vector_store %arg6[%swap3A_495, %swap3A_496], %swap3A_499 {add = true, strides = array<i32>} : memref<1024x64xf32, #tpu.memory_space<vmem>>, vector<1x16xf32>,
        %swap3A_500 = arith.index_cast %squeeze3A_469 : i32 to index
        %swap3A_501 = arith.constant 32 : index
        %swap3A_502 = tpu.vector_load %arg6[%swap3A_500, %swap3A_501] {strides = array<i32>} : memref<1024x64xf32, #tpu.memory_space<vmem>>, vector<1x16xf32>,
        %swap3A_503 = vector.shape_cast %swap3A_502 : vector<1x16xf32> to vector<16xf32>
        %swap3A_504 = vector.shape_cast %get3A_485 : vector<16xf32> to vector<1x16xf32>
        tpu.vector_store %arg6[%swap3A_500, %swap3A_501], %swap3A_504 {add = true, strides = array<i32>} : memref<1024x64xf32, #tpu.memory_space<vmem>>, vector<1x16xf32>,
        %swap3A_505 = arith.index_cast %squeeze3A_469 : i32 to index
        %swap3A_506 = arith.constant 48 : index
        %swap3A_507 = tpu.vector_load %arg6[%swap3A_505, %swap3A_506] {strides = array<i32>} : memref<1024x64xf32, #tpu.memory_space<vmem>>, vector<1x16xf32>,
        %swap3A_508 = vector.shape_cast %swap3A_507 : vector<1x16xf32> to vector<16xf32>
        %swap3A_509 = vector.shape_cast %get3A_489 : vector<16xf32> to vector<1x16xf32>
        tpu.vector_store %arg6[%swap3A_505, %swap3A_506], %swap3A_509 {add = true, strides = array<i32>} : memref<1024x64xf32, #tpu.memory_space<vmem>>, vector<1x16xf32>,
        %mul3A_510 = arith.mulf %get3A_477, %get3A_477 : vector<16xf32>
        %mul3A_511 = arith.mulf %get3A_481, %get3A_481 : vector<16xf32>
        %add3A_512 = arith.addf %mul3A_510, %mul3A_511 : vector<16xf32>
        %mul3A_513 = arith.mulf %get3A_485, %get3A_485 : vector<16xf32>
        %mul3A_514 = arith.mulf %get3A_489, %get3A_489 : vector<16xf32>
        %add3A_515 = arith.addf %mul3A_513, %mul3A_514 : vector<16xf32>
        %add3A_516 = arith.addf %add3A_512, %add3A_515 : vector<16xf32>
        %swap3A_517 = arith.index_cast %squeeze3A_469 : i32 to index
        %swap3A_518 = arith.constant 0 : index
        %swap3A_519 = tpu.vector_load %arg7[%swap3A_517, %swap3A_518] {strides = array<i32>} : memref<1024x32xf32, #tpu.memory_space<vmem>>, vector<1x16xf32>,
        %swap3A_520 = vector.shape_cast %swap3A_519 : vector<1x16xf32> to vector<16xf32>
        %swap3A_521 = vector.shape_cast %add3A_516 : vector<16xf32> to vector<1x16xf32>
        tpu.vector_store %arg7[%swap3A_517, %swap3A_518], %swap3A_521 {add = true, strides = array<i32>} : memref<1024x32xf32, #tpu.memory_space<vmem>>, vector<1x16xf32>,
        %swap3A_522 = arith.index_cast %squeeze3A_469 : i32 to index
        %swap3A_523 = arith.constant 16 : index
        %swap3A_524 = tpu.vector_load %arg7[%swap3A_522, %swap3A_523] {strides = array<i32>} : memref<1024x32xf32, #tpu.memory_space<vmem>>, vector<1x16xf32>,
        %swap3A_525 = vector.shape_cast %swap3A_524 : vector<1x16xf32> to vector<16xf32>
        %swap3A_526 = vector.shape_cast %select_n3A : vector<16xf32> to vector<1x16xf32>
        tpu.vector_store %arg7[%swap3A_522, %swap3A_523], %swap3A_526 {add = true, strides = array<i32>} : memref<1024x32xf32, #tpu.memory_space<vmem>>, vector<1x16xf32>,
        %slice3A_527 = vector.extract_strided_slice %get3A_116 {offsets = [7], sizes = [1], strides = [1]} : vector<16xi32> to vector<1xi32>
        %squeeze3A_528 = vector.extract %slice3A_527[0] : i32 from vector<1xi32>
        %mul3A_529 = arith.constant 16 : i32
        %mul3A_530 = arith.muli %scan3A_112, %mul3A_529 : i32
        %add3A_531 = arith.constant 7 : i32
        %add3A_532 = arith.addi %mul3A_530, %add3A_531 : i32
        %get3A_533 = arith.index_cast %add3A_532 : i32 to index
        %get3A_534 = arith.constant 0 : index
        %get3A_535 = tpu.vector_load %arg9[%get3A_533, %get3A_534] {strides = array<i32>} : memref<128x64xf32, #tpu.memory_space<vmem>>, vector<1x16xf32>,
        %get3A_536 = vector.shape_cast %get3A_535 : vector<1x16xf32> to vector<16xf32>
        %get3A_537 = arith.index_cast %add3A_532 : i32 to index
        %get3A_538 = arith.constant 16 : index
        %get3A_539 = tpu.vector_load %arg9[%get3A_537, %get3A_538] {strides = array<i32>} : memref<128x64xf32, #tpu.memory_space<vmem>>, vector<1x16xf32>,
        %get3A_540 = vector.shape_cast %get3A_539 : vector<1x16xf32> to vector<16xf32>
        %get3A_541 = arith.index_cast %add3A_532 : i32 to index
        %get3A_542 = arith.constant 32 : index
        %get3A_543 = tpu.vector_load %arg9[%get3A_541, %get3A_542] {strides = array<i32>} : memref<128x64xf32, #tpu.memory_space<vmem>>, vector<1x16xf32>,
        %get3A_544 = vector.shape_cast %get3A_543 : vector<1x16xf32> to vector<16xf32>
        %get3A_545 = arith.index_cast %add3A_532 : i32 to index
        %get3A_546 = arith.constant 48 : index
        %get3A_547 = tpu.vector_load %arg9[%get3A_545, %get3A_546] {strides = array<i32>} : memref<128x64xf32, #tpu.memory_space<vmem>>, vector<1x16xf32>,
        %get3A_548 = vector.shape_cast %get3A_547 : vector<1x16xf32> to vector<16xf32>
        %swap3A_549 = arith.index_cast %squeeze3A_528 : i32 to index
        %swap3A_550 = arith.constant 0 : index
        %swap3A_551 = tpu.vector_load %arg6[%swap3A_549, %swap3A_550] {strides = array<i32>} : memref<1024x64xf32, #tpu.memory_space<vmem>>, vector<1x16xf32>,
        %swap3A_552 = vector.shape_cast %swap3A_551 : vector<1x16xf32> to vector<16xf32>
        %swap3A_553 = vector.shape_cast %get3A_536 : vector<16xf32> to vector<1x16xf32>
        tpu.vector_store %arg6[%swap3A_549, %swap3A_550], %swap3A_553 {add = true, strides = array<i32>} : memref<1024x64xf32, #tpu.memory_space<vmem>>, vector<1x16xf32>,
        %swap3A_554 = arith.index_cast %squeeze3A_528 : i32 to index
        %swap3A_555 = arith.constant 16 : index
        %swap3A_556 = tpu.vector_load %arg6[%swap3A_554, %swap3A_555] {strides = array<i32>} : memref<1024x64xf32, #tpu.memory_space<vmem>>, vector<1x16xf32>,
        %swap3A_557 = vector.shape_cast %swap3A_556 : vector<1x16xf32> to vector<16xf32>
        %swap3A_558 = vector.shape_cast %get3A_540 : vector<16xf32> to vector<1x16xf32>
        tpu.vector_store %arg6[%swap3A_554, %swap3A_555], %swap3A_558 {add = true, strides = array<i32>} : memref<1024x64xf32, #tpu.memory_space<vmem>>, vector<1x16xf32>,
        %swap3A_559 = arith.index_cast %squeeze3A_528 : i32 to index
        %swap3A_560 = arith.constant 32 : index
        %swap3A_561 = tpu.vector_load %arg6[%swap3A_559, %swap3A_560] {strides = array<i32>} : memref<1024x64xf32, #tpu.memory_space<vmem>>, vector<1x16xf32>,
        %swap3A_562 = vector.shape_cast %swap3A_561 : vector<1x16xf32> to vector<16xf32>
        %swap3A_563 = vector.shape_cast %get3A_544 : vector<16xf32> to vector<1x16xf32>
        tpu.vector_store %arg6[%swap3A_559, %swap3A_560], %swap3A_563 {add = true, strides = array<i32>} : memref<1024x64xf32, #tpu.memory_space<vmem>>, vector<1x16xf32>,
        %swap3A_564 = arith.index_cast %squeeze3A_528 : i32 to index
        %swap3A_565 = arith.constant 48 : index
        %swap3A_566 = tpu.vector_load %arg6[%swap3A_564, %swap3A_565] {strides = array<i32>} : memref<1024x64xf32, #tpu.memory_space<vmem>>, vector<1x16xf32>,
        %swap3A_567 = vector.shape_cast %swap3A_566 : vector<1x16xf32> to vector<16xf32>
        %swap3A_568 = vector.shape_cast %get3A_548 : vector<16xf32> to vector<1x16xf32>
        tpu.vector_store %arg6[%swap3A_564, %swap3A_565], %swap3A_568 {add = true, strides = array<i32>} : memref<1024x64xf32, #tpu.memory_space<vmem>>, vector<1x16xf32>,
        %mul3A_569 = arith.mulf %get3A_536, %get3A_536 : vector<16xf32>
        %mul3A_570 = arith.mulf %get3A_540, %get3A_540 : vector<16xf32>
        %add3A_571 = arith.addf %mul3A_569, %mul3A_570 : vector<16xf32>
        %mul3A_572 = arith.mulf %get3A_544, %get3A_544 : vector<16xf32>
        %mul3A_573 = arith.mulf %get3A_548, %get3A_548 : vector<16xf32>
        %add3A_574 = arith.addf %mul3A_572, %mul3A_573 : vector<16xf32>
        %add3A_575 = arith.addf %add3A_571, %add3A_574 : vector<16xf32>
        %swap3A_576 = arith.index_cast %squeeze3A_528 : i32 to index
        %swap3A_577 = arith.constant 0 : index
        %swap3A_578 = tpu.vector_load %arg7[%swap3A_576, %swap3A_577] {strides = array<i32>} : memref<1024x32xf32, #tpu.memory_space<vmem>>, vector<1x16xf32>,
        %swap3A_579 = vector.shape_cast %swap3A_578 : vector<1x16xf32> to vector<16xf32>
        %swap3A_580 = vector.shape_cast %add3A_575 : vector<16xf32> to vector<1x16xf32>
        tpu.vector_store %arg7[%swap3A_576, %swap3A_577], %swap3A_580 {add = true, strides = array<i32>} : memref<1024x32xf32, #tpu.memory_space<vmem>>, vector<1x16xf32>,
        %swap3A_581 = arith.index_cast %squeeze3A_528 : i32 to index
        %swap3A_582 = arith.constant 16 : index
        %swap3A_583 = tpu.vector_load %arg7[%swap3A_581, %swap3A_582] {strides = array<i32>} : memref<1024x32xf32, #tpu.memory_space<vmem>>, vector<1x16xf32>,
        %swap3A_584 = vector.shape_cast %swap3A_583 : vector<1x16xf32> to vector<16xf32>
        %swap3A_585 = vector.shape_cast %select_n3A : vector<16xf32> to vector<1x16xf32>
        tpu.vector_store %arg7[%swap3A_581, %swap3A_582], %swap3A_585 {add = true, strides = array<i32>} : memref<1024x32xf32, #tpu.memory_space<vmem>>, vector<1x16xf32>,
        %slice3A_586 = vector.extract_strided_slice %get3A_116 {offsets = [8], sizes = [1], strides = [1]} : vector<16xi32> to vector<1xi32>
        %squeeze3A_587 = vector.extract %slice3A_586[0] : i32 from vector<1xi32>
        %mul3A_588 = arith.constant 16 : i32
        %mul3A_589 = arith.muli %scan3A_112, %mul3A_588 : i32
        %add3A_590 = arith.constant 8 : i32
        %add3A_591 = arith.addi %mul3A_589, %add3A_590 : i32
        %get3A_592 = arith.index_cast %add3A_591 : i32 to index
        %get3A_593 = arith.constant 0 : index
        %get3A_594 = tpu.vector_load %arg9[%get3A_592, %get3A_593] {strides = array<i32>} : memref<128x64xf32, #tpu.memory_space<vmem>>, vector<1x16xf32>,
        %get3A_595 = vector.shape_cast %get3A_594 : vector<1x16xf32> to vector<16xf32>
        %get3A_596 = arith.index_cast %add3A_591 : i32 to index
        %get3A_597 = arith.constant 16 : index
        %get3A_598 = tpu.vector_load %arg9[%get3A_596, %get3A_597] {strides = array<i32>} : memref<128x64xf32, #tpu.memory_space<vmem>>, vector<1x16xf32>,
        %get3A_599 = vector.shape_cast %get3A_598 : vector<1x16xf32> to vector<16xf32>
        %get3A_600 = arith.index_cast %add3A_591 : i32 to index
        %get3A_601 = arith.constant 32 : index
        %get3A_602 = tpu.vector_load %arg9[%get3A_600, %get3A_601] {strides = array<i32>} : memref<128x64xf32, #tpu.memory_space<vmem>>, vector<1x16xf32>,
        %get3A_603 = vector.shape_cast %get3A_602 : vector<1x16xf32> to vector<16xf32>
        %get3A_604 = arith.index_cast %add3A_591 : i32 to index
        %get3A_605 = arith.constant 48 : index
        %get3A_606 = tpu.vector_load %arg9[%get3A_604, %get3A_605] {strides = array<i32>} : memref<128x64xf32, #tpu.memory_space<vmem>>, vector<1x16xf32>,
        %get3A_607 = vector.shape_cast %get3A_606 : vector<1x16xf32> to vector<16xf32>
        %swap3A_608 = arith.index_cast %squeeze3A_587 : i32 to index
        %swap3A_609 = arith.constant 0 : index
        %swap3A_610 = tpu.vector_load %arg6[%swap3A_608, %swap3A_609] {strides = array<i32>} : memref<1024x64xf32, #tpu.memory_space<vmem>>, vector<1x16xf32>,
        %swap3A_611 = vector.shape_cast %swap3A_610 : vector<1x16xf32> to vector<16xf32>
        %swap3A_612 = vector.shape_cast %get3A_595 : vector<16xf32> to vector<1x16xf32>
        tpu.vector_store %arg6[%swap3A_608, %swap3A_609], %swap3A_612 {add = true, strides = array<i32>} : memref<1024x64xf32, #tpu.memory_space<vmem>>, vector<1x16xf32>,
        %swap3A_613 = arith.index_cast %squeeze3A_587 : i32 to index
        %swap3A_614 = arith.constant 16 : index
        %swap3A_615 = tpu.vector_load %arg6[%swap3A_613, %swap3A_614] {strides = array<i32>} : memref<1024x64xf32, #tpu.memory_space<vmem>>, vector<1x16xf32>,
        %swap3A_616 = vector.shape_cast %swap3A_615 : vector<1x16xf32> to vector<16xf32>
        %swap3A_617 = vector.shape_cast %get3A_599 : vector<16xf32> to vector<1x16xf32>
        tpu.vector_store %arg6[%swap3A_613, %swap3A_614], %swap3A_617 {add = true, strides = array<i32>} : memref<1024x64xf32, #tpu.memory_space<vmem>>, vector<1x16xf32>,
        %swap3A_618 = arith.index_cast %squeeze3A_587 : i32 to index
        %swap3A_619 = arith.constant 32 : index
        %swap3A_620 = tpu.vector_load %arg6[%swap3A_618, %swap3A_619] {strides = array<i32>} : memref<1024x64xf32, #tpu.memory_space<vmem>>, vector<1x16xf32>,
        %swap3A_621 = vector.shape_cast %swap3A_620 : vector<1x16xf32> to vector<16xf32>
        %swap3A_622 = vector.shape_cast %get3A_603 : vector<16xf32> to vector<1x16xf32>
        tpu.vector_store %arg6[%swap3A_618, %swap3A_619], %swap3A_622 {add = true, strides = array<i32>} : memref<1024x64xf32, #tpu.memory_space<vmem>>, vector<1x16xf32>,
        %swap3A_623 = arith.index_cast %squeeze3A_587 : i32 to index
        %swap3A_624 = arith.constant 48 : index
        %swap3A_625 = tpu.vector_load %arg6[%swap3A_623, %swap3A_624] {strides = array<i32>} : memref<1024x64xf32, #tpu.memory_space<vmem>>, vector<1x16xf32>,
        %swap3A_626 = vector.shape_cast %swap3A_625 : vector<1x16xf32> to vector<16xf32>
        %swap3A_627 = vector.shape_cast %get3A_607 : vector<16xf32> to vector<1x16xf32>
        tpu.vector_store %arg6[%swap3A_623, %swap3A_624], %swap3A_627 {add = true, strides = array<i32>} : memref<1024x64xf32, #tpu.memory_space<vmem>>, vector<1x16xf32>,
        %mul3A_628 = arith.mulf %get3A_595, %get3A_595 : vector<16xf32>
        %mul3A_629 = arith.mulf %get3A_599, %get3A_599 : vector<16xf32>
        %add3A_630 = arith.addf %mul3A_628, %mul3A_629 : vector<16xf32>
        %mul3A_631 = arith.mulf %get3A_603, %get3A_603 : vector<16xf32>
        %mul3A_632 = arith.mulf %get3A_607, %get3A_607 : vector<16xf32>
        %add3A_633 = arith.addf %mul3A_631, %mul3A_632 : vector<16xf32>
        %add3A_634 = arith.addf %add3A_630, %add3A_633 : vector<16xf32>
        %swap3A_635 = arith.index_cast %squeeze3A_587 : i32 to index
        %swap3A_636 = arith.constant 0 : index
        %swap3A_637 = tpu.vector_load %arg7[%swap3A_635, %swap3A_636] {strides = array<i32>} : memref<1024x32xf32, #tpu.memory_space<vmem>>, vector<1x16xf32>,
        %swap3A_638 = vector.shape_cast %swap3A_637 : vector<1x16xf32> to vector<16xf32>
        %swap3A_639 = vector.shape_cast %add3A_634 : vector<16xf32> to vector<1x16xf32>
        tpu.vector_store %arg7[%swap3A_635, %swap3A_636], %swap3A_639 {add = true, strides = array<i32>} : memref<1024x32xf32, #tpu.memory_space<vmem>>, vector<1x16xf32>,
        %swap3A_640 = arith.index_cast %squeeze3A_587 : i32 to index
        %swap3A_641 = arith.constant 16 : index
        %swap3A_642 = tpu.vector_load %arg7[%swap3A_640, %swap3A_641] {strides = array<i32>} : memref<1024x32xf32, #tpu.memory_space<vmem>>, vector<1x16xf32>,
        %swap3A_643 = vector.shape_cast %swap3A_642 : vector<1x16xf32> to vector<16xf32>
        %swap3A_644 = vector.shape_cast %select_n3A : vector<16xf32> to vector<1x16xf32>
        tpu.vector_store %arg7[%swap3A_640, %swap3A_641], %swap3A_644 {add = true, strides = array<i32>} : memref<1024x32xf32, #tpu.memory_space<vmem>>, vector<1x16xf32>,
        %slice3A_645 = vector.extract_strided_slice %get3A_116 {offsets = [9], sizes = [1], strides = [1]} : vector<16xi32> to vector<1xi32>
        %squeeze3A_646 = vector.extract %slice3A_645[0] : i32 from vector<1xi32>
        %mul3A_647 = arith.constant 16 : i32
        %mul3A_648 = arith.muli %scan3A_112, %mul3A_647 : i32
        %add3A_649 = arith.constant 9 : i32
        %add3A_650 = arith.addi %mul3A_648, %add3A_649 : i32
        %get3A_651 = arith.index_cast %add3A_650 : i32 to index
        %get3A_652 = arith.constant 0 : index
        %get3A_653 = tpu.vector_load %arg9[%get3A_651, %get3A_652] {strides = array<i32>} : memref<128x64xf32, #tpu.memory_space<vmem>>, vector<1x16xf32>,
        %get3A_654 = vector.shape_cast %get3A_653 : vector<1x16xf32> to vector<16xf32>
        %get3A_655 = arith.index_cast %add3A_650 : i32 to index
        %get3A_656 = arith.constant 16 : index
        %get3A_657 = tpu.vector_load %arg9[%get3A_655, %get3A_656] {strides = array<i32>} : memref<128x64xf32, #tpu.memory_space<vmem>>, vector<1x16xf32>,
        %get3A_658 = vector.shape_cast %get3A_657 : vector<1x16xf32> to vector<16xf32>
        %get3A_659 = arith.index_cast %add3A_650 : i32 to index
        %get3A_660 = arith.constant 32 : index
        %get3A_661 = tpu.vector_load %arg9[%get3A_659, %get3A_660] {strides = array<i32>} : memref<128x64xf32, #tpu.memory_space<vmem>>, vector<1x16xf32>,
        %get3A_662 = vector.shape_cast %get3A_661 : vector<1x16xf32> to vector<16xf32>
        %get3A_663 = arith.index_cast %add3A_650 : i32 to index
        %get3A_664 = arith.constant 48 : index
        %get3A_665 = tpu.vector_load %arg9[%get3A_663, %get3A_664] {strides = array<i32>} : memref<128x64xf32, #tpu.memory_space<vmem>>, vector<1x16xf32>,
        %get3A_666 = vector.shape_cast %get3A_665 : vector<1x16xf32> to vector<16xf32>
        %swap3A_667 = arith.index_cast %squeeze3A_646 : i32 to index
        %swap3A_668 = arith.constant 0 : index
        %swap3A_669 = tpu.vector_load %arg6[%swap3A_667, %swap3A_668] {strides = array<i32>} : memref<1024x64xf32, #tpu.memory_space<vmem>>, vector<1x16xf32>,
        %swap3A_670 = vector.shape_cast %swap3A_669 : vector<1x16xf32> to vector<16xf32>
        %swap3A_671 = vector.shape_cast %get3A_654 : vector<16xf32> to vector<1x16xf32>
        tpu.vector_store %arg6[%swap3A_667, %swap3A_668], %swap3A_671 {add = true, strides = array<i32>} : memref<1024x64xf32, #tpu.memory_space<vmem>>, vector<1x16xf32>,
        %swap3A_672 = arith.index_cast %squeeze3A_646 : i32 to index
        %swap3A_673 = arith.constant 16 : index
        %swap3A_674 = tpu.vector_load %arg6[%swap3A_672, %swap3A_673] {strides = array<i32>} : memref<1024x64xf32, #tpu.memory_space<vmem>>, vector<1x16xf32>,
        %swap3A_675 = vector.shape_cast %swap3A_674 : vector<1x16xf32> to vector<16xf32>
        %swap3A_676 = vector.shape_cast %get3A_658 : vector<16xf32> to vector<1x16xf32>
        tpu.vector_store %arg6[%swap3A_672, %swap3A_673], %swap3A_676 {add = true, strides = array<i32>} : memref<1024x64xf32, #tpu.memory_space<vmem>>, vector<1x16xf32>,
        %swap3A_677 = arith.index_cast %squeeze3A_646 : i32 to index
        %swap3A_678 = arith.constant 32 : index
        %swap3A_679 = tpu.vector_load %arg6[%swap3A_677, %swap3A_678] {strides = array<i32>} : memref<1024x64xf32, #tpu.memory_space<vmem>>, vector<1x16xf32>,
        %swap3A_680 = vector.shape_cast %swap3A_679 : vector<1x16xf32> to vector<16xf32>
        %swap3A_681 = vector.shape_cast %get3A_662 : vector<16xf32> to vector<1x16xf32>
        tpu.vector_store %arg6[%swap3A_677, %swap3A_678], %swap3A_681 {add = true, strides = array<i32>} : memref<1024x64xf32, #tpu.memory_space<vmem>>, vector<1x16xf32>,
        %swap3A_682 = arith.index_cast %squeeze3A_646 : i32 to index
        %swap3A_683 = arith.constant 48 : index
        %swap3A_684 = tpu.vector_load %arg6[%swap3A_682, %swap3A_683] {strides = array<i32>} : memref<1024x64xf32, #tpu.memory_space<vmem>>, vector<1x16xf32>,
        %swap3A_685 = vector.shape_cast %swap3A_684 : vector<1x16xf32> to vector<16xf32>
        %swap3A_686 = vector.shape_cast %get3A_666 : vector<16xf32> to vector<1x16xf32>
        tpu.vector_store %arg6[%swap3A_682, %swap3A_683], %swap3A_686 {add = true, strides = array<i32>} : memref<1024x64xf32, #tpu.memory_space<vmem>>, vector<1x16xf32>,
        %mul3A_687 = arith.mulf %get3A_654, %get3A_654 : vector<16xf32>
        %mul3A_688 = arith.mulf %get3A_658, %get3A_658 : vector<16xf32>
        %add3A_689 = arith.addf %mul3A_687, %mul3A_688 : vector<16xf32>
        %mul3A_690 = arith.mulf %get3A_662, %get3A_662 : vector<16xf32>
        %mul3A_691 = arith.mulf %get3A_666, %get3A_666 : vector<16xf32>
        %add3A_692 = arith.addf %mul3A_690, %mul3A_691 : vector<16xf32>
        %add3A_693 = arith.addf %add3A_689, %add3A_692 : vector<16xf32>
        %swap3A_694 = arith.index_cast %squeeze3A_646 : i32 to index
        %swap3A_695 = arith.constant 0 : index
        %swap3A_696 = tpu.vector_load %arg7[%swap3A_694, %swap3A_695] {strides = array<i32>} : memref<1024x32xf32, #tpu.memory_space<vmem>>, vector<1x16xf32>,
        %swap3A_697 = vector.shape_cast %swap3A_696 : vector<1x16xf32> to vector<16xf32>
        %swap3A_698 = vector.shape_cast %add3A_693 : vector<16xf32> to vector<1x16xf32>
        tpu.vector_store %arg7[%swap3A_694, %swap3A_695], %swap3A_698 {add = true, strides = array<i32>} : memref<1024x32xf32, #tpu.memory_space<vmem>>, vector<1x16xf32>,
        %swap3A_699 = arith.index_cast %squeeze3A_646 : i32 to index
        %swap3A_700 = arith.constant 16 : index
        %swap3A_701 = tpu.vector_load %arg7[%swap3A_699, %swap3A_700] {strides = array<i32>} : memref<1024x32xf32, #tpu.memory_space<vmem>>, vector<1x16xf32>,
        %swap3A_702 = vector.shape_cast %swap3A_701 : vector<1x16xf32> to vector<16xf32>
        %swap3A_703 = vector.shape_cast %select_n3A : vector<16xf32> to vector<1x16xf32>
        tpu.vector_store %arg7[%swap3A_699, %swap3A_700], %swap3A_703 {add = true, strides = array<i32>} : memref<1024x32xf32, #tpu.memory_space<vmem>>, vector<1x16xf32>,
        %slice3A_704 = vector.extract_strided_slice %get3A_116 {offsets = [10], sizes = [1], strides = [1]} : vector<16xi32> to vector<1xi32>
        %squeeze3A_705 = vector.extract %slice3A_704[0] : i32 from vector<1xi32>
        %mul3A_706 = arith.constant 16 : i32
        %mul3A_707 = arith.muli %scan3A_112, %mul3A_706 : i32
        %add3A_708 = arith.constant 10 : i32
        %add3A_709 = arith.addi %mul3A_707, %add3A_708 : i32
        %get3A_710 = arith.index_cast %add3A_709 : i32 to index
        %get3A_711 = arith.constant 0 : index
        %get3A_712 = tpu.vector_load %arg9[%get3A_710, %get3A_711] {strides = array<i32>} : memref<128x64xf32, #tpu.memory_space<vmem>>, vector<1x16xf32>,
        %get3A_713 = vector.shape_cast %get3A_712 : vector<1x16xf32> to vector<16xf32>
        %get3A_714 = arith.index_cast %add3A_709 : i32 to index
        %get3A_715 = arith.constant 16 : index
        %get3A_716 = tpu.vector_load %arg9[%get3A_714, %get3A_715] {strides = array<i32>} : memref<128x64xf32, #tpu.memory_space<vmem>>, vector<1x16xf32>,
        %get3A_717 = vector.shape_cast %get3A_716 : vector<1x16xf32> to vector<16xf32>
        %get3A_718 = arith.index_cast %add3A_709 : i32 to index
        %get3A_719 = arith.constant 32 : index
        %get3A_720 = tpu.vector_load %arg9[%get3A_718, %get3A_719] {strides = array<i32>} : memref<128x64xf32, #tpu.memory_space<vmem>>, vector<1x16xf32>,
        %get3A_721 = vector.shape_cast %get3A_720 : vector<1x16xf32> to vector<16xf32>
        %get3A_722 = arith.index_cast %add3A_709 : i32 to index
        %get3A_723 = arith.constant 48 : index
        %get3A_724 = tpu.vector_load %arg9[%get3A_722, %get3A_723] {strides = array<i32>} : memref<128x64xf32, #tpu.memory_space<vmem>>, vector<1x16xf32>,
        %get3A_725 = vector.shape_cast %get3A_724 : vector<1x16xf32> to vector<16xf32>
        %swap3A_726 = arith.index_cast %squeeze3A_705 : i32 to index
        %swap3A_727 = arith.constant 0 : index
        %swap3A_728 = tpu.vector_load %arg6[%swap3A_726, %swap3A_727] {strides = array<i32>} : memref<1024x64xf32, #tpu.memory_space<vmem>>, vector<1x16xf32>,
        %swap3A_729 = vector.shape_cast %swap3A_728 : vector<1x16xf32> to vector<16xf32>
        %swap3A_730 = vector.shape_cast %get3A_713 : vector<16xf32> to vector<1x16xf32>
        tpu.vector_store %arg6[%swap3A_726, %swap3A_727], %swap3A_730 {add = true, strides = array<i32>} : memref<1024x64xf32, #tpu.memory_space<vmem>>, vector<1x16xf32>,
        %swap3A_731 = arith.index_cast %squeeze3A_705 : i32 to index
        %swap3A_732 = arith.constant 16 : index
        %swap3A_733 = tpu.vector_load %arg6[%swap3A_731, %swap3A_732] {strides = array<i32>} : memref<1024x64xf32, #tpu.memory_space<vmem>>, vector<1x16xf32>,
        %swap3A_734 = vector.shape_cast %swap3A_733 : vector<1x16xf32> to vector<16xf32>
        %swap3A_735 = vector.shape_cast %get3A_717 : vector<16xf32> to vector<1x16xf32>
        tpu.vector_store %arg6[%swap3A_731, %swap3A_732], %swap3A_735 {add = true, strides = array<i32>} : memref<1024x64xf32, #tpu.memory_space<vmem>>, vector<1x16xf32>,
        %swap3A_736 = arith.index_cast %squeeze3A_705 : i32 to index
        %swap3A_737 = arith.constant 32 : index
        %swap3A_738 = tpu.vector_load %arg6[%swap3A_736, %swap3A_737] {strides = array<i32>} : memref<1024x64xf32, #tpu.memory_space<vmem>>, vector<1x16xf32>,
        %swap3A_739 = vector.shape_cast %swap3A_738 : vector<1x16xf32> to vector<16xf32>
        %swap3A_740 = vector.shape_cast %get3A_721 : vector<16xf32> to vector<1x16xf32>
        tpu.vector_store %arg6[%swap3A_736, %swap3A_737], %swap3A_740 {add = true, strides = array<i32>} : memref<1024x64xf32, #tpu.memory_space<vmem>>, vector<1x16xf32>,
        %swap3A_741 = arith.index_cast %squeeze3A_705 : i32 to index
        %swap3A_742 = arith.constant 48 : index
        %swap3A_743 = tpu.vector_load %arg6[%swap3A_741, %swap3A_742] {strides = array<i32>} : memref<1024x64xf32, #tpu.memory_space<vmem>>, vector<1x16xf32>,
        %swap3A_744 = vector.shape_cast %swap3A_743 : vector<1x16xf32> to vector<16xf32>
        %swap3A_745 = vector.shape_cast %get3A_725 : vector<16xf32> to vector<1x16xf32>
        tpu.vector_store %arg6[%swap3A_741, %swap3A_742], %swap3A_745 {add = true, strides = array<i32>} : memref<1024x64xf32, #tpu.memory_space<vmem>>, vector<1x16xf32>,
        %mul3A_746 = arith.mulf %get3A_713, %get3A_713 : vector<16xf32>
        %mul3A_747 = arith.mulf %get3A_717, %get3A_717 : vector<16xf32>
        %add3A_748 = arith.addf %mul3A_746, %mul3A_747 : vector<16xf32>
        %mul3A_749 = arith.mulf %get3A_721, %get3A_721 : vector<16xf32>
        %mul3A_750 = arith.mulf %get3A_725, %get3A_725 : vector<16xf32>
        %add3A_751 = arith.addf %mul3A_749, %mul3A_750 : vector<16xf32>
        %add3A_752 = arith.addf %add3A_748, %add3A_751 : vector<16xf32>
        %swap3A_753 = arith.index_cast %squeeze3A_705 : i32 to index
        %swap3A_754 = arith.constant 0 : index
        %swap3A_755 = tpu.vector_load %arg7[%swap3A_753, %swap3A_754] {strides = array<i32>} : memref<1024x32xf32, #tpu.memory_space<vmem>>, vector<1x16xf32>,
        %swap3A_756 = vector.shape_cast %swap3A_755 : vector<1x16xf32> to vector<16xf32>
        %swap3A_757 = vector.shape_cast %add3A_752 : vector<16xf32> to vector<1x16xf32>
        tpu.vector_store %arg7[%swap3A_753, %swap3A_754], %swap3A_757 {add = true, strides = array<i32>} : memref<1024x32xf32, #tpu.memory_space<vmem>>, vector<1x16xf32>,
        %swap3A_758 = arith.index_cast %squeeze3A_705 : i32 to index
        %swap3A_759 = arith.constant 16 : index
        %swap3A_760 = tpu.vector_load %arg7[%swap3A_758, %swap3A_759] {strides = array<i32>} : memref<1024x32xf32, #tpu.memory_space<vmem>>, vector<1x16xf32>,
        %swap3A_761 = vector.shape_cast %swap3A_760 : vector<1x16xf32> to vector<16xf32>
        %swap3A_762 = vector.shape_cast %select_n3A : vector<16xf32> to vector<1x16xf32>
        tpu.vector_store %arg7[%swap3A_758, %swap3A_759], %swap3A_762 {add = true, strides = array<i32>} : memref<1024x32xf32, #tpu.memory_space<vmem>>, vector<1x16xf32>,
        %slice3A_763 = vector.extract_strided_slice %get3A_116 {offsets = [11], sizes = [1], strides = [1]} : vector<16xi32> to vector<1xi32>
        %squeeze3A_764 = vector.extract %slice3A_763[0] : i32 from vector<1xi32>
        %mul3A_765 = arith.constant 16 : i32
        %mul3A_766 = arith.muli %scan3A_112, %mul3A_765 : i32
        %add3A_767 = arith.constant 11 : i32
        %add3A_768 = arith.addi %mul3A_766, %add3A_767 : i32
        %get3A_769 = arith.index_cast %add3A_768 : i32 to index
        %get3A_770 = arith.constant 0 : index
        %get3A_771 = tpu.vector_load %arg9[%get3A_769, %get3A_770] {strides = array<i32>} : memref<128x64xf32, #tpu.memory_space<vmem>>, vector<1x16xf32>,
        %get3A_772 = vector.shape_cast %get3A_771 : vector<1x16xf32> to vector<16xf32>
        %get3A_773 = arith.index_cast %add3A_768 : i32 to index
        %get3A_774 = arith.constant 16 : index
        %get3A_775 = tpu.vector_load %arg9[%get3A_773, %get3A_774] {strides = array<i32>} : memref<128x64xf32, #tpu.memory_space<vmem>>, vector<1x16xf32>,
        %get3A_776 = vector.shape_cast %get3A_775 : vector<1x16xf32> to vector<16xf32>
        %get3A_777 = arith.index_cast %add3A_768 : i32 to index
        %get3A_778 = arith.constant 32 : index
        %get3A_779 = tpu.vector_load %arg9[%get3A_777, %get3A_778] {strides = array<i32>} : memref<128x64xf32, #tpu.memory_space<vmem>>, vector<1x16xf32>,
        %get3A_780 = vector.shape_cast %get3A_779 : vector<1x16xf32> to vector<16xf32>
        %get3A_781 = arith.index_cast %add3A_768 : i32 to index
        %get3A_782 = arith.constant 48 : index
        %get3A_783 = tpu.vector_load %arg9[%get3A_781, %get3A_782] {strides = array<i32>} : memref<128x64xf32, #tpu.memory_space<vmem>>, vector<1x16xf32>,
        %get3A_784 = vector.shape_cast %get3A_783 : vector<1x16xf32> to vector<16xf32>
        %swap3A_785 = arith.index_cast %squeeze3A_764 : i32 to index
        %swap3A_786 = arith.constant 0 : index
        %swap3A_787 = tpu.vector_load %arg6[%swap3A_785, %swap3A_786] {strides = array<i32>} : memref<1024x64xf32, #tpu.memory_space<vmem>>, vector<1x16xf32>,
        %swap3A_788 = vector.shape_cast %swap3A_787 : vector<1x16xf32> to vector<16xf32>
        %swap3A_789 = vector.shape_cast %get3A_772 : vector<16xf32> to vector<1x16xf32>
        tpu.vector_store %arg6[%swap3A_785, %swap3A_786], %swap3A_789 {add = true, strides = array<i32>} : memref<1024x64xf32, #tpu.memory_space<vmem>>, vector<1x16xf32>,
        %swap3A_790 = arith.index_cast %squeeze3A_764 : i32 to index
        %swap3A_791 = arith.constant 16 : index
        %swap3A_792 = tpu.vector_load %arg6[%swap3A_790, %swap3A_791] {strides = array<i32>} : memref<1024x64xf32, #tpu.memory_space<vmem>>, vector<1x16xf32>,
        %swap3A_793 = vector.shape_cast %swap3A_792 : vector<1x16xf32> to vector<16xf32>
        %swap3A_794 = vector.shape_cast %get3A_776 : vector<16xf32> to vector<1x16xf32>
        tpu.vector_store %arg6[%swap3A_790, %swap3A_791], %swap3A_794 {add = true, strides = array<i32>} : memref<1024x64xf32, #tpu.memory_space<vmem>>, vector<1x16xf32>,
        %swap3A_795 = arith.index_cast %squeeze3A_764 : i32 to index
        %swap3A_796 = arith.constant 32 : index
        %swap3A_797 = tpu.vector_load %arg6[%swap3A_795, %swap3A_796] {strides = array<i32>} : memref<1024x64xf32, #tpu.memory_space<vmem>>, vector<1x16xf32>,
        %swap3A_798 = vector.shape_cast %swap3A_797 : vector<1x16xf32> to vector<16xf32>
        %swap3A_799 = vector.shape_cast %get3A_780 : vector<16xf32> to vector<1x16xf32>
        tpu.vector_store %arg6[%swap3A_795, %swap3A_796], %swap3A_799 {add = true, strides = array<i32>} : memref<1024x64xf32, #tpu.memory_space<vmem>>, vector<1x16xf32>,
        %swap3A_800 = arith.index_cast %squeeze3A_764 : i32 to index
        %swap3A_801 = arith.constant 48 : index
        %swap3A_802 = tpu.vector_load %arg6[%swap3A_800, %swap3A_801] {strides = array<i32>} : memref<1024x64xf32, #tpu.memory_space<vmem>>, vector<1x16xf32>,
        %swap3A_803 = vector.shape_cast %swap3A_802 : vector<1x16xf32> to vector<16xf32>
        %swap3A_804 = vector.shape_cast %get3A_784 : vector<16xf32> to vector<1x16xf32>
        tpu.vector_store %arg6[%swap3A_800, %swap3A_801], %swap3A_804 {add = true, strides = array<i32>} : memref<1024x64xf32, #tpu.memory_space<vmem>>, vector<1x16xf32>,
        %mul3A_805 = arith.mulf %get3A_772, %get3A_772 : vector<16xf32>
        %mul3A_806 = arith.mulf %get3A_776, %get3A_776 : vector<16xf32>
        %add3A_807 = arith.addf %mul3A_805, %mul3A_806 : vector<16xf32>
        %mul3A_808 = arith.mulf %get3A_780, %get3A_780 : vector<16xf32>
        %mul3A_809 = arith.mulf %get3A_784, %get3A_784 : vector<16xf32>
        %add3A_810 = arith.addf %mul3A_808, %mul3A_809 : vector<16xf32>
        %add3A_811 = arith.addf %add3A_807, %add3A_810 : vector<16xf32>
        %swap3A_812 = arith.index_cast %squeeze3A_764 : i32 to index
        %swap3A_813 = arith.constant 0 : index
        %swap3A_814 = tpu.vector_load %arg7[%swap3A_812, %swap3A_813] {strides = array<i32>} : memref<1024x32xf32, #tpu.memory_space<vmem>>, vector<1x16xf32>,
        %swap3A_815 = vector.shape_cast %swap3A_814 : vector<1x16xf32> to vector<16xf32>
        %swap3A_816 = vector.shape_cast %add3A_811 : vector<16xf32> to vector<1x16xf32>
        tpu.vector_store %arg7[%swap3A_812, %swap3A_813], %swap3A_816 {add = true, strides = array<i32>} : memref<1024x32xf32, #tpu.memory_space<vmem>>, vector<1x16xf32>,
        %swap3A_817 = arith.index_cast %squeeze3A_764 : i32 to index
        %swap3A_818 = arith.constant 16 : index
        %swap3A_819 = tpu.vector_load %arg7[%swap3A_817, %swap3A_818] {strides = array<i32>} : memref<1024x32xf32, #tpu.memory_space<vmem>>, vector<1x16xf32>,
        %swap3A_820 = vector.shape_cast %swap3A_819 : vector<1x16xf32> to vector<16xf32>
        %swap3A_821 = vector.shape_cast %select_n3A : vector<16xf32> to vector<1x16xf32>
        tpu.vector_store %arg7[%swap3A_817, %swap3A_818], %swap3A_821 {add = true, strides = array<i32>} : memref<1024x32xf32, #tpu.memory_space<vmem>>, vector<1x16xf32>,
        %slice3A_822 = vector.extract_strided_slice %get3A_116 {offsets = [12], sizes = [1], strides = [1]} : vector<16xi32> to vector<1xi32>
        %squeeze3A_823 = vector.extract %slice3A_822[0] : i32 from vector<1xi32>
        %mul3A_824 = arith.constant 16 : i32
        %mul3A_825 = arith.muli %scan3A_112, %mul3A_824 : i32
        %add3A_826 = arith.constant 12 : i32
        %add3A_827 = arith.addi %mul3A_825, %add3A_826 : i32
        %get3A_828 = arith.index_cast %add3A_827 : i32 to index
        %get3A_829 = arith.constant 0 : index
        %get3A_830 = tpu.vector_load %arg9[%get3A_828, %get3A_829] {strides = array<i32>} : memref<128x64xf32, #tpu.memory_space<vmem>>, vector<1x16xf32>,
        %get3A_831 = vector.shape_cast %get3A_830 : vector<1x16xf32> to vector<16xf32>
        %get3A_832 = arith.index_cast %add3A_827 : i32 to index
        %get3A_833 = arith.constant 16 : index
        %get3A_834 = tpu.vector_load %arg9[%get3A_832, %get3A_833] {strides = array<i32>} : memref<128x64xf32, #tpu.memory_space<vmem>>, vector<1x16xf32>,
        %get3A_835 = vector.shape_cast %get3A_834 : vector<1x16xf32> to vector<16xf32>
        %get3A_836 = arith.index_cast %add3A_827 : i32 to index
        %get3A_837 = arith.constant 32 : index
        %get3A_838 = tpu.vector_load %arg9[%get3A_836, %get3A_837] {strides = array<i32>} : memref<128x64xf32, #tpu.memory_space<vmem>>, vector<1x16xf32>,
        %get3A_839 = vector.shape_cast %get3A_838 : vector<1x16xf32> to vector<16xf32>
        %get3A_840 = arith.index_cast %add3A_827 : i32 to index
        %get3A_841 = arith.constant 48 : index
        %get3A_842 = tpu.vector_load %arg9[%get3A_840, %get3A_841] {strides = array<i32>} : memref<128x64xf32, #tpu.memory_space<vmem>>, vector<1x16xf32>,
        %get3A_843 = vector.shape_cast %get3A_842 : vector<1x16xf32> to vector<16xf32>
        %swap3A_844 = arith.index_cast %squeeze3A_823 : i32 to index
        %swap3A_845 = arith.constant 0 : index
        %swap3A_846 = tpu.vector_load %arg6[%swap3A_844, %swap3A_845] {strides = array<i32>} : memref<1024x64xf32, #tpu.memory_space<vmem>>, vector<1x16xf32>,
        %swap3A_847 = vector.shape_cast %swap3A_846 : vector<1x16xf32> to vector<16xf32>
        %swap3A_848 = vector.shape_cast %get3A_831 : vector<16xf32> to vector<1x16xf32>
        tpu.vector_store %arg6[%swap3A_844, %swap3A_845], %swap3A_848 {add = true, strides = array<i32>} : memref<1024x64xf32, #tpu.memory_space<vmem>>, vector<1x16xf32>,
        %swap3A_849 = arith.index_cast %squeeze3A_823 : i32 to index
        %swap3A_850 = arith.constant 16 : index
        %swap3A_851 = tpu.vector_load %arg6[%swap3A_849, %swap3A_850] {strides = array<i32>} : memref<1024x64xf32, #tpu.memory_space<vmem>>, vector<1x16xf32>,
        %swap3A_852 = vector.shape_cast %swap3A_851 : vector<1x16xf32> to vector<16xf32>
        %swap3A_853 = vector.shape_cast %get3A_835 : vector<16xf32> to vector<1x16xf32>
        tpu.vector_store %arg6[%swap3A_849, %swap3A_850], %swap3A_853 {add = true, strides = array<i32>} : memref<1024x64xf32, #tpu.memory_space<vmem>>, vector<1x16xf32>,
        %swap3A_854 = arith.index_cast %squeeze3A_823 : i32 to index
        %swap3A_855 = arith.constant 32 : index
        %swap3A_856 = tpu.vector_load %arg6[%swap3A_854, %swap3A_855] {strides = array<i32>} : memref<1024x64xf32, #tpu.memory_space<vmem>>, vector<1x16xf32>,
        %swap3A_857 = vector.shape_cast %swap3A_856 : vector<1x16xf32> to vector<16xf32>
        %swap3A_858 = vector.shape_cast %get3A_839 : vector<16xf32> to vector<1x16xf32>
        tpu.vector_store %arg6[%swap3A_854, %swap3A_855], %swap3A_858 {add = true, strides = array<i32>} : memref<1024x64xf32, #tpu.memory_space<vmem>>, vector<1x16xf32>,
        %swap3A_859 = arith.index_cast %squeeze3A_823 : i32 to index
        %swap3A_860 = arith.constant 48 : index
        %swap3A_861 = tpu.vector_load %arg6[%swap3A_859, %swap3A_860] {strides = array<i32>} : memref<1024x64xf32, #tpu.memory_space<vmem>>, vector<1x16xf32>,
        %swap3A_862 = vector.shape_cast %swap3A_861 : vector<1x16xf32> to vector<16xf32>
        %swap3A_863 = vector.shape_cast %get3A_843 : vector<16xf32> to vector<1x16xf32>
        tpu.vector_store %arg6[%swap3A_859, %swap3A_860], %swap3A_863 {add = true, strides = array<i32>} : memref<1024x64xf32, #tpu.memory_space<vmem>>, vector<1x16xf32>,
        %mul3A_864 = arith.mulf %get3A_831, %get3A_831 : vector<16xf32>
        %mul3A_865 = arith.mulf %get3A_835, %get3A_835 : vector<16xf32>
        %add3A_866 = arith.addf %mul3A_864, %mul3A_865 : vector<16xf32>
        %mul3A_867 = arith.mulf %get3A_839, %get3A_839 : vector<16xf32>
        %mul3A_868 = arith.mulf %get3A_843, %get3A_843 : vector<16xf32>
        %add3A_869 = arith.addf %mul3A_867, %mul3A_868 : vector<16xf32>
        %add3A_870 = arith.addf %add3A_866, %add3A_869 : vector<16xf32>
        %swap3A_871 = arith.index_cast %squeeze3A_823 : i32 to index
        %swap3A_872 = arith.constant 0 : index
        %swap3A_873 = tpu.vector_load %arg7[%swap3A_871, %swap3A_872] {strides = array<i32>} : memref<1024x32xf32, #tpu.memory_space<vmem>>, vector<1x16xf32>,
        %swap3A_874 = vector.shape_cast %swap3A_873 : vector<1x16xf32> to vector<16xf32>
        %swap3A_875 = vector.shape_cast %add3A_870 : vector<16xf32> to vector<1x16xf32>
        tpu.vector_store %arg7[%swap3A_871, %swap3A_872], %swap3A_875 {add = true, strides = array<i32>} : memref<1024x32xf32, #tpu.memory_space<vmem>>, vector<1x16xf32>,
        %swap3A_876 = arith.index_cast %squeeze3A_823 : i32 to index
        %swap3A_877 = arith.constant 16 : index
        %swap3A_878 = tpu.vector_load %arg7[%swap3A_876, %swap3A_877] {strides = array<i32>} : memref<1024x32xf32, #tpu.memory_space<vmem>>, vector<1x16xf32>,
        %swap3A_879 = vector.shape_cast %swap3A_878 : vector<1x16xf32> to vector<16xf32>
        %swap3A_880 = vector.shape_cast %select_n3A : vector<16xf32> to vector<1x16xf32>
        tpu.vector_store %arg7[%swap3A_876, %swap3A_877], %swap3A_880 {add = true, strides = array<i32>} : memref<1024x32xf32, #tpu.memory_space<vmem>>, vector<1x16xf32>,
        %slice3A_881 = vector.extract_strided_slice %get3A_116 {offsets = [13], sizes = [1], strides = [1]} : vector<16xi32> to vector<1xi32>
        %squeeze3A_882 = vector.extract %slice3A_881[0] : i32 from vector<1xi32>
        %mul3A_883 = arith.constant 16 : i32
        %mul3A_884 = arith.muli %scan3A_112, %mul3A_883 : i32
        %add3A_885 = arith.constant 13 : i32
        %add3A_886 = arith.addi %mul3A_884, %add3A_885 : i32
        %get3A_887 = arith.index_cast %add3A_886 : i32 to index
        %get3A_888 = arith.constant 0 : index
        %get3A_889 = tpu.vector_load %arg9[%get3A_887, %get3A_888] {strides = array<i32>} : memref<128x64xf32, #tpu.memory_space<vmem>>, vector<1x16xf32>,
        %get3A_890 = vector.shape_cast %get3A_889 : vector<1x16xf32> to vector<16xf32>
        %get3A_891 = arith.index_cast %add3A_886 : i32 to index
        %get3A_892 = arith.constant 16 : index
        %get3A_893 = tpu.vector_load %arg9[%get3A_891, %get3A_892] {strides = array<i32>} : memref<128x64xf32, #tpu.memory_space<vmem>>, vector<1x16xf32>,
        %get3A_894 = vector.shape_cast %get3A_893 : vector<1x16xf32> to vector<16xf32>
        %get3A_895 = arith.index_cast %add3A_886 : i32 to index
        %get3A_896 = arith.constant 32 : index
        %get3A_897 = tpu.vector_load %arg9[%get3A_895, %get3A_896] {strides = array<i32>} : memref<128x64xf32, #tpu.memory_space<vmem>>, vector<1x16xf32>,
        %get3A_898 = vector.shape_cast %get3A_897 : vector<1x16xf32> to vector<16xf32>
        %get3A_899 = arith.index_cast %add3A_886 : i32 to index
        %get3A_900 = arith.constant 48 : index
        %get3A_901 = tpu.vector_load %arg9[%get3A_899, %get3A_900] {strides = array<i32>} : memref<128x64xf32, #tpu.memory_space<vmem>>, vector<1x16xf32>,
        %get3A_902 = vector.shape_cast %get3A_901 : vector<1x16xf32> to vector<16xf32>
        %swap3A_903 = arith.index_cast %squeeze3A_882 : i32 to index
        %swap3A_904 = arith.constant 0 : index
        %swap3A_905 = tpu.vector_load %arg6[%swap3A_903, %swap3A_904] {strides = array<i32>} : memref<1024x64xf32, #tpu.memory_space<vmem>>, vector<1x16xf32>,
        %swap3A_906 = vector.shape_cast %swap3A_905 : vector<1x16xf32> to vector<16xf32>
        %swap3A_907 = vector.shape_cast %get3A_890 : vector<16xf32> to vector<1x16xf32>
        tpu.vector_store %arg6[%swap3A_903, %swap3A_904], %swap3A_907 {add = true, strides = array<i32>} : memref<1024x64xf32, #tpu.memory_space<vmem>>, vector<1x16xf32>,
        %swap3A_908 = arith.index_cast %squeeze3A_882 : i32 to index
        %swap3A_909 = arith.constant 16 : index
        %swap3A_910 = tpu.vector_load %arg6[%swap3A_908, %swap3A_909] {strides = array<i32>} : memref<1024x64xf32, #tpu.memory_space<vmem>>, vector<1x16xf32>,
        %swap3A_911 = vector.shape_cast %swap3A_910 : vector<1x16xf32> to vector<16xf32>
        %swap3A_912 = vector.shape_cast %get3A_894 : vector<16xf32> to vector<1x16xf32>
        tpu.vector_store %arg6[%swap3A_908, %swap3A_909], %swap3A_912 {add = true, strides = array<i32>} : memref<1024x64xf32, #tpu.memory_space<vmem>>, vector<1x16xf32>,
        %swap3A_913 = arith.index_cast %squeeze3A_882 : i32 to index
        %swap3A_914 = arith.constant 32 : index
        %swap3A_915 = tpu.vector_load %arg6[%swap3A_913, %swap3A_914] {strides = array<i32>} : memref<1024x64xf32, #tpu.memory_space<vmem>>, vector<1x16xf32>,
        %swap3A_916 = vector.shape_cast %swap3A_915 : vector<1x16xf32> to vector<16xf32>
        %swap3A_917 = vector.shape_cast %get3A_898 : vector<16xf32> to vector<1x16xf32>
        tpu.vector_store %arg6[%swap3A_913, %swap3A_914], %swap3A_917 {add = true, strides = array<i32>} : memref<1024x64xf32, #tpu.memory_space<vmem>>, vector<1x16xf32>,
        %swap3A_918 = arith.index_cast %squeeze3A_882 : i32 to index
        %swap3A_919 = arith.constant 48 : index
        %swap3A_920 = tpu.vector_load %arg6[%swap3A_918, %swap3A_919] {strides = array<i32>} : memref<1024x64xf32, #tpu.memory_space<vmem>>, vector<1x16xf32>,
        %swap3A_921 = vector.shape_cast %swap3A_920 : vector<1x16xf32> to vector<16xf32>
        %swap3A_922 = vector.shape_cast %get3A_902 : vector<16xf32> to vector<1x16xf32>
        tpu.vector_store %arg6[%swap3A_918, %swap3A_919], %swap3A_922 {add = true, strides = array<i32>} : memref<1024x64xf32, #tpu.memory_space<vmem>>, vector<1x16xf32>,
        %mul3A_923 = arith.mulf %get3A_890, %get3A_890 : vector<16xf32>
        %mul3A_924 = arith.mulf %get3A_894, %get3A_894 : vector<16xf32>
        %add3A_925 = arith.addf %mul3A_923, %mul3A_924 : vector<16xf32>
        %mul3A_926 = arith.mulf %get3A_898, %get3A_898 : vector<16xf32>
        %mul3A_927 = arith.mulf %get3A_902, %get3A_902 : vector<16xf32>
        %add3A_928 = arith.addf %mul3A_926, %mul3A_927 : vector<16xf32>
        %add3A_929 = arith.addf %add3A_925, %add3A_928 : vector<16xf32>
        %swap3A_930 = arith.index_cast %squeeze3A_882 : i32 to index
        %swap3A_931 = arith.constant 0 : index
        %swap3A_932 = tpu.vector_load %arg7[%swap3A_930, %swap3A_931] {strides = array<i32>} : memref<1024x32xf32, #tpu.memory_space<vmem>>, vector<1x16xf32>,
        %swap3A_933 = vector.shape_cast %swap3A_932 : vector<1x16xf32> to vector<16xf32>
        %swap3A_934 = vector.shape_cast %add3A_929 : vector<16xf32> to vector<1x16xf32>
        tpu.vector_store %arg7[%swap3A_930, %swap3A_931], %swap3A_934 {add = true, strides = array<i32>} : memref<1024x32xf32, #tpu.memory_space<vmem>>, vector<1x16xf32>,
        %swap3A_935 = arith.index_cast %squeeze3A_882 : i32 to index
        %swap3A_936 = arith.constant 16 : index
        %swap3A_937 = tpu.vector_load %arg7[%swap3A_935, %swap3A_936] {strides = array<i32>} : memref<1024x32xf32, #tpu.memory_space<vmem>>, vector<1x16xf32>,
        %swap3A_938 = vector.shape_cast %swap3A_937 : vector<1x16xf32> to vector<16xf32>
        %swap3A_939 = vector.shape_cast %select_n3A : vector<16xf32> to vector<1x16xf32>
        tpu.vector_store %arg7[%swap3A_935, %swap3A_936], %swap3A_939 {add = true, strides = array<i32>} : memref<1024x32xf32, #tpu.memory_space<vmem>>, vector<1x16xf32>,
        %slice3A_940 = vector.extract_strided_slice %get3A_116 {offsets = [14], sizes = [1], strides = [1]} : vector<16xi32> to vector<1xi32>
        %squeeze3A_941 = vector.extract %slice3A_940[0] : i32 from vector<1xi32>
        %mul3A_942 = arith.constant 16 : i32
        %mul3A_943 = arith.muli %scan3A_112, %mul3A_942 : i32
        %add3A_944 = arith.constant 14 : i32
        %add3A_945 = arith.addi %mul3A_943, %add3A_944 : i32
        %get3A_946 = arith.index_cast %add3A_945 : i32 to index
        %get3A_947 = arith.constant 0 : index
        %get3A_948 = tpu.vector_load %arg9[%get3A_946, %get3A_947] {strides = array<i32>} : memref<128x64xf32, #tpu.memory_space<vmem>>, vector<1x16xf32>,
        %get3A_949 = vector.shape_cast %get3A_948 : vector<1x16xf32> to vector<16xf32>
        %get3A_950 = arith.index_cast %add3A_945 : i32 to index
        %get3A_951 = arith.constant 16 : index
        %get3A_952 = tpu.vector_load %arg9[%get3A_950, %get3A_951] {strides = array<i32>} : memref<128x64xf32, #tpu.memory_space<vmem>>, vector<1x16xf32>,
        %get3A_953 = vector.shape_cast %get3A_952 : vector<1x16xf32> to vector<16xf32>
        %get3A_954 = arith.index_cast %add3A_945 : i32 to index
        %get3A_955 = arith.constant 32 : index
        %get3A_956 = tpu.vector_load %arg9[%get3A_954, %get3A_955] {strides = array<i32>} : memref<128x64xf32, #tpu.memory_space<vmem>>, vector<1x16xf32>,
        %get3A_957 = vector.shape_cast %get3A_956 : vector<1x16xf32> to vector<16xf32>
        %get3A_958 = arith.index_cast %add3A_945 : i32 to index
        %get3A_959 = arith.constant 48 : index
        %get3A_960 = tpu.vector_load %arg9[%get3A_958, %get3A_959] {strides = array<i32>} : memref<128x64xf32, #tpu.memory_space<vmem>>, vector<1x16xf32>,
        %get3A_961 = vector.shape_cast %get3A_960 : vector<1x16xf32> to vector<16xf32>
        %swap3A_962 = arith.index_cast %squeeze3A_941 : i32 to index
        %swap3A_963 = arith.constant 0 : index
        %swap3A_964 = tpu.vector_load %arg6[%swap3A_962, %swap3A_963] {strides = array<i32>} : memref<1024x64xf32, #tpu.memory_space<vmem>>, vector<1x16xf32>,
        %swap3A_965 = vector.shape_cast %swap3A_964 : vector<1x16xf32> to vector<16xf32>
        %swap3A_966 = vector.shape_cast %get3A_949 : vector<16xf32> to vector<1x16xf32>
        tpu.vector_store %arg6[%swap3A_962, %swap3A_963], %swap3A_966 {add = true, strides = array<i32>} : memref<1024x64xf32, #tpu.memory_space<vmem>>, vector<1x16xf32>,
        %swap3A_967 = arith.index_cast %squeeze3A_941 : i32 to index
        %swap3A_968 = arith.constant 16 : index
        %swap3A_969 = tpu.vector_load %arg6[%swap3A_967, %swap3A_968] {strides = array<i32>} : memref<1024x64xf32, #tpu.memory_space<vmem>>, vector<1x16xf32>,
        %swap3A_970 = vector.shape_cast %swap3A_969 : vector<1x16xf32> to vector<16xf32>
        %swap3A_971 = vector.shape_cast %get3A_953 : vector<16xf32> to vector<1x16xf32>
        tpu.vector_store %arg6[%swap3A_967, %swap3A_968], %swap3A_971 {add = true, strides = array<i32>} : memref<1024x64xf32, #tpu.memory_space<vmem>>, vector<1x16xf32>,
        %swap3A_972 = arith.index_cast %squeeze3A_941 : i32 to index
        %swap3A_973 = arith.constant 32 : index
        %swap3A_974 = tpu.vector_load %arg6[%swap3A_972, %swap3A_973] {strides = array<i32>} : memref<1024x64xf32, #tpu.memory_space<vmem>>, vector<1x16xf32>,
        %swap3A_975 = vector.shape_cast %swap3A_974 : vector<1x16xf32> to vector<16xf32>
        %swap3A_976 = vector.shape_cast %get3A_957 : vector<16xf32> to vector<1x16xf32>
        tpu.vector_store %arg6[%swap3A_972, %swap3A_973], %swap3A_976 {add = true, strides = array<i32>} : memref<1024x64xf32, #tpu.memory_space<vmem>>, vector<1x16xf32>,
        %swap3A_977 = arith.index_cast %squeeze3A_941 : i32 to index
        %swap3A_978 = arith.constant 48 : index
        %swap3A_979 = tpu.vector_load %arg6[%swap3A_977, %swap3A_978] {strides = array<i32>} : memref<1024x64xf32, #tpu.memory_space<vmem>>, vector<1x16xf32>,
        %swap3A_980 = vector.shape_cast %swap3A_979 : vector<1x16xf32> to vector<16xf32>
        %swap3A_981 = vector.shape_cast %get3A_961 : vector<16xf32> to vector<1x16xf32>
        tpu.vector_store %arg6[%swap3A_977, %swap3A_978], %swap3A_981 {add = true, strides = array<i32>} : memref<1024x64xf32, #tpu.memory_space<vmem>>, vector<1x16xf32>,
        %mul3A_982 = arith.mulf %get3A_949, %get3A_949 : vector<16xf32>
        %mul3A_983 = arith.mulf %get3A_953, %get3A_953 : vector<16xf32>
        %add3A_984 = arith.addf %mul3A_982, %mul3A_983 : vector<16xf32>
        %mul3A_985 = arith.mulf %get3A_957, %get3A_957 : vector<16xf32>
        %mul3A_986 = arith.mulf %get3A_961, %get3A_961 : vector<16xf32>
        %add3A_987 = arith.addf %mul3A_985, %mul3A_986 : vector<16xf32>
        %add3A_988 = arith.addf %add3A_984, %add3A_987 : vector<16xf32>
        %swap3A_989 = arith.index_cast %squeeze3A_941 : i32 to index
        %swap3A_990 = arith.constant 0 : index
        %swap3A_991 = tpu.vector_load %arg7[%swap3A_989, %swap3A_990] {strides = array<i32>} : memref<1024x32xf32, #tpu.memory_space<vmem>>, vector<1x16xf32>,
        %swap3A_992 = vector.shape_cast %swap3A_991 : vector<1x16xf32> to vector<16xf32>
        %swap3A_993 = vector.shape_cast %add3A_988 : vector<16xf32> to vector<1x16xf32>
        tpu.vector_store %arg7[%swap3A_989, %swap3A_990], %swap3A_993 {add = true, strides = array<i32>} : memref<1024x32xf32, #tpu.memory_space<vmem>>, vector<1x16xf32>,
        %swap3A_994 = arith.index_cast %squeeze3A_941 : i32 to index
        %swap3A_995 = arith.constant 16 : index
        %swap3A_996 = tpu.vector_load %arg7[%swap3A_994, %swap3A_995] {strides = array<i32>} : memref<1024x32xf32, #tpu.memory_space<vmem>>, vector<1x16xf32>,
        %swap3A_997 = vector.shape_cast %swap3A_996 : vector<1x16xf32> to vector<16xf32>
        %swap3A_998 = vector.shape_cast %select_n3A : vector<16xf32> to vector<1x16xf32>
        tpu.vector_store %arg7[%swap3A_994, %swap3A_995], %swap3A_998 {add = true, strides = array<i32>} : memref<1024x32xf32, #tpu.memory_space<vmem>>, vector<1x16xf32>,
        %slice3A_999 = vector.extract_strided_slice %get3A_116 {offsets = [15], sizes = [1], strides = [1]} : vector<16xi32> to vector<1xi32>
        %squeeze3A_1000 = vector.extract %slice3A_999[0] : i32 from vector<1xi32>
        %mul3A_1001 = arith.constant 16 : i32
        %mul3A_1002 = arith.muli %scan3A_112, %mul3A_1001 : i32
        %add3A_1003 = arith.constant 15 : i32
        %add3A_1004 = arith.addi %mul3A_1002, %add3A_1003 : i32
        %get3A_1005 = arith.index_cast %add3A_1004 : i32 to index
        %get3A_1006 = arith.constant 0 : index
        %get3A_1007 = tpu.vector_load %arg9[%get3A_1005, %get3A_1006] {strides = array<i32>} : memref<128x64xf32, #tpu.memory_space<vmem>>, vector<1x16xf32>,
        %get3A_1008 = vector.shape_cast %get3A_1007 : vector<1x16xf32> to vector<16xf32>
        %get3A_1009 = arith.index_cast %add3A_1004 : i32 to index
        %get3A_1010 = arith.constant 16 : index
        %get3A_1011 = tpu.vector_load %arg9[%get3A_1009, %get3A_1010] {strides = array<i32>} : memref<128x64xf32, #tpu.memory_space<vmem>>, vector<1x16xf32>,
        %get3A_1012 = vector.shape_cast %get3A_1011 : vector<1x16xf32> to vector<16xf32>
        %get3A_1013 = arith.index_cast %add3A_1004 : i32 to index
        %get3A_1014 = arith.constant 32 : index
        %get3A_1015 = tpu.vector_load %arg9[%get3A_1013, %get3A_1014] {strides = array<i32>} : memref<128x64xf32, #tpu.memory_space<vmem>>, vector<1x16xf32>,
        %get3A_1016 = vector.shape_cast %get3A_1015 : vector<1x16xf32> to vector<16xf32>
        %get3A_1017 = arith.index_cast %add3A_1004 : i32 to index
        %get3A_1018 = arith.constant 48 : index
        %get3A_1019 = tpu.vector_load %arg9[%get3A_1017, %get3A_1018] {strides = array<i32>} : memref<128x64xf32, #tpu.memory_space<vmem>>, vector<1x16xf32>,
        %get3A_1020 = vector.shape_cast %get3A_1019 : vector<1x16xf32> to vector<16xf32>
        %swap3A_1021 = arith.index_cast %squeeze3A_1000 : i32 to index
        %swap3A_1022 = arith.constant 0 : index
        %swap3A_1023 = tpu.vector_load %arg6[%swap3A_1021, %swap3A_1022] {strides = array<i32>} : memref<1024x64xf32, #tpu.memory_space<vmem>>, vector<1x16xf32>,
        %swap3A_1024 = vector.shape_cast %swap3A_1023 : vector<1x16xf32> to vector<16xf32>
        %swap3A_1025 = vector.shape_cast %get3A_1008 : vector<16xf32> to vector<1x16xf32>
        tpu.vector_store %arg6[%swap3A_1021, %swap3A_1022], %swap3A_1025 {add = true, strides = array<i32>} : memref<1024x64xf32, #tpu.memory_space<vmem>>, vector<1x16xf32>,
        %swap3A_1026 = arith.index_cast %squeeze3A_1000 : i32 to index
        %swap3A_1027 = arith.constant 16 : index
        %swap3A_1028 = tpu.vector_load %arg6[%swap3A_1026, %swap3A_1027] {strides = array<i32>} : memref<1024x64xf32, #tpu.memory_space<vmem>>, vector<1x16xf32>,
        %swap3A_1029 = vector.shape_cast %swap3A_1028 : vector<1x16xf32> to vector<16xf32>
        %swap3A_1030 = vector.shape_cast %get3A_1012 : vector<16xf32> to vector<1x16xf32>
        tpu.vector_store %arg6[%swap3A_1026, %swap3A_1027], %swap3A_1030 {add = true, strides = array<i32>} : memref<1024x64xf32, #tpu.memory_space<vmem>>, vector<1x16xf32>,
        %swap3A_1031 = arith.index_cast %squeeze3A_1000 : i32 to index
        %swap3A_1032 = arith.constant 32 : index
        %swap3A_1033 = tpu.vector_load %arg6[%swap3A_1031, %swap3A_1032] {strides = array<i32>} : memref<1024x64xf32, #tpu.memory_space<vmem>>, vector<1x16xf32>,
        %swap3A_1034 = vector.shape_cast %swap3A_1033 : vector<1x16xf32> to vector<16xf32>
        %swap3A_1035 = vector.shape_cast %get3A_1016 : vector<16xf32> to vector<1x16xf32>
        tpu.vector_store %arg6[%swap3A_1031, %swap3A_1032], %swap3A_1035 {add = true, strides = array<i32>} : memref<1024x64xf32, #tpu.memory_space<vmem>>, vector<1x16xf32>,
        %swap3A_1036 = arith.index_cast %squeeze3A_1000 : i32 to index
        %swap3A_1037 = arith.constant 48 : index
        %swap3A_1038 = tpu.vector_load %arg6[%swap3A_1036, %swap3A_1037] {strides = array<i32>} : memref<1024x64xf32, #tpu.memory_space<vmem>>, vector<1x16xf32>,
        %swap3A_1039 = vector.shape_cast %swap3A_1038 : vector<1x16xf32> to vector<16xf32>
        %swap3A_1040 = vector.shape_cast %get3A_1020 : vector<16xf32> to vector<1x16xf32>
        tpu.vector_store %arg6[%swap3A_1036, %swap3A_1037], %swap3A_1040 {add = true, strides = array<i32>} : memref<1024x64xf32, #tpu.memory_space<vmem>>, vector<1x16xf32>,
        %mul3A_1041 = arith.mulf %get3A_1008, %get3A_1008 : vector<16xf32>
        %mul3A_1042 = arith.mulf %get3A_1012, %get3A_1012 : vector<16xf32>
        %add3A_1043 = arith.addf %mul3A_1041, %mul3A_1042 : vector<16xf32>
        %mul3A_1044 = arith.mulf %get3A_1016, %get3A_1016 : vector<16xf32>
        %mul3A_1045 = arith.mulf %get3A_1020, %get3A_1020 : vector<16xf32>
        %add3A_1046 = arith.addf %mul3A_1044, %mul3A_1045 : vector<16xf32>
        %add3A_1047 = arith.addf %add3A_1043, %add3A_1046 : vector<16xf32>
        %swap3A_1048 = arith.index_cast %squeeze3A_1000 : i32 to index
        %swap3A_1049 = arith.constant 0 : index
        %swap3A_1050 = tpu.vector_load %arg7[%swap3A_1048, %swap3A_1049] {strides = array<i32>} : memref<1024x32xf32, #tpu.memory_space<vmem>>, vector<1x16xf32>,
        %swap3A_1051 = vector.shape_cast %swap3A_1050 : vector<1x16xf32> to vector<16xf32>
        %swap3A_1052 = vector.shape_cast %add3A_1047 : vector<16xf32> to vector<1x16xf32>
        tpu.vector_store %arg7[%swap3A_1048, %swap3A_1049], %swap3A_1052 {add = true, strides = array<i32>} : memref<1024x32xf32, #tpu.memory_space<vmem>>, vector<1x16xf32>,
        %swap3A_1053 = arith.index_cast %squeeze3A_1000 : i32 to index
        %swap3A_1054 = arith.constant 16 : index
        %swap3A_1055 = tpu.vector_load %arg7[%swap3A_1053, %swap3A_1054] {strides = array<i32>} : memref<1024x32xf32, #tpu.memory_space<vmem>>, vector<1x16xf32>,
        %swap3A_1056 = vector.shape_cast %swap3A_1055 : vector<1x16xf32> to vector<16xf32>
        %swap3A_1057 = vector.shape_cast %select_n3A : vector<16xf32> to vector<1x16xf32>
        tpu.vector_store %arg7[%swap3A_1053, %swap3A_1054], %swap3A_1057 {add = true, strides = array<i32>} : memref<1024x32xf32, #tpu.memory_space<vmem>>, vector<1x16xf32>,
      }
      %scan3A_86 = arith.constant 8 : i32
      %add3A_87 = arith.constant 2 : i32
      %add3A_88 = arith.addi %add3A_76, %add3A_87 : i32
      %jit3A_89 = arith.constant 16 : i32
      %eq3A_90 = arith.constant 0 : i32
      %eq3A_91 = arith.cmpi eq, %jit3A_89, %eq3A_90 : i32
      %jit3A_92 = arith.constant 1 : i32
      %select_n3A_93 = arith.select %eq3A_91, %jit3A_92, %jit3A_89 : i32
      %rem3A_94 = arith.remsi %add3A_88, %select_n3A_93 : i32
      %ne3A_95 = arith.constant 0 : i32
      %ne3A_96 = arith.cmpi ne, %rem3A_94, %ne3A_95 : i32
      %lt3A_97 = arith.constant 0 : i32
      %lt3A_98 = arith.cmpi slt, %rem3A_94, %lt3A_97 : i32
      %lt3A_99 = arith.constant 0 : i32
      %lt3A_100 = arith.cmpi slt, %select_n3A_93, %lt3A_99 : i32
      %ne3A_101 = arith.xori %lt3A_98, %lt3A_100 : i1
      %and3A_102 = arith.andi %ne3A_101, %ne3A_96 : i1
      %add3A_103 = arith.addi %rem3A_94, %select_n3A_93 : i32
      %select_n3A_104 = arith.select %and3A_102, %add3A_103, %rem3A_94 : i32
      %mul3A_105 = arith.constant 128 : i32
      %mul3A_106 = arith.muli %select_n3A_104, %mul3A_105 : i32
      %add3A_107 = arith.addi %mul3A_0, %mul3A_106 : i32
      %dma_start3A_108 = tpu.memref_slice %arg2[%add3A_107, %mul3A_2] : memref<4096x1024xf32, #tpu.memory_space<hbm>> -> memref<128x64xf32, #tpu.memory_space<hbm>>
      %dma_start3A_109 = tpu.memref_slice %arg2[%add3A_107, %mul3A_2] : memref<4096x1024xf32, #tpu.memory_space<hbm>> -> memref<128x64xf32, #tpu.memory_space<hbm>>
      tpu.enqueue_dma source(%dma_start3A_109 : memref<128x64xf32, #tpu.memory_space<hbm>>) target(%arg9 : memref<128x64xf32, #tpu.memory_space<vmem>>) target_semaphore(%arg13 : memref<!tpu.dma_semaphore, #tpu.memory_space<semaphore_mem>>)
      %dma_start3A_110 = tpu.memref_slice %arg3[%add3A_107] : memref<4096xi32, #tpu.memory_space<hbm>> -> memref<128xi32, #tpu.memory_space<hbm>>
      %dma_start3A_111 = tpu.memref_slice %arg3[%add3A_107] : memref<4096xi32, #tpu.memory_space<hbm>> -> memref<128xi32, #tpu.memory_space<hbm>>
      tpu.enqueue_dma source(%dma_start3A_111 : memref<128xi32, #tpu.memory_space<hbm>>) target(%arg11 : memref<128xi32, #tpu.memory_space<vmem>>) target_semaphore(%arg13 : memref<!tpu.dma_semaphore, #tpu.memory_space<semaphore_mem>>)
    }
    %scan3A_29 = arith.constant 8 : i32
    %dma_wait3A = tpu.memref_slice %arg2[%mul3A_0, %mul3A_2] : memref<4096x1024xf32, #tpu.memory_space<hbm>> -> memref<128x64xf32, #tpu.memory_space<hbm>>
    %dma_wait3A_30 = tpu.memref_slice %arg2[%mul3A_0, %mul3A_2] : memref<4096x1024xf32, #tpu.memory_space<hbm>> -> memref<128x64xf32, #tpu.memory_space<hbm>>
    tpu.wait_dma2 semaphore(%arg12 : memref<!tpu.dma_semaphore, #tpu.memory_space<semaphore_mem>>) src(%dma_wait3A_30 : memref<128x64xf32, #tpu.memory_space<hbm>>) dst(%arg8 : memref<128x64xf32, #tpu.memory_space<vmem>>)
    %dma_wait3A_31 = tpu.memref_slice %arg3[%mul3A_0] : memref<4096xi32, #tpu.memory_space<hbm>> -> memref<128xi32, #tpu.memory_space<hbm>>
    %dma_wait3A_32 = tpu.memref_slice %arg3[%mul3A_0] : memref<4096xi32, #tpu.memory_space<hbm>> -> memref<128xi32, #tpu.memory_space<hbm>>
    tpu.wait_dma2 semaphore(%arg12 : memref<!tpu.dma_semaphore, #tpu.memory_space<semaphore_mem>>) src(%dma_wait3A_32 : memref<128xi32, #tpu.memory_space<hbm>>) dst(%arg10 : memref<128xi32, #tpu.memory_space<vmem>>)
    %dma_wait3A_33 = tpu.memref_slice %arg2[%mul3A_0, %mul3A_2] : memref<4096x1024xf32, #tpu.memory_space<hbm>> -> memref<128x64xf32, #tpu.memory_space<hbm>>
    %dma_wait3A_34 = tpu.memref_slice %arg2[%mul3A_0, %mul3A_2] : memref<4096x1024xf32, #tpu.memory_space<hbm>> -> memref<128x64xf32, #tpu.memory_space<hbm>>
    tpu.wait_dma2 semaphore(%arg13 : memref<!tpu.dma_semaphore, #tpu.memory_space<semaphore_mem>>) src(%dma_wait3A_34 : memref<128x64xf32, #tpu.memory_space<hbm>>) dst(%arg9 : memref<128x64xf32, #tpu.memory_space<vmem>>)
    %dma_wait3A_35 = tpu.memref_slice %arg3[%mul3A_0] : memref<4096xi32, #tpu.memory_space<hbm>> -> memref<128xi32, #tpu.memory_space<hbm>>
    %dma_wait3A_36 = tpu.memref_slice %arg3[%mul3A_0] : memref<4096xi32, #tpu.memory_space<hbm>> -> memref<128xi32, #tpu.memory_space<hbm>>
    tpu.wait_dma2 semaphore(%arg13 : memref<!tpu.dma_semaphore, #tpu.memory_space<semaphore_mem>>) src(%dma_wait3A_36 : memref<128xi32, #tpu.memory_space<hbm>>) dst(%arg11 : memref<128xi32, #tpu.memory_space<vmem>>)
    "tpu.region"() ({
      %run_scoped3A = tpu.sem_alloc : memref<!tpu.dma_semaphore, #tpu.memory_space<semaphore_mem>>
      %dma_start3A_37 = arith.constant 0 : i32
      %dma_start3A_38 = arith.constant 0 : i32
      %dma_start3A_39 = tpu.memref_slice %arg4[%arg0, %dma_start3A_37, %arg1, %dma_start3A_38] : memref<2x1024x16x64xf32, #tpu.memory_space<hbm>> -> memref<1x1024x1x64xf32, #tpu.memory_space<hbm>>
      %dma_start3A_40 = tpu.memref_squeeze %dma_start3A_39 : memref<1x1024x1x64xf32, #tpu.memory_space<hbm>> -> memref<1024x64xf32, #tpu.memory_space<hbm>>
      %dma_start3A_41 = arith.constant 0 : i32
      %dma_start3A_42 = arith.constant 0 : i32
      %dma_start3A_43 = tpu.memref_slice %arg4[%arg0, %dma_start3A_41, %arg1, %dma_start3A_42] : memref<2x1024x16x64xf32, #tpu.memory_space<hbm>> -> memref<1x1024x1x64xf32, #tpu.memory_space<hbm>>
      %dma_start3A_44 = tpu.memref_squeeze %dma_start3A_43 : memref<1x1024x1x64xf32, #tpu.memory_space<hbm>> -> memref<1024x64xf32, #tpu.memory_space<hbm>>
      tpu.enqueue_dma source(%arg6 : memref<1024x64xf32, #tpu.memory_space<vmem>>) target(%dma_start3A_44 : memref<1024x64xf32, #tpu.memory_space<hbm>>) target_semaphore(%run_scoped3A : memref<!tpu.dma_semaphore, #tpu.memory_space<semaphore_mem>>)
      %dma_wait3A_45 = arith.constant 0 : i32
      %dma_wait3A_46 = arith.constant 0 : i32
      %dma_wait3A_47 = tpu.memref_slice %arg4[%arg0, %dma_wait3A_45, %arg1, %dma_wait3A_46] : memref<2x1024x16x64xf32, #tpu.memory_space<hbm>> -> memref<1x1024x1x64xf32, #tpu.memory_space<hbm>>
      %dma_wait3A_48 = tpu.memref_squeeze %dma_wait3A_47 : memref<1x1024x1x64xf32, #tpu.memory_space<hbm>> -> memref<1024x64xf32, #tpu.memory_space<hbm>>
      %dma_wait3A_49 = arith.constant 0 : i32
      %dma_wait3A_50 = arith.constant 0 : i32
      %dma_wait3A_51 = tpu.memref_slice %arg4[%arg0, %dma_wait3A_49, %arg1, %dma_wait3A_50] : memref<2x1024x16x64xf32, #tpu.memory_space<hbm>> -> memref<1x1024x1x64xf32, #tpu.memory_space<hbm>>
      %dma_wait3A_52 = tpu.memref_squeeze %dma_wait3A_51 : memref<1x1024x1x64xf32, #tpu.memory_space<hbm>> -> memref<1024x64xf32, #tpu.memory_space<hbm>>
      tpu.wait_dma2 semaphore(%run_scoped3A : memref<!tpu.dma_semaphore, #tpu.memory_space<semaphore_mem>>) src(%arg6 : memref<1024x64xf32, #tpu.memory_space<vmem>>) dst(%dma_wait3A_52 : memref<1024x64xf32, #tpu.memory_space<hbm>>)
      tpu.yield
    }) : () -> ()
    "tpu.region"() ({
      %run_scoped3A = tpu.sem_alloc : memref<!tpu.dma_semaphore, #tpu.memory_space<semaphore_mem>>
      %dma_start3A_37 = arith.constant 0 : i32
      %dma_start3A_38 = arith.constant 0 : i32
      %dma_start3A_39 = tpu.memref_slice %arg5[%arg0, %dma_start3A_37, %arg1, %dma_start3A_38] : memref<2x1024x16x32xf32, #tpu.memory_space<hbm>> -> memref<1x1024x1x32xf32, #tpu.memory_space<hbm>>
      %dma_start3A_40 = tpu.memref_squeeze %dma_start3A_39 : memref<1x1024x1x32xf32, #tpu.memory_space<hbm>> -> memref<1024x32xf32, #tpu.memory_space<hbm>>
      %dma_start3A_41 = arith.constant 0 : i32
      %dma_start3A_42 = arith.constant 0 : i32
      %dma_start3A_43 = tpu.memref_slice %arg5[%arg0, %dma_start3A_41, %arg1, %dma_start3A_42] : memref<2x1024x16x32xf32, #tpu.memory_space<hbm>> -> memref<1x1024x1x32xf32, #tpu.memory_space<hbm>>
      %dma_start3A_44 = tpu.memref_squeeze %dma_start3A_43 : memref<1x1024x1x32xf32, #tpu.memory_space<hbm>> -> memref<1024x32xf32, #tpu.memory_space<hbm>>
      tpu.enqueue_dma source(%arg7 : memref<1024x32xf32, #tpu.memory_space<vmem>>) target(%dma_start3A_44 : memref<1024x32xf32, #tpu.memory_space<hbm>>) target_semaphore(%run_scoped3A : memref<!tpu.dma_semaphore, #tpu.memory_space<semaphore_mem>>)
      %dma_wait3A_45 = arith.constant 0 : i32
      %dma_wait3A_46 = arith.constant 0 : i32
      %dma_wait3A_47 = tpu.memref_slice %arg5[%arg0, %dma_wait3A_45, %arg1, %dma_wait3A_46] : memref<2x1024x16x32xf32, #tpu.memory_space<hbm>> -> memref<1x1024x1x32xf32, #tpu.memory_space<hbm>>
      %dma_wait3A_48 = tpu.memref_squeeze %dma_wait3A_47 : memref<1x1024x1x32xf32, #tpu.memory_space<hbm>> -> memref<1024x32xf32, #tpu.memory_space<hbm>>
      %dma_wait3A_49 = arith.constant 0 : i32
      %dma_wait3A_50 = arith.constant 0 : i32
      %dma_wait3A_51 = tpu.memref_slice %arg5[%arg0, %dma_wait3A_49, %arg1, %dma_wait3A_50] : memref<2x1024x16x32xf32, #tpu.memory_space<hbm>> -> memref<1x1024x1x32xf32, #tpu.memory_space<hbm>>
      %dma_wait3A_52 = tpu.memref_squeeze %dma_wait3A_51 : memref<1x1024x1x32xf32, #tpu.memory_space<hbm>> -> memref<1024x32xf32, #tpu.memory_space<hbm>>
      tpu.wait_dma2 semaphore(%run_scoped3A : memref<!tpu.dma_semaphore, #tpu.memory_space<semaphore_mem>>) src(%arg7 : memref<1024x32xf32, #tpu.memory_space<vmem>>) dst(%dma_wait3A_52 : memref<1024x32xf32, #tpu.memory_space<hbm>>)
      tpu.yield
    }) : () -> ()
    return
  }
}

module attributes {stable_mosaic.version = 14 : i64} {
  func.func @body(%arg0: i32, %arg1: memref<512x1024xf32, #tpu.memory_space<vmem>>, %arg2: memref<1x1x512xi32, #tpu.memory_space<vmem>>, %arg3: memref<1024x1024xf32, #tpu.memory_space<vmem>>, %arg4: memref<1024x128xf32, #tpu.memory_space<vmem>>) attributes {dimension_semantics = [#tpu.dimension_semantics<arbitrary>], iteration_bounds = array<i64: 24>, scalar_prefetch = 0 : i64, scratch_operands = 0 : i64, tpu.core_type = #tpu.core_type<tc>, window_params = [{transform_indices = @transform_0, window_bounds = array<i64: 512, 1024>}, {transform_indices = @transform_1, window_bounds = array<i64: 1, 1, 512>}, {pipeline_mode = #tpu.pipeline_mode<synchronous>, transform_indices = @transform_2, window_bounds = array<i64: 1024, 1024>}, {pipeline_mode = #tpu.pipeline_mode<synchronous>, transform_indices = @transform_3, window_bounds = array<i64: 1024, 128>}]} {
    %eq3A = arith.constant 0 : i32
    %eq3A_0 = arith.cmpi eq, %arg0, %eq3A : i32
    %convert_element_type3A = arith.extui %eq3A_0 : i1 to i32
    %cond3A = arith.constant 0 : i32
    %cond3A_1 = arith.cmpi ne, %convert_element_type3A, %cond3A : i32
    scf.if %cond3A_1 {
      %broadcast_in_dim3A_37 = arith.constant 0.000000e+00 : f32
      %broadcast_in_dim3A_38 = vector.broadcast %broadcast_in_dim3A_37 : f32 to vector<1024x1024xf32>
      %swap3A_39 = arith.constant 0 : index
      %swap3A_40 = arith.constant 0 : index
      %swap3A_41 = vector.load %arg3[%swap3A_39, %swap3A_40] : memref<1024x1024xf32, #tpu.memory_space<vmem>>, vector<1024x1024xf32>
      tpu.vector_store %arg3[%swap3A_39, %swap3A_40], %broadcast_in_dim3A_38 {strides = array<i32>} : memref<1024x1024xf32, #tpu.memory_space<vmem>>, vector<1024x1024xf32>,
      %broadcast_in_dim3A_42 = arith.constant 0.000000e+00 : f32
      %broadcast_in_dim3A_43 = vector.broadcast %broadcast_in_dim3A_42 : f32 to vector<1024x128xf32>
      %swap3A_44 = arith.constant 0 : index
      %swap3A_45 = arith.constant 0 : index
      %swap3A_46 = vector.load %arg4[%swap3A_44, %swap3A_45] : memref<1024x128xf32, #tpu.memory_space<vmem>>, vector<1024x128xf32>
      tpu.vector_store %arg4[%swap3A_44, %swap3A_45], %broadcast_in_dim3A_43 {strides = array<i32>} : memref<1024x128xf32, #tpu.memory_space<vmem>>, vector<1024x128xf32>,
    } else {
    }
    %get3A = arith.constant 0 : index
    %get3A_2 = arith.constant 0 : index
    %get3A_3 = vector.load %arg1[%get3A, %get3A_2] : memref<512x1024xf32, #tpu.memory_space<vmem>>, vector<512x1024xf32>
    %get3A_4 = arith.constant 0 : index
    %get3A_5 = arith.constant 0 : index
    %get3A_6 = arith.constant 0 : index
    %get3A_7 = vector.load %arg2[%get3A_4, %get3A_5, %get3A_6] : memref<1x1x512xi32, #tpu.memory_space<vmem>>, vector<1x1x512xi32>
    %get3A_8 = vector.shape_cast %get3A_7 : vector<1x1x512xi32> to vector<512xi32>
    %iota3A = tpu.iota {dimensions = array<i32: 0>} : vector<1024x512xi32>
    %broadcast_in_dim3A = vector.shape_cast %get3A_8 : vector<512xi32> to vector<1x512xi32>
    %eq3A_9 = vector.broadcast %broadcast_in_dim3A : vector<1x512xi32> to vector<1024x512xi32>
    %eq3A_10 = arith.cmpi eq, %eq3A_9, %iota3A : vector<1024x512xi32>
    %convert_element_type3A_11 = arith.extui %eq3A_10 : vector<1024x512xi1> to vector<1024x512xi32>
    %convert_element_type3A_12 = arith.sitofp %convert_element_type3A_11 : vector<1024x512xi32> to vector<1024x512xf32>
    %convert_element_type3A_13 = arith.truncf %convert_element_type3A_12 : vector<1024x512xf32> to vector<1024x512xbf16>
    %convert_element_type3A_14 = arith.truncf %get3A_3 : vector<512x1024xf32> to vector<512x1024xbf16>
    %get3A_15 = arith.constant 0 : index
    %get3A_16 = arith.constant 0 : index
    %get3A_17 = vector.load %arg3[%get3A_15, %get3A_16] : memref<1024x1024xf32, #tpu.memory_space<vmem>>, vector<1024x1024xf32>
    %dot_general3A = arith.constant dense<0.000000e+00> : vector<1024x1024xf32>
    %dot_general3A_18 = tpu.matmul %convert_element_type3A_13, %convert_element_type3A_14, %dot_general3A {dimension_numbers = #tpu.dot_dimension_numbers<[1], [0], [0], [1], [0, 0, 1, 1], [], []>, transpose_lhs_hint = false} : vector<1024x512xbf16>, vector<512x1024xbf16>, vector<1024x1024xf32> -> vector<1024x1024xf32>
    %add3A = arith.addf %get3A_17, %dot_general3A_18 : vector<1024x1024xf32>
    %swap3A = arith.constant 0 : index
    %swap3A_19 = arith.constant 0 : index
    %swap3A_20 = vector.load %arg3[%swap3A, %swap3A_19] : memref<1024x1024xf32, #tpu.memory_space<vmem>>, vector<1024x1024xf32>
    tpu.vector_store %arg3[%swap3A, %swap3A_19], %add3A {strides = array<i32>} : memref<1024x1024xf32, #tpu.memory_space<vmem>>, vector<1024x1024xf32>,
    %mul3A = arith.mulf %get3A_3, %get3A_3 : vector<512x1024xf32>
    %reduce_sum3A = arith.constant dense<0.000000e+00> : vector<512xf32>
    %reduce_sum3A_21 = vector.multi_reduction <add>, %mul3A, %reduce_sum3A [1] : vector<512x1024xf32> to vector<512xf32>
    %broadcast_in_dim3A_22 = arith.constant 1.000000e+00 : f32
    %broadcast_in_dim3A_23 = vector.broadcast %broadcast_in_dim3A_22 : f32 to vector<512xf32>
    %stack3A = vector.shape_cast %reduce_sum3A_21 : vector<512xf32> to vector<512x1xf32>
    %stack3A_24 = vector.shape_cast %broadcast_in_dim3A_23 : vector<512xf32> to vector<512x1xf32>
    %stack3A_25 = tpu.concatenate %stack3A, %stack3A_24 in 1 : vector<512x1xf32>, vector<512x1xf32> -> vector<512x2xf32>
    %convert_element_type3A_26 = arith.extui %eq3A_10 : vector<1024x512xi1> to vector<1024x512xi32>
    %convert_element_type3A_27 = arith.sitofp %convert_element_type3A_26 : vector<1024x512xi32> to vector<1024x512xf32>
    %dot_general3A_28 = arith.constant dense<0.000000e+00> : vector<1024x2xf32>
    %dot_general3A_29 = tpu.matmul %convert_element_type3A_27, %stack3A_25, %dot_general3A_28 {dimension_numbers = #tpu.dot_dimension_numbers<[1], [0], [0], [1], [0, 0, 1, 1], [], []>, transpose_lhs_hint = false} : vector<1024x512xf32>, vector<512x2xf32>, vector<1024x2xf32> -> vector<1024x2xf32>
    %get3A_30 = arith.constant 0 : index
    %get3A_31 = arith.constant 0 : index
    %get3A_32 = vector.load %arg4[%get3A_30, %get3A_31] : memref<1024x128xf32, #tpu.memory_space<vmem>>, vector<1024x2xf32>
    %add3A_33 = arith.addf %get3A_32, %dot_general3A_29 : vector<1024x2xf32>
    %swap3A_34 = arith.constant 0 : index
    %swap3A_35 = arith.constant 0 : index
    %swap3A_36 = vector.load %arg4[%swap3A_34, %swap3A_35] : memref<1024x128xf32, #tpu.memory_space<vmem>>, vector<1024x2xf32>
    tpu.vector_store %arg4[%swap3A_34, %swap3A_35], %add3A_33 {strides = array<i32>} : memref<1024x128xf32, #tpu.memory_space<vmem>>, vector<1024x2xf32>,
    return
  }
  func.func @transform_0(%arg0: i32) -> (i32, i32) {
    %c0_i32 = arith.constant 0 : i32
    %c0_i32_0 = arith.constant 0 : i32
    return %arg0, %c0_i32 : i32, i32
  }
  func.func @transform_1(%arg0: i32) -> (i32, i32, i32) {
    %c0_i32 = arith.constant 0 : i32
    %c0_i32_0 = arith.constant 0 : i32
    %c0_i32_1 = arith.constant 0 : i32
    return %arg0, %c0_i32, %c0_i32_0 : i32, i32, i32
  }
  func.func @transform_2(%arg0: i32) -> (i32, i32) {
    %c0_i32 = arith.constant 0 : i32
    %c0_i32_0 = arith.constant 0 : i32
    %c0_i32_1 = arith.constant 0 : i32
    return %c0_i32, %c0_i32_0 : i32, i32
  }
  func.func @transform_3(%arg0: i32) -> (i32, i32) {
    %c0_i32 = arith.constant 0 : i32
    %c0_i32_0 = arith.constant 0 : i32
    %c0_i32_1 = arith.constant 0 : i32
    return %c0_i32, %c0_i32_0 : i32, i32
  }
}

module attributes {stable_mosaic.version = 14 : i64} {
  func.func @body(%arg0: i32, %arg1: memref<2x200x16x64xf32, #tpu.memory_space<vmem>>, %arg2: memref<2x200x16x32xf32, #tpu.memory_space<vmem>>, %arg3: memref<200x1024xf32, #tpu.memory_space<vmem>>, %arg4: memref<200x128xf32, #tpu.memory_space<vmem>>, %arg5: memref<200x1024xf32, #tpu.memory_space<vmem>>, %arg6: memref<1x1xf32, #tpu.memory_space<smem>>) attributes {dimension_semantics = [#tpu.dimension_semantics<arbitrary>], iteration_bounds = array<i64: 5>, scalar_prefetch = 0 : i64, scratch_operands = 0 : i64, tpu.core_type = #tpu.core_type<tc>, window_params = [{transform_indices = @transform_0, window_bounds = array<i64: 2, 200, 16, 64>}, {transform_indices = @transform_1, window_bounds = array<i64: 2, 200, 16, 32>}, {transform_indices = @transform_2, window_bounds = array<i64: 200, 1024>}, {transform_indices = @transform_3, window_bounds = array<i64: 200, 128>}, {transform_indices = @transform_4, window_bounds = array<i64: 200, 1024>}, {transform_indices = @transform_5, window_bounds = array<i64: 1, 1>}]} {
    %get3A = arith.constant 0 : index
    %get3A_0 = arith.constant 0 : index
    %get3A_1 = vector.load %arg5[%get3A, %get3A_0] : memref<200x1024xf32, #tpu.memory_space<vmem>>, vector<200x1024xf32>
    %get3A_2 = arith.constant 0 : index
    %get3A_3 = arith.constant 0 : index
    %get3A_4 = arith.constant 0 : index
    %get3A_5 = arith.constant 0 : index
    %get3A_6 = vector.load %arg1[%get3A_2, %get3A_3, %get3A_4, %get3A_5] : memref<2x200x16x64xf32, #tpu.memory_space<vmem>>, vector<1x200x16x64xf32>
    %get3A_7 = vector.shape_cast %get3A_6 : vector<1x200x16x64xf32> to vector<200x16x64xf32>
    %get3A_8 = arith.constant 1 : index
    %get3A_9 = arith.constant 0 : index
    %get3A_10 = arith.constant 0 : index
    %get3A_11 = arith.constant 0 : index
    %get3A_12 = vector.load %arg1[%get3A_8, %get3A_9, %get3A_10, %get3A_11] : memref<2x200x16x64xf32, #tpu.memory_space<vmem>>, vector<1x200x16x64xf32>
    %get3A_13 = vector.shape_cast %get3A_12 : vector<1x200x16x64xf32> to vector<200x16x64xf32>
    %add3A = arith.addf %get3A_7, %get3A_13 : vector<200x16x64xf32>
    %reshape3A = vector.shape_cast %add3A : vector<200x16x64xf32> to vector<200x1024xf32>
    %get3A_14 = arith.constant 0 : index
    %get3A_15 = arith.constant 0 : index
    %get3A_16 = vector.load %arg3[%get3A_14, %get3A_15] : memref<200x1024xf32, #tpu.memory_space<vmem>>, vector<200x1024xf32>
    %add3A_17 = arith.addf %reshape3A, %get3A_16 : vector<200x1024xf32>
    %get3A_18 = arith.constant 0 : index
    %get3A_19 = arith.constant 0 : index
    %get3A_20 = arith.constant 0 : index
    %get3A_21 = arith.constant 0 : index
    %get3A_22 = vector.load %arg2[%get3A_18, %get3A_19, %get3A_20, %get3A_21] : memref<2x200x16x32xf32, #tpu.memory_space<vmem>>, vector<1x200x16x32xf32>
    %get3A_23 = vector.shape_cast %get3A_22 : vector<1x200x16x32xf32> to vector<200x16x32xf32>
    %get3A_24 = arith.constant 1 : index
    %get3A_25 = arith.constant 0 : index
    %get3A_26 = arith.constant 0 : index
    %get3A_27 = arith.constant 0 : index
    %get3A_28 = vector.load %arg2[%get3A_24, %get3A_25, %get3A_26, %get3A_27] : memref<2x200x16x32xf32, #tpu.memory_space<vmem>>, vector<1x200x16x32xf32>
    %get3A_29 = vector.shape_cast %get3A_28 : vector<1x200x16x32xf32> to vector<200x16x32xf32>
    %add3A_30 = arith.addf %get3A_23, %get3A_29 : vector<200x16x32xf32>
    %mul3A = arith.mulf %add3A_17, %get3A_1 : vector<200x1024xf32>
    %reduce_sum3A = arith.constant dense<0.000000e+00> : vector<200xf32>
    %reduce_sum3A_31 = vector.multi_reduction <add>, %mul3A, %reduce_sum3A [1] : vector<200x1024xf32> to vector<200xf32>
    %slice3A = vector.extract_strided_slice %add3A_30 {offsets = [0, 0, 0], sizes = [200, 16, 16], strides = [1, 1, 1]} : vector<200x16x32xf32> to vector<200x16x16xf32>
    %reduce_sum3A_32 = arith.constant dense<0.000000e+00> : vector<200xf32>
    %reduce_sum3A_33 = vector.multi_reduction <add>, %slice3A, %reduce_sum3A_32 [1, 2] : vector<200x16x16xf32> to vector<200xf32>
    %get3A_34 = arith.constant 0 : index
    %get3A_35 = arith.constant 0 : index
    %get3A_36 = vector.load %arg4[%get3A_34, %get3A_35] : memref<200x128xf32, #tpu.memory_space<vmem>>, vector<200x1xf32>
    %get3A_37 = vector.shape_cast %get3A_36 : vector<200x1xf32> to vector<200xf32>
    %add3A_38 = arith.addf %reduce_sum3A_33, %get3A_37 : vector<200xf32>
    %slice3A_39 = vector.extract_strided_slice %add3A_30 {offsets = [0, 0, 16], sizes = [200, 16, 1], strides = [1, 1, 1]} : vector<200x16x32xf32> to vector<200x16x1xf32>
    %squeeze3A = vector.shape_cast %slice3A_39 : vector<200x16x1xf32> to vector<200x16xf32>
    %reduce_sum3A_40 = arith.constant dense<0.000000e+00> : vector<200xf32>
    %reduce_sum3A_41 = vector.multi_reduction <add>, %squeeze3A, %reduce_sum3A_40 [1] : vector<200x16xf32> to vector<200xf32>
    %div3A = arith.constant 1.600000e+01 : f32
    %div3A_42 = vector.broadcast %div3A : f32 to vector<200xf32>
    %div3A_43 = arith.divf %reduce_sum3A_41, %div3A_42 : vector<200xf32>
    %get3A_44 = arith.constant 0 : index
    %get3A_45 = arith.constant 1 : index
    %get3A_46 = vector.load %arg4[%get3A_44, %get3A_45] : memref<200x128xf32, #tpu.memory_space<vmem>>, vector<200x1xf32>
    %get3A_47 = vector.shape_cast %get3A_46 : vector<200x1xf32> to vector<200xf32>
    %add3A_48 = arith.addf %div3A_43, %get3A_47 : vector<200xf32>
    %mul3A_49 = arith.mulf %get3A_1, %get3A_1 : vector<200x1024xf32>
    %reduce_sum3A_50 = arith.constant dense<0.000000e+00> : vector<200xf32>
    %reduce_sum3A_51 = vector.multi_reduction <add>, %mul3A_49, %reduce_sum3A_50 [1] : vector<200x1024xf32> to vector<200xf32>
    %mul3A_52 = arith.constant 2.000000e+00 : f32
    %mul3A_53 = vector.broadcast %mul3A_52 : f32 to vector<200xf32>
    %mul3A_54 = arith.mulf %mul3A_53, %reduce_sum3A_31 : vector<200xf32>
    %sub3A = arith.subf %add3A_38, %mul3A_54 : vector<200xf32>
    %mul3A_55 = arith.mulf %add3A_48, %reduce_sum3A_51 : vector<200xf32>
    %add3A_56 = arith.addf %sub3A, %mul3A_55 : vector<200xf32>
    %gt3A = arith.constant 0.000000e+00 : f32
    %gt3A_57 = vector.broadcast %gt3A : f32 to vector<200xf32>
    %gt3A_58 = arith.cmpf ogt, %add3A_56, %gt3A_57 : vector<200xf32>
    %jit3A = arith.constant 1.000000e+00 : f32
    %broadcast_in_dim3A = vector.broadcast %jit3A : f32 to vector<200xf32>
    %select_n3A = arith.select %gt3A_58, %add3A_56, %broadcast_in_dim3A : vector<200xi1>, vector<200xf32>
    %sqrt3A = math.sqrt %select_n3A : vector<200xf32>
    %jit3A_59 = arith.constant 0.000000e+00 : f32
    %broadcast_in_dim3A_60 = vector.broadcast %jit3A_59 : f32 to vector<200xf32>
    %select_n3A_61 = arith.select %gt3A_58, %sqrt3A, %broadcast_in_dim3A_60 : vector<200xi1>, vector<200xf32>
    %reduce_sum3A_62 = vector.shape_cast %select_n3A_61 : vector<200xf32> to vector<1x200xf32>
    %reduce_sum3A_63 = arith.constant dense<0.000000e+00> : vector<1xf32>
    %reduce_sum3A_64 = vector.multi_reduction <add>, %reduce_sum3A_62, %reduce_sum3A_63 [1] : vector<1x200xf32> to vector<1xf32>
    %reduce_sum3A_65 = vector.shape_cast %reduce_sum3A_64 : vector<1xf32> to vector<1x1xf32>
    %reduce_sum3A_66 = vector.extract %reduce_sum3A_65[0, 0] : f32 from vector<1x1xf32>
    %div3A_67 = arith.constant 1.000000e+03 : f32
    %div3A_68 = arith.divf %reduce_sum3A_66, %div3A_67 : f32
    %eq3A = arith.constant 0 : i32
    %eq3A_69 = arith.cmpi eq, %arg0, %eq3A : i32
    %convert_element_type3A = arith.extui %eq3A_69 : i1 to i32
    %cond3A = arith.constant 0 : i32
    %cond3A_70 = arith.cmpi ne, %convert_element_type3A, %cond3A : i32
    scf.if %cond3A_70 {
      %swap3A_77 = arith.constant 0.000000e+00 : f32
      %swap3A_78 = arith.constant 0 : index
      %swap3A_79 = arith.constant 0 : index
      %swap3A_80 = memref.load %arg6[%swap3A_78, %swap3A_79] : memref<1x1xf32, #tpu.memory_space<smem>>
      memref.store %swap3A_77, %arg6[%swap3A_78, %swap3A_79] : memref<1x1xf32, #tpu.memory_space<smem>>
    } else {
    }
    %get3A_71 = arith.constant 0 : index
    %get3A_72 = arith.constant 0 : index
    %get3A_73 = memref.load %arg6[%get3A_71, %get3A_72] : memref<1x1xf32, #tpu.memory_space<smem>>
    %add3A_74 = arith.addf %get3A_73, %div3A_68 : f32
    %swap3A = arith.constant 0 : index
    %swap3A_75 = arith.constant 0 : index
    %swap3A_76 = memref.load %arg6[%swap3A, %swap3A_75] : memref<1x1xf32, #tpu.memory_space<smem>>
    memref.store %add3A_74, %arg6[%swap3A, %swap3A_75] : memref<1x1xf32, #tpu.memory_space<smem>>
    return
  }
  func.func @transform_0(%arg0: i32) -> (i32, i32, i32, i32) {
    %c0_i32 = arith.constant 0 : i32
    %c0_i32_0 = arith.constant 0 : i32
    %c0_i32_1 = arith.constant 0 : i32
    %c0_i32_2 = arith.constant 0 : i32
    return %c0_i32, %arg0, %c0_i32_0, %c0_i32_1 : i32, i32, i32, i32
  }
  func.func @transform_1(%arg0: i32) -> (i32, i32, i32, i32) {
    %c0_i32 = arith.constant 0 : i32
    %c0_i32_0 = arith.constant 0 : i32
    %c0_i32_1 = arith.constant 0 : i32
    %c0_i32_2 = arith.constant 0 : i32
    return %c0_i32, %arg0, %c0_i32_0, %c0_i32_1 : i32, i32, i32, i32
  }
  func.func @transform_2(%arg0: i32) -> (i32, i32) {
    %c0_i32 = arith.constant 0 : i32
    %c0_i32_0 = arith.constant 0 : i32
    return %arg0, %c0_i32 : i32, i32
  }
  func.func @transform_3(%arg0: i32) -> (i32, i32) {
    %c0_i32 = arith.constant 0 : i32
    %c0_i32_0 = arith.constant 0 : i32
    return %arg0, %c0_i32 : i32, i32
  }
  func.func @transform_4(%arg0: i32) -> (i32, i32) {
    %c0_i32 = arith.constant 0 : i32
    %c0_i32_0 = arith.constant 0 : i32
    return %arg0, %c0_i32 : i32, i32
  }
  func.func @transform_5(%arg0: i32) -> (i32, i32) {
    %c0_i32 = arith.constant 0 : i32
    %c0_i32_0 = arith.constant 0 : i32
    %c0_i32_1 = arith.constant 0 : i32
    return %c0_i32, %c0_i32_0 : i32, i32
  }
}

</mosaic_0001>

<sc_bundles>
// kernel: kernel.5.cloned.1.call-start
scs
__scs_entry_jumppad:
0x0: {  	(pc) =	sbr.rel $0x88, $3  }
0x1: {  	(tag) =	ssettag $0x0;
	lr =	simm.s32 $0x1  }
0x2: {  	[smem:$0x3F9E] =	sst lr;
	_ =	strace $0xD0000000  }
0x3: {  	_ = 	snop  }
0x4: {  	_ = 	snop  }
0x5: {  	_ = 	snop  }
0x6: {  	_ = 	snop  }
0x7: {  	_ = 	snop  }
__scs_overlays_trampoline_lowered:
0x8: {  	[smem:$0x3FAD] =	sst s0  }
0x9: {  	[smem:$0x3FAE] =	sst s1  }
0xa: {  	[smem:$0x3FAF] =	sst s2  }
0xb: {  	[smem:$0x3FB0] =	sst s3  }
0xc: {  	[smem:$0x3FB1] =	sst s4  }
0xd: {  	[smem:$0x3FB2] =	sst s5  }
0xe: {  	[smem:$0x3FB3] =	sst s6  }
0xf: {  	[smem:$0x3FB4] =	sst s7  }
0x10: {  	[smem:$0x3FB5] =	sst s8  }
0x11: {  	[smem:$0x3FB6] =	sst s9;
	s0 =	simm.s32 @!p0 $0x0  }
0x12: {  	s1 =	sld [smem:$0x3F9C];
	s0 =	simm.s32 @p0 $0x1  }
0x13: {  	[smem:$0x3FB7] =	sst s0;
	s0 =	simm.s32 @!p1 $0x0  }
0x14: {  	s2 =	sld [smem:$0x3F9B];
	s0 =	simm.s32 @p1 $0x1  }
0x15: {  	[smem:$0x3FB8] =	sst s0;
	s0 =	simm.s32 @!p2 $0x0  }
0x16: {  	s3 =	sld [smem:$0x3FDB];
	s0 =	simm.s32 @p2 $0x1  }
0x17: {  	s4 =	simm.s32 $0x1BF5;
	[smem:$0x3FBA] =	sst s0  }
0x18: {  	s0 =	sld [smem:$0x3F9D];
	_ =	swait.ge [sflag:s4], $0x0  }
0x19: {  	s7 =	sld [smem:$0x3F9E]  }
0x1a: {  	s8 =	sadd.s32 $0xFFFFE003, lr  }
0x1b: {  	s9 =	sadd.s32 $0xFFFFFEF7, lr;
	s5 =	simm.s32 $0xFFFFFFFF;
	p2 =	slt.u32 s8, $0xFFFFF086  }
0x1c: {  	p1 =	slt.u32 s9, $0xF7A;
	s5 =	simm.s32 @!p2 $0x0  }
0x1d: {  	s5 =	simm.s32 @p1 $0x1;
	p0 =	seq.s32 s7, s2  }
0x1e: {  	s7 =	smul.u32 @!p0 $0xF7A, s2;
	p2 =	seq.s32 @!p0 s5, $0x0  }
0x1f: {  	s9 =	smul.u32 $0xF7A, s1;
	s8 =	simm.s32 @!p0 $0x1BF5;
	p2 =	por !p2, p0  }
0x20: {  	[sflag:s8] =	ssyncset.s32 @!p0 $0xFFFFF086;
	s6 =	sadd.s32 @!p0 s3, s7;
	s7 =	simm.s32 @!p0 $0x108  }
0x21: {  	s3 =	sadd.s32 s3, s9;
	s6 =	sadd.s32 @!p0 $0x88, s6;
	s7 =	simm.s32 @p2 $0x1082  }
0x22: {  	[simem:s7], [sflag:s8] =	dma.local @!p0 [hbm:s6], $0xF7A  }
0x23: {  	s9 =	sor.u32 $0xD0000000, s2;
	s6 =	simm.s32 $0x108;
	_ =	swait.ge @!p0 [sflag:s8], $0x0  }
0x24: {  	s3 =	sadd.s32 $0x88, s3;
	s6 =	simm.s32 @!p1 $0x1082;
	[sflag:s4] =	ssyncset.s32 $0xFFFFF086  }
0x25: {  	[simem:s6], [sflag:s4] =	dma.local [hbm:s3], $0xF7A  }
0x26: {  	[smem:$0x3F9E] =	sst s1;
	(tag) =	ssettag s2;
	_ =	strace s9  }
0x27: {  	s1 =	sld [smem:$0x3FAE]  }
0x28: {  	s2 =	sld [smem:$0x3FAF]  }
0x29: {  	s4 =	sld [smem:$0x3FB1]  }
0x2a: {  	p0 =	seq.s32 s5, $0x0;
	s5 =	sld [smem:$0x3FB2]  }
0x2b: {  	s6 =	sld [smem:$0x3FB3]  }
0x2c: {  	s7 =	sld [smem:$0x3FB4]  }
0x2d: {  	s3 =	simm.s32 $0x108;
	s8 =	sld [smem:$0x3FB5]  }
0x2e: {  	s3 =	simm.s32 @!p0 $0x1082;
	s9 =	sld [smem:$0x3FB6]  }
0x2f: {  	lr =	sadd.s32 s0, s3;
	s0 =	sld [smem:$0x3FAD]  }
0x30: {  	s3 =	sld [smem:$0x3FB0]  }
0x31: {  	[smem:$0x3FB9] =	sst s10  }
0x32: {  	s10 =	sld [smem:$0x3FB7];
	_ =	sdelay $0x3  }
0x33: {  	p0 =	seq.s32 s10, $0x1;
	s10 =	sld [smem:$0x3FB9];
	_ =	sdelay $0x3  }
0x34: {  	[smem:$0x3FB9] =	sst s10  }
0x35: {  	s10 =	sld [smem:$0x3FB8];
	_ =	sdelay $0x3  }
0x36: {  	p1 =	seq.s32 s10, $0x1;
	s10 =	sld [smem:$0x3FB9];
	_ =	sdelay $0x3  }
0x37: {  	[smem:$0x3FB9] =	sst s10  }
0x38: {  	s10 =	sld [smem:$0x3FBA]  }
0x39: {  	_ = 	snop;
	(pc) =	sbr.ind lr, $3  }
0x3a: {  	_ = 	snop  }
0x3b: {  	_ = 	snop  }
0x3c: {  	p2 =	seq.s32 s10, $0x1;
	s10 =	sld [smem:$0x3FB9]  }
0x3d: {  	_ =	shalt  }
0x3e: {  	_ =	shalt  }
0x3f: {  	_ =	shalt  }
0x40: {  	_ =	shalt  }
0x41: {  	_ =	shalt  }
0x42: {  	_ =	shalt  }
0x43: {  	_ =	shalt  }
0x44: {  	_ =	shalt  }
0x45: {  	_ =	shalt  }
0x46: {  	_ =	shalt  }
0x47: {  	_ =	shalt  }
0x48: {  	_ =	shalt  }
0x49: {  	_ =	shalt  }
0x4a: {  	_ =	shalt  }
0x4b: {  	_ =	shalt  }
0x4c: {  	_ =	shalt  }
0x4d: {  	_ =	shalt  }
0x4e: {  	_ =	shalt  }
0x4f: {  	_ =	shalt  }
0x50: {  	_ =	shalt  }
0x51: {  	_ =	shalt  }
0x52: {  	_ =	shalt  }
0x53: {  	_ =	shalt  }
0x54: {  	_ =	shalt  }
0x55: {  	_ =	shalt  }
0x56: {  	_ =	shalt  }
0x57: {  	_ =	shalt  }
0x58: {  	_ =	shalt  }
0x59: {  	_ =	shalt  }
0x5a: {  	_ =	shalt  }
0x5b: {  	_ =	shalt  }
0x5c: {  	_ =	shalt  }
0x5d: {  	_ =	shalt  }
0x5e: {  	_ =	shalt  }
0x5f: {  	_ =	shalt  }
0x60: {  	_ =	shalt  }
0x61: {  	_ =	shalt  }
0x62: {  	_ =	shalt  }
0x63: {  	_ =	shalt  }
0x64: {  	_ =	shalt  }
0x65: {  	_ =	shalt  }
0x66: {  	_ =	shalt  }
0x67: {  	_ =	shalt  }
0x68: {  	_ =	shalt  }
0x69: {  	_ =	shalt  }
0x6a: {  	_ =	shalt  }
0x6b: {  	_ =	shalt  }
0x6c: {  	_ =	shalt  }
0x6d: {  	_ =	shalt  }
0x6e: {  	_ =	shalt  }
0x6f: {  	_ =	shalt  }
0x70: {  	_ =	shalt  }
0x71: {  	_ =	shalt  }
0x72: {  	_ =	shalt  }
0x73: {  	_ =	shalt  }
0x74: {  	_ =	shalt  }
0x75: {  	_ =	shalt  }
0x76: {  	_ =	shalt  }
0x77: {  	_ =	shalt  }
0x78: {  	_ =	shalt  }
0x79: {  	_ =	shalt  }
0x7a: {  	_ =	shalt  }
0x7b: {  	_ =	shalt  }
0x7c: {  	_ =	shalt  }
0x7d: {  	_ =	shalt  }
0x7e: {  	_ =	shalt  }
0x7f: {  	_ =	shalt  }
0x80: {  	_ =	shalt  }
0x81: {  	_ =	shalt  }
0x82: {  	_ =	shalt  }
0x83: {  	_ =	shalt  }
0x84: {  	_ =	shalt  }
0x85: {  	_ =	shalt  }
0x86: {  	_ =	shalt  }
0x87: {  	_ =	shalt  }
.Lfunc_end0:
.L_simem_size_0:
called_computation_lowered:
.L_overlay_start_0:
0x88: {  	s2 =	sld [smem:$0x3FD9]  }
0x89: {  	s3 =	sld [smem:$0x3FFE];
	_ =	sdelay $0x1  }
0x8a: {  	s1 =	srdreg.scid  }
0x8b: {  	s0 =	sand.u32 $0x1, s1  }
0x8c: {  	s16 =	sshll.u32 s0, $0xA;
	s2 =	sadd.s32 s3, s2  }
0x8d: {  	s2 =	sadd.s32 s2, s16  }
0x8e: {  	[smem:$0x3FC5] =	sst s2  }
0x8f: {  	_ = 	snop  }
0x90: {  	(tm) =	ssettm $0x1  }
0x91: {  	s17 =	sld [smem:$0x3FFB];
	_ =	sdelay $0x3  }
0x92: {  	_ =	strace s17  }
0x93: {  	s2 =	sld [smem:$0x3FFC];
	_ =	sdelay $0x3  }
0x94: {  	_ =	strace s2  }
0x95: {  	s2 =	sld [smem:$0x3FFD];
	_ =	sdelay $0x3  }
0x96: {  	_ =	strace s2  }
0x97: {  	_ =	strace $0x8FFFFFFF  }
0x98: {  	s18 =	sld [smem:$0x3FDB];
	_ =	sdelay $0x1  }
0x99: {  	s19 =	simm.s32 $_scs_section_size  }
0x9a: {  	s4 =	simm.s32 $_size__tile_overlayer_lowered;
	s5 =	simm.s32 $_tile_overlayer_lowered  }
0x9b: {  	s22 =	simm.s32 $0x1BFF;
	s21 =	sshll.u32 s5, $0x1;
	s2 =	sadd.s32 s19, s18  }
0x9c: {  	s6 =	simm.s32 $0x0;
	s20 =	sshll.u32 s4, $0x1;
	s4 =	sadd.s32 s21, s2  }
0x9d: {  	[timem:s6], [sflag:s22] =	dma.local [hbm:s4], s20  }
0x9e: {  	_ =	swait.ge [sflag:s22], s20  }
0x9f: {  	s3 =	ssub.s32 $0x0, s20;
	[sflag:s22] =	ssyncset.done $0x0  }
0xa0: {  	[sflag:s22] =	ssyncadd.s32 s3;
	_ =	sdelay $0x1  }
0xa1: {  	s23 =	simm.s32 $0x1B8B  }
0xa2: {  	_ =	swait.ge [sflag:s23], $0x1  }
0xa3: {  	[sflag:s23] =	ssyncset.done $0x0  }
0xa4: {  	s25 =	simm.s32 $0x1B8E;
	s24 =	sld [smem:$0x3FFE];
	[sflag:s23] =	ssyncadd.s32 $0xFFFFFFFF  }
0xa5: {  	s26 =	simm.s32 $execute0_lowered;
	[smem:$0x3FD2] =	sst s25  }
0xa6: {  	s4 =	sshll.u32 s26, $0x1;
	_ =	strace $0x80000046;
	[dreg:$0x1] =	wrdreg $0xFFFFFFFF  }
0xa7: {  	s28 =	simm.s32 $_size_execute0_lowered;
	s2 =	sadd.s32 s2, s4;
	[dreg:$0x0] =	wrdreg $0x0  }
0xa8: {  	s4 =	sshll.u32 s28, $0x1;
	[dreg:$0x2] =	wrdreg s2  }
0xa9: {  	[dreg:$0x3] =	wrdreg s4  }
0xaa: {  	[dreg:$0x4] =	wrdreg $0xC0  }
0xab: {  	_ =	task [dreg:s6], $0x5FFFF  }
0xac: {  	[dreg:$0x1] =	wrdreg $0xFFFFFFFF  }
0xad: {  	[dreg:$0x0] =	wrdreg $0x60  }
0xae: {  	[dreg:$0x2] =	wrdreg s24  }
0xaf: {  	[dreg:$0x3] =	wrdreg $0x9  }
0xb0: {  	_ =	task.clear_ibuf [dreg:s6], $0x4FFFF;
	_ =	strace $0x90000046  }
0xb1: {  	s29 =	simm.s32 $0x9;
	_ =	strace $0x80000048  }
0xb2: {  	_ =	swait.ge [sflag:s29], $0x1  }
0xb3: {  	[sflag:s29] =	ssyncadd.s32 $0xFFFFFFFF  }
0xb4: {  	_ =	strace $0x90000048  }
0xb5: {  	_ =	sfence  }
0xb6: {  	s30 =	sld [smem:$0x0];
	_ =	sdelay $0x2  }
0xb7: {  	s31 =	sshll.u32 s1, $0xD;
	s1 =	sshrl.u32 s1, $0x2  }
0xb8: {  	s3 =	sand.u32 $0x4000, s31;
	s1 =	sadd.s32 s1, s30  }
0xb9: {  	s0 =	sor.u32 s3, s0;
	s1 =	sshll.u32 s1, $0x11  }
0xba: {  	s0 =	sor.u32 s1, s0  }
0xbb: {  	s0 =	sadd.s32 $0x8F2B, s0  }
0xbc: {  	[sflag:s0] =	ssyncadd.remote.s32 $0x1  }
0xbd: {  	_ =	sfence.sel $0xFFFF  }
0xbe: {  	[dreg:$0x0] =	wrdreg $0xFFFFFFFF;
	(pc) =	sbr.abs _section_cstart, $3  }
0xbf: {  	[dreg:$0x1] =	wrdreg $0xFFFFFFFF  }
0xc0: {  	_ =	task.clear_ibuf [dreg:s6], $0x2FFFF;
	_ =	strace $0x9FFFFFFF  }
0xc1: {  	(tm) =	ssettm $0x7FFFFFFF  }
tec
execute0_lowered:
.L_overlay_start_1:
0x0: {  	(tag) =	ssettag $0x1  }
0x1: {  	s6 =	rddreg [dreg:$0x0];
	s2 =	srdreg.scid  }
0x2: {  	s0 =	stileid.u32;
	s16 =	simm.s32 $0x18000;
	s17 =	simm.s32 $0x1C000  }
0x3: {  	s18 =	simm.s32 $0x1A000;
	s19 =	simm.s32 $0x1C080;
	s20 =	simm.s32 $0x1  }
0x4: {  	s21 =	simm.s32 $0x2;
	s22 =	simm.s32 $0x3;
	s23 =	simm.s32 $0x20  }
0x5: {  	s10 =	sand.u32 $0x1, s2;
	s2 =	simm.s32 $0x0;
	s3 =	sshll.u32 s0, $0x6  }
0x6: {  	s24 =	sshll.u32 s0, $0x2;
	s4 =	sshll.u32 s10, $0x14;
	[smem:$0x7FF] =	sst s2  }
0x7: {  	s12 =	sadd.s32 s24, s6;
	s25 =	ssub.s32 $0x2, s10;
	s9 =	sshll.u32 s10, $0x15  }
0x8: {  	s29 =	sshll.u32 s10, $0x8;
	s31 =	sshll.u32 s10, $0x10;
	s5 =	sor.u32 s3, s4  }
0x9: {  	_ =	strace $0x80000047;
	s4 =	sadd.s32 $0x1000, s6;
	s8 =	sshrl.u32 s25, $0x1  }
0xa: {  	s26 =	sor.u32 s3, s9;
	s12 =	sadd.s32 s31, s12;
	s7 =	sshrl.u32 s5, $0x3  }
0xb: {  	s5 =	sadd.s32 $0x81000, s6;
	s14 =	ssub.s32 s25, s8;
	s12 =	sadd.s32 $0xC1200, s12  }
0xc: {  	s25 =	simm.s32 $0x10000;
	s11 =	sadd.s32 s7, s6;
	s6 =	sshll.u32 s10, $0xB  }
0xd: {  	s7 =	sshrl.u32 s26, $0x3;
	s8 =	sadd.s32 s5, s29;
	s13 =	sor.u32 $0x80, s6  }
0xe: {  	s26 =	simm.s32 $0x0;
	s7 =	sadd.s32 s4, s7;
	s28 =	sshll.u32 s13, $0xA  }
0xf: {  	s11 =	sadd.s32 $0x81200, s11;
	s13 =	sshrl.u32 s13, $0x3;
	s15 =	sor.u32 s3, s28  }
0x10: {  	v0 =	vimm.f32 $0.0e+00;
	vm0 =	vcmask $0x300;
	s10 =	sadd.s32 s5, s13;
	s13 =	smax.u32 s14, $0x1;
	s30 =	sshrl.u32 s15, $0x3  }
0x11: {  	v1 =	vsel vm0, $0x3F800000, v0;
	s14 =	simm.s32 $0x40;
	s15 =	simm.s32 $0x400;
	s9 =	sadd.s32 s4, s30  }
.LBB2_1:
0x12: {  	[tilespmem:s23+$0xFFFFFFE0] =	vst v0  }
0x13: {  	[tilespmem:s23+$0x10] =	vst v0  }
0x14: {  	[tilespmem:s23+$0x0] =	vst v0  }
0x15: {  	s28 =	simm.s32 $0x80;
	[tilespmem:s23+$0xFFFFFFF0] =	vst v0;
	s30 =	simm.s32 $0x0;
	s29 =	simm.s32 $0x20  }
.LBB2_2:
0x16: {  	p0 =	sne.s32 s28, $0x1FF80  }
0x17: {  	[tilespmem:s30+$0x10000] =	vst v0;
	s29 =	sadd.s32 $0x40, s29;
	s31 =	smov.u32 s28;
	s28 =	sadd.s32 $0x80, s28  }
.Ltmp0:
0x18: {  	[tilespmem:s30+$0x10010] =	vst v0;
	(pc) =	sbr.rel @p0 .LBB2_2-.Ltmp0, $4  }
0x19: {  	[tilespmem:s29+$0xFFFFFFE0] =	vst v0  }
0x1a: {  	[tilespmem:s29+$0x10] =	vst v0  }
0x1b: {  	[tilespmem:s29+$0x0] =	vst v0  }
0x1c: {  	s30 =	sshra.s32 s31, $0x2;
	[tilespmem:s29+$0xFFFFFFF0] =	vst v0  }
0x1d: {  	[tilespmem:s30+$0x10000] =	vst v0  }
0x1e: {  	[tilespmem:s30+$0x10010] =	vst v0  }
0x1f: {  	[tilespmem:s16], [sflag:$0x1] =	stream.strided.gather [hbm4b:s7+s14], $0x2000, s15, s14, $0x38;
	[tilespmem:$0x1C100] =	vst v63  }
0x20: {  	s28 =	simm.s32 $0x0  }
0x21: {  	[tilespmem:s17], [sflag:$0x1] =	stream.linear.gather [hbm4b:s8+s28], $0x80, $0x38;
	[tilespmem:$0x1C100] =	vst v63  }
0x22: {  	_ = 	snop  }
0x23: {  	[tilespmem:s18], [sflag:$0x2] =	stream.strided.gather [hbm4b:s9+s14], $0x2000, s15, s14, $0x38;
	[tilespmem:$0x1C100] =	vst v63  }
0x24: {  	_ = 	snop  }
0x25: {  	[tilespmem:s19], [sflag:$0x2] =	stream.linear.gather [hbm4b:s10+s28], $0x80, $0x38;
	[tilespmem:$0x1C100] =	vst v63  }
.LBB2_4:
0x26: {  	_ =	swait.ge [sflag:s20], $0x2000  }
0x27: {  	[sflag:s20] =	ssyncset.done $0x0  }
0x28: {  	[sflag:s20] =	ssyncadd.s32 $0xFFFFE000  }
0x29: {  	_ =	swait.ge [sflag:s20], $0x80  }
0x2a: {  	[sflag:s20] =	ssyncset.done $0x0  }
0x2b: {  	s29 =	simm.s32 $0x18200;
	s30 =	simm.s32 $0x0;
	[sflag:s20] =	ssyncadd.s32 $0xFFFFFF80  }
.LBB2_5:
0x2c: {  	s31 =	sshra.s32 s30, $0x2  }
0x2d: {  	v2 =	vld [tilespmem:s31+$0x1C000];
	_ =	sdelay $0x4  }
0x2e: {  	(v2sf) =	vpush v2, $0x0;
	_ =	sdelay $0x7  }
0x2f: {  	v3 =	vld [tilespmem:s29+$0xFFFFFE00]  }
0x30: {  	v4 =	vld [tilespmem:s29+$0xFFFFFE10]  }
0x31: {  	v5 =	vld [tilespmem:s29+$0xFFFFFE20]  }
0x32: {  	v6 =	vld [tilespmem:s29+$0xFFFFFE30];
	_ =	sdelay $0x3  }
0x33: {  	v7 =	vmul.f32 v3, v3;
	v8 =	vmul.f32 v4, v4;
	s31 =	spop (v2sf)  }
0x34: {  	v9 =	vmul.f32 v5, v5;
	v10 =	vmul.f32 v6, v6;
	(v2sf) =	vpush v2, $0x1;
	s0 =	sshll.u32 s31, $0x8  }
0x35: {  	s0 =	sshra.s32 s0, $0x2  }
0x36: {  	v42 =	vadd.f32 v10, v9;
	[tilespmem:s0+$0x0] =	vst.add.f32.msk $0xffff, v3;
	s1 =	sor.u32 $0x10, s0;
	v3 =	vadd.f32 v8, v7  }
0x37: {  	s24 =	sor.u32 $0x20, s0;
	[tilespmem:s1+$0x0] =	vst.add.f32.msk $0xffff, v4  }
0x38: {  	s31 =	sshll.u32 s31, $0x7;
	s0 =	sor.u32 $0x30, s0;
	[tilespmem:s24+$0x0] =	vst.add.f32.msk $0xffff, v5;
	v3 =	vadd.f32 v42, v3  }
0x39: {  	s24 =	sshra.s32 s31, $0x2;
	[tilespmem:s0+$0x0] =	vst.add.f32.msk $0xffff, v6  }
0x3a: {  	[tilespmem:s24+$0x10000] =	vst.add.f32.msk $0xffff, v3  }
0x3b: {  	[tilespmem:s24+$0x10010] =	vst.add.f32.msk $0xffff, v1  }
0x3c: {  	v3 =	vld [tilespmem:s29+$0xFFFFFE40]  }
0x3d: {  	v4 =	vld [tilespmem:s29+$0xFFFFFE50]  }
0x3e: {  	v5 =	vld [tilespmem:s29+$0xFFFFFE60]  }
0x3f: {  	v6 =	vld [tilespmem:s29+$0xFFFFFE70];
	_ =	sdelay $0x3  }
0x40: {  	v43 =	vmul.f32 v3, v3;
	v44 =	vmul.f32 v4, v4;
	s0 =	spop (v2sf)  }
0x41: {  	v45 =	vmul.f32 v5, v5;
	v46 =	vmul.f32 v6, v6;
	(v2sf) =	vpush v2, $0x2;
	s31 =	sshll.u32 s0, $0x8  }
0x42: {  	s1 =	sshra.s32 s31, $0x2  }
0x43: {  	v47 =	vadd.f32 v46, v45;
	[tilespmem:s1+$0x0] =	vst.add.f32.msk $0xffff, v3;
	s24 =	sor.u32 $0x10, s1;
	v3 =	vadd.f32 v44, v43  }
0x44: {  	[tilespmem:s24+$0x0] =	vst.add.f32.msk $0xffff, v4;
	s24 =	sor.u32 $0x20, s1  }
0x45: {  	s0 =	sshll.u32 s0, $0x7;
	s1 =	sor.u32 $0x30, s1;
	[tilespmem:s24+$0x0] =	vst.add.f32.msk $0xffff, v5;
	v3 =	vadd.f32 v47, v3  }
0x46: {  	s0 =	sshra.s32 s0, $0x2;
	[tilespmem:s1+$0x0] =	vst.add.f32.msk $0xffff, v6  }
0x47: {  	[tilespmem:s0+$0x10000] =	vst.add.f32.msk $0xffff, v3  }
0x48: {  	[tilespmem:s0+$0x10010] =	vst.add.f32.msk $0xffff, v1  }
0x49: {  	v3 =	vld [tilespmem:s29+$0xFFFFFE80]  }
0x4a: {  	v4 =	vld [tilespmem:s29+$0xFFFFFE90]  }
0x4b: {  	v5 =	vld [tilespmem:s29+$0xFFFFFEA0]  }
0x4c: {  	v6 =	vld [tilespmem:s29+$0xFFFFFEB0];
	_ =	sdelay $0x3  }
0x4d: {  	v48 =	vmul.f32 v3, v3;
	v49 =	vmul.f32 v4, v4;
	s0 =	spop (v2sf)  }
0x4e: {  	v50 =	vmul.f32 v5, v5;
	v51 =	vmul.f32 v6, v6;
	(v2sf) =	vpush v2, $0x3;
	s31 =	sshll.u32 s0, $0x8  }
0x4f: {  	s1 =	sshra.s32 s31, $0x2  }
0x50: {  	v52 =	vadd.f32 v51, v50;
	[tilespmem:s1+$0x0] =	vst.add.f32.msk $0xffff, v3;
	s24 =	sor.u32 $0x10, s1;
	v3 =	vadd.f32 v49, v48  }
0x51: {  	[tilespmem:s24+$0x0] =	vst.add.f32.msk $0xffff, v4;
	s24 =	sor.u32 $0x20, s1  }
0x52: {  	s0 =	sshll.u32 s0, $0x7;
	s1 =	sor.u32 $0x30, s1;
	[tilespmem:s24+$0x0] =	vst.add.f32.msk $0xffff, v5;
	v3 =	vadd.f32 v52, v3  }
0x53: {  	s0 =	sshra.s32 s0, $0x2;
	[tilespmem:s1+$0x0] =	vst.add.f32.msk $0xffff, v6  }
0x54: {  	[tilespmem:s0+$0x10000] =	vst.add.f32.msk $0xffff, v3  }
0x55: {  	[tilespmem:s0+$0x10010] =	vst.add.f32.msk $0xffff, v1  }
0x56: {  	v3 =	vld [tilespmem:s29+$0xFFFFFEC0]  }
0x57: {  	v4 =	vld [tilespmem:s29+$0xFFFFFED0]  }
0x58: {  	v5 =	vld [tilespmem:s29+$0xFFFFFEE0]  }
0x59: {  	v6 =	vld [tilespmem:s29+$0xFFFFFEF0];
	_ =	sdelay $0x3  }
0x5a: {  	v53 =	vmul.f32 v3, v3;
	v54 =	vmul.f32 v4, v4;
	s0 =	spop (v2sf)  }
0x5b: {  	v55 =	vmul.f32 v5, v5;
	v56 =	vmul.f32 v6, v6;
	(v2sf) =	vpush v2, $0x4;
	s31 =	sshll.u32 s0, $0x8  }
0x5c: {  	s1 =	sshra.s32 s31, $0x2  }
0x5d: {  	v57 =	vadd.f32 v56, v55;
	[tilespmem:s1+$0x0] =	vst.add.f32.msk $0xffff, v3;
	s24 =	sor.u32 $0x10, s1;
	v3 =	vadd.f32 v54, v53  }
0x5e: {  	[tilespmem:s24+$0x0] =	vst.add.f32.msk $0xffff, v4;
	s24 =	sor.u32 $0x20, s1  }
0x5f: {  	s0 =	sshll.u32 s0, $0x7;
	s1 =	sor.u32 $0x30, s1;
	[tilespmem:s24+$0x0] =	vst.add.f32.msk $0xffff, v5;
	v3 =	vadd.f32 v57, v3  }
0x60: {  	s0 =	sshra.s32 s0, $0x2;
	[tilespmem:s1+$0x0] =	vst.add.f32.msk $0xffff, v6  }
0x61: {  	[tilespmem:s0+$0x10000] =	vst.add.f32.msk $0xffff, v3  }
0x62: {  	[tilespmem:s0+$0x10010] =	vst.add.f32.msk $0xffff, v1  }
0x63: {  	v3 =	vld [tilespmem:s29+$0xFFFFFF00]  }
0x64: {  	v4 =	vld [tilespmem:s29+$0xFFFFFF10]  }
0x65: {  	v5 =	vld [tilespmem:s29+$0xFFFFFF20]  }
0x66: {  	v6 =	vld [tilespmem:s29+$0xFFFFFF30];
	_ =	sdelay $0x3  }
0x67: {  	v58 =	vmul.f32 v3, v3;
	v59 =	vmul.f32 v4, v4;
	s0 =	spop (v2sf)  }
0x68: {  	v60 =	vmul.f32 v5, v5;
	v61 =	vmul.f32 v6, v6;
	(v2sf) =	vpush v2, $0x5;
	s31 =	sshll.u32 s0, $0x8  }
0x69: {  	s1 =	sshra.s32 s31, $0x2  }
0x6a: {  	v62 =	vadd.f32 v61, v60;
	[tilespmem:s1+$0x0] =	vst.add.f32.msk $0xffff, v3;
	s24 =	sor.u32 $0x10, s1;
	v3 =	vadd.f32 v59, v58  }
0x6b: {  	[tilespmem:s24+$0x0] =	vst.add.f32.msk $0xffff, v4;
	s24 =	sor.u32 $0x20, s1  }
0x6c: {  	s0 =	sshll.u32 s0, $0x7;
	s1 =	sor.u32 $0x30, s1;
	[tilespmem:s24+$0x0] =	vst.add.f32.msk $0xffff, v5;
	v3 =	vadd.f32 v62, v3  }
0x6d: {  	s0 =	sshra.s32 s0, $0x2;
	[tilespmem:s1+$0x0] =	vst.add.f32.msk $0xffff, v6  }
0x6e: {  	[tilespmem:s0+$0x10000] =	vst.add.f32.msk $0xffff, v3  }
0x6f: {  	[tilespmem:s0+$0x10010] =	vst.add.f32.msk $0xffff, v1  }
0x70: {  	v3 =	vld [tilespmem:s29+$0xFFFFFF40]  }
0x71: {  	v4 =	vld [tilespmem:s29+$0xFFFFFF50]  }
0x72: {  	v5 =	vld [tilespmem:s29+$0xFFFFFF60]  }
0x73: {  	v6 =	vld [tilespmem:s29+$0xFFFFFF70];
	_ =	sdelay $0x3  }
0x74: {  	v63 =	vmul.f32 v3, v3;
	v12 =	vmul.f32 v4, v4;
	s0 =	spop (v2sf)  }
0x75: {  	v13 =	vmul.f32 v5, v5;
	v14 =	vmul.f32 v6, v6;
	(v2sf) =	vpush v2, $0x6;
	s31 =	sshll.u32 s0, $0x8  }
0x76: {  	s1 =	sshra.s32 s31, $0x2  }
0x77: {  	v15 =	vadd.f32 v14, v13;
	[tilespmem:s1+$0x0] =	vst.add.f32.msk $0xffff, v3;
	s24 =	sor.u32 $0x10, s1;
	v3 =	vadd.f32 v12, v63  }
0x78: {  	[tilespmem:s24+$0x0] =	vst.add.f32.msk $0xffff, v4;
	s24 =	sor.u32 $0x20, s1  }
0x79: {  	s0 =	sshll.u32 s0, $0x7;
	s1 =	sor.u32 $0x30, s1;
	[tilespmem:s24+$0x0] =	vst.add.f32.msk $0xffff, v5;
	v3 =	vadd.f32 v15, v3  }
0x7a: {  	s0 =	sshra.s32 s0, $0x2;
	[tilespmem:s1+$0x0] =	vst.add.f32.msk $0xffff, v6  }
0x7b: {  	[tilespmem:s0+$0x10000] =	vst.add.f32.msk $0xffff, v3  }
0x7c: {  	[tilespmem:s0+$0x10010] =	vst.add.f32.msk $0xffff, v1  }
0x7d: {  	v3 =	vld [tilespmem:s29+$0xFFFFFF80]  }
0x7e: {  	v4 =	vld [tilespmem:s29+$0xFFFFFF90]  }
0x7f: {  	v5 =	vld [tilespmem:s29+$0xFFFFFFA0]  }
0x80: {  	v6 =	vld [tilespmem:s29+$0xFFFFFFB0];
	_ =	sdelay $0x3  }
0x81: {  	v16 =	vmul.f32 v3, v3;
	v17 =	vmul.f32 v4, v4;
	s0 =	spop (v2sf)  }
0x82: {  	v18 =	vmul.f32 v5, v5;
	v19 =	vmul.f32 v6, v6;
	(v2sf) =	vpush v2, $0x7;
	s31 =	sshll.u32 s0, $0x8  }
0x83: {  	s1 =	sshra.s32 s31, $0x2  }
0x84: {  	v20 =	vadd.f32 v19, v18;
	[tilespmem:s1+$0x0] =	vst.add.f32.msk $0xffff, v3;
	s24 =	sor.u32 $0x10, s1;
	v3 =	vadd.f32 v17, v16  }
0x85: {  	[tilespmem:s24+$0x0] =	vst.add.f32.msk $0xffff, v4;
	s24 =	sor.u32 $0x20, s1  }
0x86: {  	s0 =	sshll.u32 s0, $0x7;
	s1 =	sor.u32 $0x30, s1;
	[tilespmem:s24+$0x0] =	vst.add.f32.msk $0xffff, v5;
	v3 =	vadd.f32 v20, v3  }
0x87: {  	s0 =	sshra.s32 s0, $0x2;
	[tilespmem:s1+$0x0] =	vst.add.f32.msk $0xffff, v6  }
0x88: {  	[tilespmem:s0+$0x10000] =	vst.add.f32.msk $0xffff, v3  }
0x89: {  	[tilespmem:s0+$0x10010] =	vst.add.f32.msk $0xffff, v1  }
0x8a: {  	v3 =	vld [tilespmem:s29+$0xFFFFFFC0]  }
0x8b: {  	v4 =	vld [tilespmem:s29+$0xFFFFFFD0]  }
0x8c: {  	v5 =	vld [tilespmem:s29+$0xFFFFFFE0]  }
0x8d: {  	v6 =	vld [tilespmem:s29+$0xFFFFFFF0];
	_ =	sdelay $0x3  }
0x8e: {  	v21 =	vmul.f32 v3, v3;
	v22 =	vmul.f32 v4, v4;
	s0 =	spop (v2sf)  }
0x8f: {  	v23 =	vmul.f32 v5, v5;
	v24 =	vmul.f32 v6, v6;
	(v2sf) =	vpush v2, $0x8;
	s31 =	sshll.u32 s0, $0x8  }
0x90: {  	s1 =	sshra.s32 s31, $0x2  }
0x91: {  	v25 =	vadd.f32 v24, v23;
	[tilespmem:s1+$0x0] =	vst.add.f32.msk $0xffff, v3;
	s24 =	sor.u32 $0x10, s1;
	v3 =	vadd.f32 v22, v21  }
0x92: {  	[tilespmem:s24+$0x0] =	vst.add.f32.msk $0xffff, v4;
	s24 =	sor.u32 $0x20, s1  }
0x93: {  	s0 =	sshll.u32 s0, $0x7;
	s1 =	sor.u32 $0x30, s1;
	[tilespmem:s24+$0x0] =	vst.add.f32.msk $0xffff, v5;
	v3 =	vadd.f32 v25, v3  }
0x94: {  	s0 =	sshra.s32 s0, $0x2;
	[tilespmem:s1+$0x0] =	vst.add.f32.msk $0xffff, v6  }
0x95: {  	[tilespmem:s0+$0x10000] =	vst.add.f32.msk $0xffff, v3  }
0x96: {  	[tilespmem:s0+$0x10010] =	vst.add.f32.msk $0xffff, v1  }
0x97: {  	v3 =	vld [tilespmem:s29+$0x0]  }
0x98: {  	v4 =	vld [tilespmem:s29+$0x10]  }
0x99: {  	v5 =	vld [tilespmem:s29+$0x20]  }
0x9a: {  	v6 =	vld [tilespmem:s29+$0x30];
	_ =	sdelay $0x3  }
0x9b: {  	v26 =	vmul.f32 v3, v3;
	v27 =	vmul.f32 v4, v4;
	s0 =	spop (v2sf)  }
0x9c: {  	v28 =	vmul.f32 v5, v5;
	v29 =	vmul.f32 v6, v6;
	(v2sf) =	vpush v2, $0x9;
	s31 =	sshll.u32 s0, $0x8  }
0x9d: {  	s1 =	sshra.s32 s31, $0x2  }
0x9e: {  	v30 =	vadd.f32 v29, v28;
	[tilespmem:s1+$0x0] =	vst.add.f32.msk $0xffff, v3;
	s24 =	sor.u32 $0x10, s1;
	v3 =	vadd.f32 v27, v26  }
0x9f: {  	[tilespmem:s24+$0x0] =	vst.add.f32.msk $0xffff, v4;
	s24 =	sor.u32 $0x20, s1  }
0xa0: {  	s0 =	sshll.u32 s0, $0x7;
	s1 =	sor.u32 $0x30, s1;
	[tilespmem:s24+$0x0] =	vst.add.f32.msk $0xffff, v5;
	v3 =	vadd.f32 v30, v3  }
0xa1: {  	s0 =	sshra.s32 s0, $0x2;
	[tilespmem:s1+$0x0] =	vst.add.f32.msk $0xffff, v6  }
0xa2: {  	[tilespmem:s0+$0x10000] =	vst.add.f32.msk $0xffff, v3  }
0xa3: {  	[tilespmem:s0+$0x10010] =	vst.add.f32.msk $0xffff, v1  }
0xa4: {  	v3 =	vld [tilespmem:s29+$0x40]  }
0xa5: {  	v4 =	vld [tilespmem:s29+$0x50]  }
0xa6: {  	v5 =	vld [tilespmem:s29+$0x60]  }
0xa7: {  	v6 =	vld [tilespmem:s29+$0x70];
	_ =	sdelay $0x3  }
0xa8: {  	v31 =	vmul.f32 v3, v3;
	v32 =	vmul.f32 v4, v4;
	s0 =	spop (v2sf)  }
0xa9: {  	v33 =	vmul.f32 v5, v5;
	v34 =	vmul.f32 v6, v6;
	(v2sf) =	vpush v2, $0xA;
	s31 =	sshll.u32 s0, $0x8  }
0xaa: {  	s1 =	sshra.s32 s31, $0x2  }
0xab: {  	v35 =	vadd.f32 v34, v33;
	[tilespmem:s1+$0x0] =	vst.add.f32.msk $0xffff, v3;
	s24 =	sor.u32 $0x10, s1;
	v3 =	vadd.f32 v32, v31  }
0xac: {  	[tilespmem:s24+$0x0] =	vst.add.f32.msk $0xffff, v4;
	s24 =	sor.u32 $0x20, s1  }
0xad: {  	s0 =	sshll.u32 s0, $0x7;
	s1 =	sor.u32 $0x30, s1;
	[tilespmem:s24+$0x0] =	vst.add.f32.msk $0xffff, v5;
	v3 =	vadd.f32 v35, v3  }
0xae: {  	s0 =	sshra.s32 s0, $0x2;
	[tilespmem:s1+$0x0] =	vst.add.f32.msk $0xffff, v6  }
0xaf: {  	[tilespmem:s0+$0x10000] =	vst.add.f32.msk $0xffff, v3  }
0xb0: {  	[tilespmem:s0+$0x10010] =	vst.add.f32.msk $0xffff, v1  }
0xb1: {  	v3 =	vld [tilespmem:s29+$0x80]  }
0xb2: {  	v4 =	vld [tilespmem:s29+$0x90]  }
0xb3: {  	v5 =	vld [tilespmem:s29+$0xA0]  }
0xb4: {  	v6 =	vld [tilespmem:s29+$0xB0];
	_ =	sdelay $0x3  }
0xb5: {  	v36 =	vmul.f32 v3, v3;
	v37 =	vmul.f32 v4, v4;
	s0 =	spop (v2sf)  }
0xb6: {  	v38 =	vmul.f32 v5, v5;
	v39 =	vmul.f32 v6, v6;
	(v2sf) =	vpush v2, $0xB;
	s31 =	sshll.u32 s0, $0x8  }
0xb7: {  	s1 =	sshra.s32 s31, $0x2  }
0xb8: {  	v40 =	vadd.f32 v39, v38;
	[tilespmem:s1+$0x0] =	vst.add.f32.msk $0xffff, v3;
	s24 =	sor.u32 $0x10, s1;
	v3 =	vadd.f32 v37, v36  }
0xb9: {  	[tilespmem:s24+$0x0] =	vst.add.f32.msk $0xffff, v4;
	s24 =	sor.u32 $0x20, s1  }
0xba: {  	s0 =	sshll.u32 s0, $0x7;
	s1 =	sor.u32 $0x30, s1;
	[tilespmem:s24+$0x0] =	vst.add.f32.msk $0xffff, v5;
	v3 =	vadd.f32 v40, v3  }
0xbb: {  	s0 =	sshra.s32 s0, $0x2;
	[tilespmem:s1+$0x0] =	vst.add.f32.msk $0xffff, v6  }
0xbc: {  	[tilespmem:s0+$0x10000] =	vst.add.f32.msk $0xffff, v3  }
0xbd: {  	[tilespmem:s0+$0x10010] =	vst.add.f32.msk $0xffff, v1  }
0xbe: {  	v3 =	vld [tilespmem:s29+$0xC0]  }
0xbf: {  	v4 =	vld [tilespmem:s29+$0xD0]  }
0xc0: {  	v5 =	vld [tilespmem:s29+$0xE0]  }
0xc1: {  	v6 =	vld [tilespmem:s29+$0xF0];
	_ =	sdelay $0x3  }
0xc2: {  	v41 =	vmul.f32 v3, v3;
	v42 =	vmul.f32 v4, v4;
	s0 =	spop (v2sf)  }
0xc3: {  	v43 =	vmul.f32 v5, v5;
	v44 =	vmul.f32 v6, v6;
	(v2sf) =	vpush v2, $0xC;
	s31 =	sshll.u32 s0, $0x8  }
0xc4: {  	s1 =	sshra.s32 s31, $0x2  }
0xc5: {  	v45 =	vadd.f32 v44, v43;
	[tilespmem:s1+$0x0] =	vst.add.f32.msk $0xffff, v3;
	s24 =	sor.u32 $0x10, s1;
	v3 =	vadd.f32 v42, v41  }
0xc6: {  	[tilespmem:s24+$0x0] =	vst.add.f32.msk $0xffff, v4;
	s24 =	sor.u32 $0x20, s1  }
0xc7: {  	s0 =	sshll.u32 s0, $0x7;
	s1 =	sor.u32 $0x30, s1;
	[tilespmem:s24+$0x0] =	vst.add.f32.msk $0xffff, v5;
	v3 =	vadd.f32 v45, v3  }
0xc8: {  	s0 =	sshra.s32 s0, $0x2;
	[tilespmem:s1+$0x0] =	vst.add.f32.msk $0xffff, v6  }
0xc9: {  	[tilespmem:s0+$0x10000] =	vst.add.f32.msk $0xffff, v3  }
0xca: {  	[tilespmem:s0+$0x10010] =	vst.add.f32.msk $0xffff, v1  }
0xcb: {  	v3 =	vld [tilespmem:s29+$0x100]  }
0xcc: {  	v4 =	vld [tilespmem:s29+$0x110]  }
0xcd: {  	v5 =	vld [tilespmem:s29+$0x120]  }
0xce: {  	v6 =	vld [tilespmem:s29+$0x130];
	_ =	sdelay $0x3  }
0xcf: {  	v46 =	vmul.f32 v3, v3;
	v47 =	vmul.f32 v4, v4;
	s0 =	spop (v2sf)  }
0xd0: {  	v48 =	vmul.f32 v5, v5;
	v49 =	vmul.f32 v6, v6;
	(v2sf) =	vpush v2, $0xD;
	s31 =	sshll.u32 s0, $0x8  }
0xd1: {  	s1 =	sshra.s32 s31, $0x2  }
0xd2: {  	v50 =	vadd.f32 v49, v48;
	[tilespmem:s1+$0x0] =	vst.add.f32.msk $0xffff, v3;
	s24 =	sor.u32 $0x10, s1;
	v3 =	vadd.f32 v47, v46  }
0xd3: {  	[tilespmem:s24+$0x0] =	vst.add.f32.msk $0xffff, v4;
	s24 =	sor.u32 $0x20, s1  }
0xd4: {  	s0 =	sshll.u32 s0, $0x7;
	s1 =	sor.u32 $0x30, s1;
	[tilespmem:s24+$0x0] =	vst.add.f32.msk $0xffff, v5;
	v3 =	vadd.f32 v50, v3  }
0xd5: {  	s0 =	sshra.s32 s0, $0x2;
	[tilespmem:s1+$0x0] =	vst.add.f32.msk $0xffff, v6  }
0xd6: {  	[tilespmem:s0+$0x10000] =	vst.add.f32.msk $0xffff, v3  }
0xd7: {  	[tilespmem:s0+$0x10010] =	vst.add.f32.msk $0xffff, v1  }
0xd8: {  	v3 =	vld [tilespmem:s29+$0x140]  }
0xd9: {  	v4 =	vld [tilespmem:s29+$0x150]  }
0xda: {  	v5 =	vld [tilespmem:s29+$0x160]  }
0xdb: {  	v6 =	vld [tilespmem:s29+$0x170];
	_ =	sdelay $0x3  }
0xdc: {  	v51 =	vmul.f32 v3, v3;
	v52 =	vmul.f32 v4, v4;
	s0 =	spop (v2sf)  }
0xdd: {  	v53 =	vmul.f32 v5, v5;
	v54 =	vmul.f32 v6, v6;
	(v2sf) =	vpush v2, $0xE;
	s31 =	sshll.u32 s0, $0x8  }
0xde: {  	s1 =	sshra.s32 s31, $0x2  }
0xdf: {  	v55 =	vadd.f32 v54, v53;
	[tilespmem:s1+$0x0] =	vst.add.f32.msk $0xffff, v3;
	s24 =	sor.u32 $0x10, s1;
	v3 =	vadd.f32 v52, v51  }
0xe0: {  	[tilespmem:s24+$0x0] =	vst.add.f32.msk $0xffff, v4;
	s24 =	sor.u32 $0x20, s1  }
0xe1: {  	s0 =	sshll.u32 s0, $0x7;
	s1 =	sor.u32 $0x30, s1;
	[tilespmem:s24+$0x0] =	vst.add.f32.msk $0xffff, v5;
	v3 =	vadd.f32 v55, v3  }
0xe2: {  	s0 =	sshra.s32 s0, $0x2;
	[tilespmem:s1+$0x0] =	vst.add.f32.msk $0xffff, v6  }
0xe3: {  	[tilespmem:s0+$0x10000] =	vst.add.f32.msk $0xffff, v3  }
0xe4: {  	[tilespmem:s0+$0x10010] =	vst.add.f32.msk $0xffff, v1  }
0xe5: {  	v3 =	vld [tilespmem:s29+$0x180]  }
0xe6: {  	v4 =	vld [tilespmem:s29+$0x190]  }
0xe7: {  	v5 =	vld [tilespmem:s29+$0x1A0]  }
0xe8: {  	v6 =	vld [tilespmem:s29+$0x1B0];
	_ =	sdelay $0x3  }
0xe9: {  	v56 =	vmul.f32 v3, v3;
	v57 =	vmul.f32 v4, v4;
	s0 =	spop (v2sf)  }
0xea: {  	v58 =	vmul.f32 v5, v5;
	(v2sf) =	vpush v2, $0xF;
	v2 =	vmul.f32 v6, v6;
	s31 =	sshll.u32 s0, $0x8  }
0xeb: {  	s1 =	sshra.s32 s31, $0x2  }
0xec: {  	v2 =	vadd.f32 v2, v58;
	[tilespmem:s1+$0x0] =	vst.add.f32.msk $0xffff, v3;
	s24 =	sor.u32 $0x10, s1;
	v3 =	vadd.f32 v57, v56  }
0xed: {  	[tilespmem:s24+$0x0] =	vst.add.f32.msk $0xffff, v4;
	s24 =	sor.u32 $0x20, s1  }
0xee: {  	s0 =	sshll.u32 s0, $0x7;
	s1 =	sor.u32 $0x30, s1;
	[tilespmem:s24+$0x0] =	vst.add.f32.msk $0xffff, v5;
	v2 =	vadd.f32 v2, v3  }
0xef: {  	s0 =	sshra.s32 s0, $0x2;
	[tilespmem:s1+$0x0] =	vst.add.f32.msk $0xffff, v6  }
0xf0: {  	[tilespmem:s0+$0x10000] =	vst.add.f32.msk $0xffff, v2  }
0xf1: {  	[tilespmem:s0+$0x10010] =	vst.add.f32.msk $0xffff, v1  }
0xf2: {  	v2 =	vld [tilespmem:s29+$0x1C0]  }
0xf3: {  	v3 =	vld [tilespmem:s29+$0x1D0]  }
0xf4: {  	v4 =	vld [tilespmem:s29+$0x1E0]  }
0xf5: {  	v5 =	vld [tilespmem:s29+$0x1F0];
	_ =	sdelay $0x3  }
0xf6: {  	v59 =	vmul.f32 v2, v2;
	v60 =	vmul.f32 v3, v3;
	s0 =	spop (v2sf)  }
0xf7: {  	v61 =	vmul.f32 v4, v4;
	v62 =	vmul.f32 v5, v5;
	s31 =	sshll.u32 s0, $0x8  }
0xf8: {  	s1 =	sshra.s32 s31, $0x2  }
0xf9: {  	p0 =	sne.s32 s30, $0x1C0;
	v63 =	vadd.f32 v62, v61;
	[tilespmem:s1+$0x0] =	vst.add.f32.msk $0xffff, v2;
	v2 =	vadd.f32 v60, v59;
	s24 =	sor.u32 $0x10, s1  }
.Ltmp1:
0xfa: {  	[tilespmem:s24+$0x0] =	vst.add.f32.msk $0xffff, v3;
	s24 =	sor.u32 $0x20, s1;
	(pc) =	sbr.rel @p0 .LBB2_5-.Ltmp1, $4  }
0xfb: {  	s0 =	sshll.u32 s0, $0x7;
	s1 =	sor.u32 $0x30, s1;
	[tilespmem:s24+$0x0] =	vst.add.f32.msk $0xffff, v4;
	v2 =	vadd.f32 v63, v2  }
0xfc: {  	s0 =	sshra.s32 s0, $0x2;
	[tilespmem:s1+$0x0] =	vst.add.f32.msk $0xffff, v5  }
0xfd: {  	[tilespmem:s0+$0x10000] =	vst.add.f32.msk $0xffff, v2  }
0xfe: {  	s30 =	sadd.s32 $0x40, s30;
	s29 =	sadd.s32 $0x400, s29;
	[tilespmem:s0+$0x10010] =	vst.add.f32.msk $0xffff, v1  }
0xff: {  	s29 =	sshll.u32 s28, $0x8  }
0x100: {  	s0 =	sadd.s32 $0x100, s29  }
0x101: {  	s0 =	sand.u32 $0x700, s0  }
0x102: {  	s0 =	sor.u32 s6, s0  }
0x103: {  	s1 =	sshll.u32 s0, $0xA  }
0x104: {  	s1 =	sor.u32 s3, s1  }
0x105: {  	s1 =	sshrl.u32 s1, $0x3  }
0x106: {  	s0 =	sshrl.u32 s0, $0x3;
	s1 =	sadd.s32 s4, s1  }
0x107: {  	[tilespmem:s16], [sflag:$0x1] =	stream.strided.gather [hbm4b:s1+s14], $0x2000, s15, s14, $0x38;
	[tilespmem:$0x1C100] =	vst v63  }
0x108: {  	s30 =	simm.s32 $0x0;
	s0 =	sadd.s32 s5, s0  }
0x109: {  	[tilespmem:s17], [sflag:$0x1] =	stream.linear.gather [hbm4b:s0+s30], $0x80, $0x38;
	[tilespmem:$0x1C100] =	vst v63  }
0x10a: {  	_ =	swait.ge [sflag:s21], $0x2000  }
0x10b: {  	[sflag:s21] =	ssyncset.done $0x0  }
0x10c: {  	[sflag:s21] =	ssyncadd.s32 $0xFFFFE000  }
0x10d: {  	_ =	swait.ge [sflag:s21], $0x80  }
0x10e: {  	[sflag:s21] =	ssyncset.done $0x0  }
0x10f: {  	s31 =	simm.s32 $0x1A200;
	[sflag:s21] =	ssyncadd.s32 $0xFFFFFF80  }
.LBB2_7:
0x110: {  	s0 =	sshra.s32 s30, $0x2  }
0x111: {  	v2 =	vld [tilespmem:s0+$0x1C080];
	_ =	sdelay $0x4  }
0x112: {  	(v2sf) =	vpush v2, $0x0;
	_ =	sdelay $0x7  }
0x113: {  	v3 =	vld [tilespmem:s31+$0xFFFFFE00]  }
0x114: {  	v4 =	vld [tilespmem:s31+$0xFFFFFE10]  }
0x115: {  	v5 =	vld [tilespmem:s31+$0xFFFFFE20]  }
0x116: {  	v6 =	vld [tilespmem:s31+$0xFFFFFE30];
	_ =	sdelay $0x3  }
0x117: {  	v7 =	vmul.f32 v3, v3;
	v8 =	vmul.f32 v4, v4;
	s0 =	spop (v2sf)  }
0x118: {  	v9 =	vmul.f32 v5, v5;
	v10 =	vmul.f32 v6, v6;
	(v2sf) =	vpush v2, $0x1;
	s1 =	sshll.u32 s0, $0x8  }
0x119: {  	s1 =	sshra.s32 s1, $0x2  }
0x11a: {  	v42 =	vadd.f32 v10, v9;
	[tilespmem:s1+$0x0] =	vst.add.f32.msk $0xffff, v3;
	s24 =	sor.u32 $0x10, s1;
	v3 =	vadd.f32 v8, v7  }
0x11b: {  	[tilespmem:s24+$0x0] =	vst.add.f32.msk $0xffff, v4;
	s24 =	sor.u32 $0x20, s1  }
0x11c: {  	s0 =	sshll.u32 s0, $0x7;
	s1 =	sor.u32 $0x30, s1;
	[tilespmem:s24+$0x0] =	vst.add.f32.msk $0xffff, v5;
	v3 =	vadd.f32 v42, v3  }
0x11d: {  	s0 =	sshra.s32 s0, $0x2;
	[tilespmem:s1+$0x0] =	vst.add.f32.msk $0xffff, v6  }
0x11e: {  	[tilespmem:s0+$0x10000] =	vst.add.f32.msk $0xffff, v3  }
0x11f: {  	[tilespmem:s0+$0x10010] =	vst.add.f32.msk $0xffff, v1  }
0x120: {  	v3 =	vld [tilespmem:s31+$0xFFFFFE40]  }
0x121: {  	v4 =	vld [tilespmem:s31+$0xFFFFFE50]  }
0x122: {  	v5 =	vld [tilespmem:s31+$0xFFFFFE60]  }
0x123: {  	v6 =	vld [tilespmem:s31+$0xFFFFFE70];
	_ =	sdelay $0x3  }
0x124: {  	v43 =	vmul.f32 v3, v3;
	v44 =	vmul.f32 v4, v4;
	s0 =	spop (v2sf)  }
0x125: {  	v45 =	vmul.f32 v5, v5;
	v46 =	vmul.f32 v6, v6;
	(v2sf) =	vpush v2, $0x2;
	s24 =	sshll.u32 s0, $0x8  }
0x126: {  	s1 =	sshra.s32 s24, $0x2  }
0x127: {  	v47 =	vadd.f32 v46, v45;
	[tilespmem:s1+$0x0] =	vst.add.f32.msk $0xffff, v3;
	s24 =	sor.u32 $0x10, s1;
	v3 =	vadd.f32 v44, v43  }
0x128: {  	[tilespmem:s24+$0x0] =	vst.add.f32.msk $0xffff, v4;
	s24 =	sor.u32 $0x20, s1  }
0x129: {  	s0 =	sshll.u32 s0, $0x7;
	s1 =	sor.u32 $0x30, s1;
	[tilespmem:s24+$0x0] =	vst.add.f32.msk $0xffff, v5;
	v3 =	vadd.f32 v47, v3  }
0x12a: {  	s0 =	sshra.s32 s0, $0x2;
	[tilespmem:s1+$0x0] =	vst.add.f32.msk $0xffff, v6  }
0x12b: {  	[tilespmem:s0+$0x10000] =	vst.add.f32.msk $0xffff, v3  }
0x12c: {  	[tilespmem:s0+$0x10010] =	vst.add.f32.msk $0xffff, v1  }
0x12d: {  	v3 =	vld [tilespmem:s31+$0xFFFFFE80]  }
0x12e: {  	v4 =	vld [tilespmem:s31+$0xFFFFFE90]  }
0x12f: {  	v5 =	vld [tilespmem:s31+$0xFFFFFEA0]  }
0x130: {  	v6 =	vld [tilespmem:s31+$0xFFFFFEB0];
	_ =	sdelay $0x3  }
0x131: {  	v48 =	vmul.f32 v3, v3;
	v49 =	vmul.f32 v4, v4;
	s0 =	spop (v2sf)  }
0x132: {  	v50 =	vmul.f32 v5, v5;
	v51 =	vmul.f32 v6, v6;
	(v2sf) =	vpush v2, $0x3;
	s24 =	sshll.u32 s0, $0x8  }
0x133: {  	s1 =	sshra.s32 s24, $0x2  }
0x134: {  	v52 =	vadd.f32 v51, v50;
	[tilespmem:s1+$0x0] =	vst.add.f32.msk $0xffff, v3;
	s24 =	sor.u32 $0x10, s1;
	v3 =	vadd.f32 v49, v48  }
0x135: {  	[tilespmem:s24+$0x0] =	vst.add.f32.msk $0xffff, v4;
	s24 =	sor.u32 $0x20, s1  }
0x136: {  	s0 =	sshll.u32 s0, $0x7;
	s1 =	sor.u32 $0x30, s1;
	[tilespmem:s24+$0x0] =	vst.add.f32.msk $0xffff, v5;
	v3 =	vadd.f32 v52, v3  }
0x137: {  	s0 =	sshra.s32 s0, $0x2;
	[tilespmem:s1+$0x0] =	vst.add.f32.msk $0xffff, v6  }
0x138: {  	[tilespmem:s0+$0x10000] =	vst.add.f32.msk $0xffff, v3  }
0x139: {  	[tilespmem:s0+$0x10010] =	vst.add.f32.msk $0xffff, v1  }
0x13a: {  	v3 =	vld [tilespmem:s31+$0xFFFFFEC0]  }
0x13b: {  	v4 =	vld [tilespmem:s31+$0xFFFFFED0]  }
0x13c: {  	v5 =	vld [tilespmem:s31+$0xFFFFFEE0]  }
0x13d: {  	v6 =	vld [tilespmem:s31+$0xFFFFFEF0];
	_ =	sdelay $0x3  }
0x13e: {  	v53 =	vmul.f32 v3, v3;
	v54 =	vmul.f32 v4, v4;
	s0 =	spop (v2sf)  }
0x13f: {  	v55 =	vmul.f32 v5, v5;
	v56 =	vmul.f32 v6, v6;
	(v2sf) =	vpush v2, $0x4;
	s24 =	sshll.u32 s0, $0x8  }
0x140: {  	s1 =	sshra.s32 s24, $0x2  }
0x141: {  	v57 =	vadd.f32 v56, v55;
	[tilespmem:s1+$0x0] =	vst.add.f32.msk $0xffff, v3;
	s24 =	sor.u32 $0x10, s1;
	v3 =	vadd.f32 v54, v53  }
0x142: {  	[tilespmem:s24+$0x0] =	vst.add.f32.msk $0xffff, v4;
	s24 =	sor.u32 $0x20, s1  }
0x143: {  	s0 =	sshll.u32 s0, $0x7;
	s1 =	sor.u32 $0x30, s1;
	[tilespmem:s24+$0x0] =	vst.add.f32.msk $0xffff, v5;
	v3 =	vadd.f32 v57, v3  }
0x144: {  	s0 =	sshra.s32 s0, $0x2;
	[tilespmem:s1+$0x0] =	vst.add.f32.msk $0xffff, v6  }
0x145: {  	[tilespmem:s0+$0x10000] =	vst.add.f32.msk $0xffff, v3  }
0x146: {  	[tilespmem:s0+$0x10010] =	vst.add.f32.msk $0xffff, v1  }
0x147: {  	v3 =	vld [tilespmem:s31+$0xFFFFFF00]  }
0x148: {  	v4 =	vld [tilespmem:s31+$0xFFFFFF10]  }
0x149: {  	v5 =	vld [tilespmem:s31+$0xFFFFFF20]  }
0x14a: {  	v6 =	vld [tilespmem:s31+$0xFFFFFF30];
	_ =	sdelay $0x3  }
0x14b: {  	v58 =	vmul.f32 v3, v3;
	v59 =	vmul.f32 v4, v4;
	s0 =	spop (v2sf)  }
0x14c: {  	v60 =	vmul.f32 v5, v5;
	v61 =	vmul.f32 v6, v6;
	(v2sf) =	vpush v2, $0x5;
	s24 =	sshll.u32 s0, $0x8  }
0x14d: {  	s1 =	sshra.s32 s24, $0x2  }
0x14e: {  	v62 =	vadd.f32 v61, v60;
	[tilespmem:s1+$0x0] =	vst.add.f32.msk $0xffff, v3;
	s24 =	sor.u32 $0x10, s1;
	v3 =	vadd.f32 v59, v58  }
0x14f: {  	[tilespmem:s24+$0x0] =	vst.add.f32.msk $0xffff, v4;
	s24 =	sor.u32 $0x20, s1  }
0x150: {  	s0 =	sshll.u32 s0, $0x7;
	s1 =	sor.u32 $0x30, s1;
	[tilespmem:s24+$0x0] =	vst.add.f32.msk $0xffff, v5;
	v3 =	vadd.f32 v62, v3  }
0x151: {  	s0 =	sshra.s32 s0, $0x2;
	[tilespmem:s1+$0x0] =	vst.add.f32.msk $0xffff, v6  }
0x152: {  	[tilespmem:s0+$0x10000] =	vst.add.f32.msk $0xffff, v3  }
0x153: {  	[tilespmem:s0+$0x10010] =	vst.add.f32.msk $0xffff, v1  }
0x154: {  	v3 =	vld [tilespmem:s31+$0xFFFFFF40]  }
0x155: {  	v4 =	vld [tilespmem:s31+$0xFFFFFF50]  }
0x156: {  	v5 =	vld [tilespmem:s31+$0xFFFFFF60]  }
0x157: {  	v6 =	vld [tilespmem:s31+$0xFFFFFF70];
	_ =	sdelay $0x3  }
0x158: {  	v63 =	vmul.f32 v3, v3;
	v12 =	vmul.f32 v4, v4;
	s0 =	spop (v2sf)  }
0x159: {  	v13 =	vmul.f32 v5, v5;
	v14 =	vmul.f32 v6, v6;
	(v2sf) =	vpush v2, $0x6;
	s24 =	sshll.u32 s0, $0x8  }
0x15a: {  	s1 =	sshra.s32 s24, $0x2  }
0x15b: {  	v15 =	vadd.f32 v14, v13;
	[tilespmem:s1+$0x0] =	vst.add.f32.msk $0xffff, v3;
	s24 =	sor.u32 $0x10, s1;
	v3 =	vadd.f32 v12, v63  }
0x15c: {  	[tilespmem:s24+$0x0] =	vst.add.f32.msk $0xffff, v4;
	s24 =	sor.u32 $0x20, s1  }
0x15d: {  	s0 =	sshll.u32 s0, $0x7;
	s1 =	sor.u32 $0x30, s1;
	[tilespmem:s24+$0x0] =	vst.add.f32.msk $0xffff, v5;
	v3 =	vadd.f32 v15, v3  }
0x15e: {  	s0 =	sshra.s32 s0, $0x2;
	[tilespmem:s1+$0x0] =	vst.add.f32.msk $0xffff, v6  }
0x15f: {  	[tilespmem:s0+$0x10000] =	vst.add.f32.msk $0xffff, v3  }
0x160: {  	[tilespmem:s0+$0x10010] =	vst.add.f32.msk $0xffff, v1  }
0x161: {  	v3 =	vld [tilespmem:s31+$0xFFFFFF80]  }
0x162: {  	v4 =	vld [tilespmem:s31+$0xFFFFFF90]  }
0x163: {  	v5 =	vld [tilespmem:s31+$0xFFFFFFA0]  }
0x164: {  	v6 =	vld [tilespmem:s31+$0xFFFFFFB0];
	_ =	sdelay $0x3  }
0x165: {  	v16 =	vmul.f32 v3, v3;
	v17 =	vmul.f32 v4, v4;
	s0 =	spop (v2sf)  }
0x166: {  	v18 =	vmul.f32 v5, v5;
	v19 =	vmul.f32 v6, v6;
	(v2sf) =	vpush v2, $0x7;
	s24 =	sshll.u32 s0, $0x8  }
0x167: {  	s1 =	sshra.s32 s24, $0x2  }
0x168: {  	v20 =	vadd.f32 v19, v18;
	[tilespmem:s1+$0x0] =	vst.add.f32.msk $0xffff, v3;
	s24 =	sor.u32 $0x10, s1;
	v3 =	vadd.f32 v17, v16  }
0x169: {  	[tilespmem:s24+$0x0] =	vst.add.f32.msk $0xffff, v4;
	s24 =	sor.u32 $0x20, s1  }
0x16a: {  	s0 =	sshll.u32 s0, $0x7;
	s1 =	sor.u32 $0x30, s1;
	[tilespmem:s24+$0x0] =	vst.add.f32.msk $0xffff, v5;
	v3 =	vadd.f32 v20, v3  }
0x16b: {  	s0 =	sshra.s32 s0, $0x2;
	[tilespmem:s1+$0x0] =	vst.add.f32.msk $0xffff, v6  }
0x16c: {  	[tilespmem:s0+$0x10000] =	vst.add.f32.msk $0xffff, v3  }
0x16d: {  	[tilespmem:s0+$0x10010] =	vst.add.f32.msk $0xffff, v1  }
0x16e: {  	v3 =	vld [tilespmem:s31+$0xFFFFFFC0]  }
0x16f: {  	v4 =	vld [tilespmem:s31+$0xFFFFFFD0]  }
0x170: {  	v5 =	vld [tilespmem:s31+$0xFFFFFFE0]  }
0x171: {  	v6 =	vld [tilespmem:s31+$0xFFFFFFF0];
	_ =	sdelay $0x3  }
0x172: {  	v21 =	vmul.f32 v3, v3;
	v22 =	vmul.f32 v4, v4;
	s0 =	spop (v2sf)  }
0x173: {  	v23 =	vmul.f32 v5, v5;
	v24 =	vmul.f32 v6, v6;
	(v2sf) =	vpush v2, $0x8;
	s24 =	sshll.u32 s0, $0x8  }
0x174: {  	s1 =	sshra.s32 s24, $0x2  }
0x175: {  	v25 =	vadd.f32 v24, v23;
	[tilespmem:s1+$0x0] =	vst.add.f32.msk $0xffff, v3;
	s24 =	sor.u32 $0x10, s1;
	v3 =	vadd.f32 v22, v21  }
0x176: {  	[tilespmem:s24+$0x0] =	vst.add.f32.msk $0xffff, v4;
	s24 =	sor.u32 $0x20, s1  }
0x177: {  	s0 =	sshll.u32 s0, $0x7;
	s1 =	sor.u32 $0x30, s1;
	[tilespmem:s24+$0x0] =	vst.add.f32.msk $0xffff, v5;
	v3 =	vadd.f32 v25, v3  }
0x178: {  	s0 =	sshra.s32 s0, $0x2;
	[tilespmem:s1+$0x0] =	vst.add.f32.msk $0xffff, v6  }
0x179: {  	[tilespmem:s0+$0x10000] =	vst.add.f32.msk $0xffff, v3  }
0x17a: {  	[tilespmem:s0+$0x10010] =	vst.add.f32.msk $0xffff, v1  }
0x17b: {  	v3 =	vld [tilespmem:s31+$0x0]  }
0x17c: {  	v4 =	vld [tilespmem:s31+$0x10]  }
0x17d: {  	v5 =	vld [tilespmem:s31+$0x20]  }
0x17e: {  	v6 =	vld [tilespmem:s31+$0x30];
	_ =	sdelay $0x3  }
0x17f: {  	v26 =	vmul.f32 v3, v3;
	v27 =	vmul.f32 v4, v4;
	s0 =	spop (v2sf)  }
0x180: {  	v28 =	vmul.f32 v5, v5;
	v29 =	vmul.f32 v6, v6;
	(v2sf) =	vpush v2, $0x9;
	s24 =	sshll.u32 s0, $0x8  }
0x181: {  	s1 =	sshra.s32 s24, $0x2  }
0x182: {  	v30 =	vadd.f32 v29, v28;
	[tilespmem:s1+$0x0] =	vst.add.f32.msk $0xffff, v3;
	s24 =	sor.u32 $0x10, s1;
	v3 =	vadd.f32 v27, v26  }
0x183: {  	[tilespmem:s24+$0x0] =	vst.add.f32.msk $0xffff, v4;
	s24 =	sor.u32 $0x20, s1  }
0x184: {  	s0 =	sshll.u32 s0, $0x7;
	s1 =	sor.u32 $0x30, s1;
	[tilespmem:s24+$0x0] =	vst.add.f32.msk $0xffff, v5;
	v3 =	vadd.f32 v30, v3  }
0x185: {  	s0 =	sshra.s32 s0, $0x2;
	[tilespmem:s1+$0x0] =	vst.add.f32.msk $0xffff, v6  }
0x186: {  	[tilespmem:s0+$0x10000] =	vst.add.f32.msk $0xffff, v3  }
0x187: {  	[tilespmem:s0+$0x10010] =	vst.add.f32.msk $0xffff, v1  }
0x188: {  	v3 =	vld [tilespmem:s31+$0x40]  }
0x189: {  	v4 =	vld [tilespmem:s31+$0x50]  }
0x18a: {  	v5 =	vld [tilespmem:s31+$0x60]  }
0x18b: {  	v6 =	vld [tilespmem:s31+$0x70];
	_ =	sdelay $0x3  }
0x18c: {  	v31 =	vmul.f32 v3, v3;
	v32 =	vmul.f32 v4, v4;
	s0 =	spop (v2sf)  }
0x18d: {  	v33 =	vmul.f32 v5, v5;
	v34 =	vmul.f32 v6, v6;
	(v2sf) =	vpush v2, $0xA;
	s24 =	sshll.u32 s0, $0x8  }
0x18e: {  	s1 =	sshra.s32 s24, $0x2  }
0x18f: {  	v35 =	vadd.f32 v34, v33;
	[tilespmem:s1+$0x0] =	vst.add.f32.msk $0xffff, v3;
	s24 =	sor.u32 $0x10, s1;
	v3 =	vadd.f32 v32, v31  }
0x190: {  	[tilespmem:s24+$0x0] =	vst.add.f32.msk $0xffff, v4;
	s24 =	sor.u32 $0x20, s1  }
0x191: {  	s0 =	sshll.u32 s0, $0x7;
	s1 =	sor.u32 $0x30, s1;
	[tilespmem:s24+$0x0] =	vst.add.f32.msk $0xffff, v5;
	v3 =	vadd.f32 v35, v3  }
0x192: {  	s0 =	sshra.s32 s0, $0x2;
	[tilespmem:s1+$0x0] =	vst.add.f32.msk $0xffff, v6  }
0x193: {  	[tilespmem:s0+$0x10000] =	vst.add.f32.msk $0xffff, v3  }
0x194: {  	[tilespmem:s0+$0x10010] =	vst.add.f32.msk $0xffff, v1  }
0x195: {  	v3 =	vld [tilespmem:s31+$0x80]  }
0x196: {  	v4 =	vld [tilespmem:s31+$0x90]  }
0x197: {  	v5 =	vld [tilespmem:s31+$0xA0]  }
0x198: {  	v6 =	vld [tilespmem:s31+$0xB0];
	_ =	sdelay $0x3  }
0x199: {  	v36 =	vmul.f32 v3, v3;
	v37 =	vmul.f32 v4, v4;
	s0 =	spop (v2sf)  }
0x19a: {  	v38 =	vmul.f32 v5, v5;
	v39 =	vmul.f32 v6, v6;
	(v2sf) =	vpush v2, $0xB;
	s24 =	sshll.u32 s0, $0x8  }
0x19b: {  	s1 =	sshra.s32 s24, $0x2  }
0x19c: {  	v40 =	vadd.f32 v39, v38;
	[tilespmem:s1+$0x0] =	vst.add.f32.msk $0xffff, v3;
	s24 =	sor.u32 $0x10, s1;
	v3 =	vadd.f32 v37, v36  }
0x19d: {  	[tilespmem:s24+$0x0] =	vst.add.f32.msk $0xffff, v4;
	s24 =	sor.u32 $0x20, s1  }
0x19e: {  	s0 =	sshll.u32 s0, $0x7;
	s1 =	sor.u32 $0x30, s1;
	[tilespmem:s24+$0x0] =	vst.add.f32.msk $0xffff, v5;
	v3 =	vadd.f32 v40, v3  }
0x19f: {  	s0 =	sshra.s32 s0, $0x2;
	[tilespmem:s1+$0x0] =	vst.add.f32.msk $0xffff, v6  }
0x1a0: {  	[tilespmem:s0+$0x10000] =	vst.add.f32.msk $0xffff, v3  }
0x1a1: {  	[tilespmem:s0+$0x10010] =	vst.add.f32.msk $0xffff, v1  }
0x1a2: {  	v3 =	vld [tilespmem:s31+$0xC0]  }
0x1a3: {  	v4 =	vld [tilespmem:s31+$0xD0]  }
0x1a4: {  	v5 =	vld [tilespmem:s31+$0xE0]  }
0x1a5: {  	v6 =	vld [tilespmem:s31+$0xF0];
	_ =	sdelay $0x3  }
0x1a6: {  	v41 =	vmul.f32 v3, v3;
	v42 =	vmul.f32 v4, v4;
	s0 =	spop (v2sf)  }
0x1a7: {  	v43 =	vmul.f32 v5, v5;
	v44 =	vmul.f32 v6, v6;
	(v2sf) =	vpush v2, $0xC;
	s24 =	sshll.u32 s0, $0x8  }
0x1a8: {  	s1 =	sshra.s32 s24, $0x2  }
0x1a9: {  	v45 =	vadd.f32 v44, v43;
	[tilespmem:s1+$0x0] =	vst.add.f32.msk $0xffff, v3;
	s24 =	sor.u32 $0x10, s1;
	v3 =	vadd.f32 v42, v41  }
0x1aa: {  	[tilespmem:s24+$0x0] =	vst.add.f32.msk $0xffff, v4;
	s24 =	sor.u32 $0x20, s1  }
0x1ab: {  	s0 =	sshll.u32 s0, $0x7;
	s1 =	sor.u32 $0x30, s1;
	[tilespmem:s24+$0x0] =	vst.add.f32.msk $0xffff, v5;
	v3 =	vadd.f32 v45, v3  }
0x1ac: {  	s0 =	sshra.s32 s0, $0x2;
	[tilespmem:s1+$0x0] =	vst.add.f32.msk $0xffff, v6  }
0x1ad: {  	[tilespmem:s0+$0x10000] =	vst.add.f32.msk $0xffff, v3  }
0x1ae: {  	[tilespmem:s0+$0x10010] =	vst.add.f32.msk $0xffff, v1  }
0x1af: {  	v3 =	vld [tilespmem:s31+$0x100]  }
0x1b0: {  	v4 =	vld [tilespmem:s31+$0x110]  }
0x1b1: {  	v5 =	vld [tilespmem:s31+$0x120]  }
0x1b2: {  	v6 =	vld [tilespmem:s31+$0x130];
	_ =	sdelay $0x3  }
0x1b3: {  	v46 =	vmul.f32 v3, v3;
	v47 =	vmul.f32 v4, v4;
	s0 =	spop (v2sf)  }
0x1b4: {  	v48 =	vmul.f32 v5, v5;
	v49 =	vmul.f32 v6, v6;
	(v2sf) =	vpush v2, $0xD;
	s24 =	sshll.u32 s0, $0x8  }
0x1b5: {  	s1 =	sshra.s32 s24, $0x2  }
0x1b6: {  	v50 =	vadd.f32 v49, v48;
	[tilespmem:s1+$0x0] =	vst.add.f32.msk $0xffff, v3;
	s24 =	sor.u32 $0x10, s1;
	v3 =	vadd.f32 v47, v46  }
0x1b7: {  	[tilespmem:s24+$0x0] =	vst.add.f32.msk $0xffff, v4;
	s24 =	sor.u32 $0x20, s1  }
0x1b8: {  	s0 =	sshll.u32 s0, $0x7;
	s1 =	sor.u32 $0x30, s1;
	[tilespmem:s24+$0x0] =	vst.add.f32.msk $0xffff, v5;
	v3 =	vadd.f32 v50, v3  }
0x1b9: {  	s0 =	sshra.s32 s0, $0x2;
	[tilespmem:s1+$0x0] =	vst.add.f32.msk $0xffff, v6  }
0x1ba: {  	[tilespmem:s0+$0x10000] =	vst.add.f32.msk $0xffff, v3  }
0x1bb: {  	[tilespmem:s0+$0x10010] =	vst.add.f32.msk $0xffff, v1  }
0x1bc: {  	v3 =	vld [tilespmem:s31+$0x140]  }
0x1bd: {  	v4 =	vld [tilespmem:s31+$0x150]  }
0x1be: {  	v5 =	vld [tilespmem:s31+$0x160]  }
0x1bf: {  	v6 =	vld [tilespmem:s31+$0x170];
	_ =	sdelay $0x3  }
0x1c0: {  	v51 =	vmul.f32 v3, v3;
	v52 =	vmul.f32 v4, v4;
	s0 =	spop (v2sf)  }
0x1c1: {  	v53 =	vmul.f32 v5, v5;
	v54 =	vmul.f32 v6, v6;
	(v2sf) =	vpush v2, $0xE;
	s24 =	sshll.u32 s0, $0x8  }
0x1c2: {  	s1 =	sshra.s32 s24, $0x2  }
0x1c3: {  	v55 =	vadd.f32 v54, v53;
	[tilespmem:s1+$0x0] =	vst.add.f32.msk $0xffff, v3;
	s24 =	sor.u32 $0x10, s1;
	v3 =	vadd.f32 v52, v51  }
0x1c4: {  	[tilespmem:s24+$0x0] =	vst.add.f32.msk $0xffff, v4;
	s24 =	sor.u32 $0x20, s1  }
0x1c5: {  	s0 =	sshll.u32 s0, $0x7;
	s1 =	sor.u32 $0x30, s1;
	[tilespmem:s24+$0x0] =	vst.add.f32.msk $0xffff, v5;
	v3 =	vadd.f32 v55, v3  }
0x1c6: {  	s0 =	sshra.s32 s0, $0x2;
	[tilespmem:s1+$0x0] =	vst.add.f32.msk $0xffff, v6  }
0x1c7: {  	[tilespmem:s0+$0x10000] =	vst.add.f32.msk $0xffff, v3  }
0x1c8: {  	[tilespmem:s0+$0x10010] =	vst.add.f32.msk $0xffff, v1  }
0x1c9: {  	v3 =	vld [tilespmem:s31+$0x180]  }
0x1ca: {  	v4 =	vld [tilespmem:s31+$0x190]  }
0x1cb: {  	v5 =	vld [tilespmem:s31+$0x1A0]  }
0x1cc: {  	v6 =	vld [tilespmem:s31+$0x1B0];
	_ =	sdelay $0x3  }
0x1cd: {  	v56 =	vmul.f32 v3, v3;
	v57 =	vmul.f32 v4, v4;
	s0 =	spop (v2sf)  }
0x1ce: {  	v58 =	vmul.f32 v5, v5;
	(v2sf) =	vpush v2, $0xF;
	v2 =	vmul.f32 v6, v6;
	s24 =	sshll.u32 s0, $0x8  }
0x1cf: {  	s1 =	sshra.s32 s24, $0x2  }
0x1d0: {  	v2 =	vadd.f32 v2, v58;
	[tilespmem:s1+$0x0] =	vst.add.f32.msk $0xffff, v3;
	s24 =	sor.u32 $0x10, s1;
	v3 =	vadd.f32 v57, v56  }
0x1d1: {  	[tilespmem:s24+$0x0] =	vst.add.f32.msk $0xffff, v4;
	s24 =	sor.u32 $0x20, s1  }
0x1d2: {  	s0 =	sshll.u32 s0, $0x7;
	s1 =	sor.u32 $0x30, s1;
	[tilespmem:s24+$0x0] =	vst.add.f32.msk $0xffff, v5;
	v2 =	vadd.f32 v2, v3  }
0x1d3: {  	s0 =	sshra.s32 s0, $0x2;
	[tilespmem:s1+$0x0] =	vst.add.f32.msk $0xffff, v6  }
0x1d4: {  	[tilespmem:s0+$0x10000] =	vst.add.f32.msk $0xffff, v2  }
0x1d5: {  	[tilespmem:s0+$0x10010] =	vst.add.f32.msk $0xffff, v1  }
0x1d6: {  	v2 =	vld [tilespmem:s31+$0x1C0]  }
0x1d7: {  	v3 =	vld [tilespmem:s31+$0x1D0]  }
0x1d8: {  	v4 =	vld [tilespmem:s31+$0x1E0]  }
0x1d9: {  	v5 =	vld [tilespmem:s31+$0x1F0];
	_ =	sdelay $0x3  }
0x1da: {  	v59 =	vmul.f32 v2, v2;
	v60 =	vmul.f32 v3, v3;
	s0 =	spop (v2sf)  }
0x1db: {  	v61 =	vmul.f32 v4, v4;
	v62 =	vmul.f32 v5, v5;
	s24 =	sshll.u32 s0, $0x8  }
0x1dc: {  	s1 =	sshra.s32 s24, $0x2  }
0x1dd: {  	p0 =	sne.s32 s30, $0x1C0;
	v63 =	vadd.f32 v62, v61;
	[tilespmem:s1+$0x0] =	vst.add.f32.msk $0xffff, v2;
	v2 =	vadd.f32 v60, v59;
	s24 =	sor.u32 $0x10, s1  }
.Ltmp2:
0x1de: {  	[tilespmem:s24+$0x0] =	vst.add.f32.msk $0xffff, v3;
	s24 =	sor.u32 $0x20, s1;
	(pc) =	sbr.rel @p0 .LBB2_7-.Ltmp2, $4  }
0x1df: {  	s0 =	sshll.u32 s0, $0x7;
	s1 =	sor.u32 $0x30, s1;
	[tilespmem:s24+$0x0] =	vst.add.f32.msk $0xffff, v4;
	v2 =	vadd.f32 v63, v2  }
0x1e0: {  	s0 =	sshra.s32 s0, $0x2;
	[tilespmem:s1+$0x0] =	vst.add.f32.msk $0xffff, v5  }
0x1e1: {  	[tilespmem:s0+$0x10000] =	vst.add.f32.msk $0xffff, v2  }
0x1e2: {  	s30 =	sadd.s32 $0x40, s30;
	s31 =	sadd.s32 $0x400, s31;
	[tilespmem:s0+$0x10010] =	vst.add.f32.msk $0xffff, v1  }
0x1e3: {  	s0 =	sadd.s32 $0x180, s29  }
0x1e4: {  	s0 =	sand.u32 $0x780, s0  }
0x1e5: {  	s0 =	sor.u32 s6, s0  }
0x1e6: {  	s28 =	sadd.s32 $0x1, s28;
	s1 =	sshll.u32 s0, $0xA  }
0x1e7: {  	p0 =	sne.s32 s28, $0x8;
	s1 =	sor.u32 s3, s1  }
.Ltmp3:
0x1e8: {  	s1 =	sshrl.u32 s1, $0x3;
	(pc) =	sbr.rel @p0 .LBB2_4-.Ltmp3, $4  }
0x1e9: {  	s0 =	sshrl.u32 s0, $0x3;
	s1 =	sadd.s32 s4, s1  }
0x1ea: {  	[tilespmem:s18], [sflag:$0x2] =	stream.strided.gather [hbm4b:s1+s14], $0x2000, s15, s14, $0x38;
	[tilespmem:$0x1C100] =	vst v63  }
0x1eb: {  	s0 =	sadd.s32 s5, s0  }
0x1ec: {  	[tilespmem:s19], [sflag:$0x2] =	stream.linear.gather [hbm4b:s0+s2], $0x80, $0x38;
	[tilespmem:$0x1C100] =	vst v63  }
0x1ed: {  	_ =	swait.ge [sflag:s20], $0x2000  }
0x1ee: {  	[sflag:s20] =	ssyncset.done $0x0  }
0x1ef: {  	[sflag:s20] =	ssyncadd.s32 $0xFFFFE000  }
0x1f0: {  	_ =	swait.ge [sflag:s20], $0x80  }
0x1f1: {  	[sflag:s20] =	ssyncset.done $0x0  }
0x1f2: {  	[sflag:s20] =	ssyncadd.s32 $0xFFFFFF80  }
0x1f3: {  	_ =	swait.ge [sflag:s21], $0x2000  }
0x1f4: {  	[sflag:s21] =	ssyncset.done $0x0  }
0x1f5: {  	[sflag:s21] =	ssyncadd.s32 $0xFFFFE000  }
0x1f6: {  	_ =	swait.ge [sflag:s21], $0x80  }
0x1f7: {  	[sflag:s21] =	ssyncset.done $0x0  }
0x1f8: {  	[sflag:s21] =	ssyncadd.s32 $0xFFFFFF80  }
0x1f9: {  	[hbm4b:s11+s14] =	stream.strided.scatter [tilespmem:s2], [sflag:$0x3], $0x10000, s15, s14, $0x38;
	[tilespmem:$0x1C100] =	vst v63  }
0x1fa: {  	s26 =	sadd.s32 $0x1, s26;
	_ =	swait.ge [sflag:s22], $0x10000  }
0x1fb: {  	p0 =	sne.s32 s26, s13;
	[sflag:s22] =	ssyncset.done $0x0  }
.Ltmp4:
0x1fc: {  	s0 =	simm.s32 $0x200;
	[sflag:s22] =	ssyncadd.s32 $0xFFFF0000;
	(pc) =	sbr.rel @p0 .LBB2_1-.Ltmp4, $4  }
0x1fd: {  	[hbm4b:s12+s23] =	stream.strided.scatter [tilespmem:s25], [sflag:$0x3], $0x8000, s0, s23, $0x38;
	[tilespmem:$0x1C100] =	vst v63  }
0x1fe: {  	_ =	swait.ge [sflag:s22], $0x8000  }
0x1ff: {  	[sflag:s22] =	ssyncset.done $0x0  }
0x200: {  	[sflag:s22] =	ssyncadd.s32 $0xFFFF8000  }
0x201: {  	_ =	sfence.sel $0x180000  }
0x202: {  	[bflag:$0x0] =	sbarrier.arrive $0xFFFF  }
0x203: {  	_ =	strace $0x90000047  }
0x204: {  	s0 =	stileid.u32;
	[bflag:$0x2] =	sbarrier.arrive $0xFFFF  }
0x205: {  	p0 =	sne.s32 s0, $0x0;
	s0 =	rddreg [dreg:$0x1]  }
0x206: {  	s0 =	sadd.s32 @!p0 $0x100000, s0  }
0x207: {  	[sflag:s0] =	ssyncadd.tile.s32 @!p0 $0x1;
	_ =	shalt  }
.Lfunc_end2:
_tile_overlayer_lowered:
.L_overlay_start_2:
0x208: {  	(tag) =	ssettag $0x2  }
0x209: {  	s0 =	rddreg [dreg:$0x0];
	s2 =	stileid.u32  }
0x20a: {  	s1 =	rddreg [dreg:$0x1];
	p0 =	sne.s32 s2, $0x0  }
0x20b: {  	s3 =	rddreg [dreg:$0x2];
	[bflag:$0x3] =	sbarrier.arrive $0xFFFF;
	s2 =	simm.s32 @!p0 $0x1C03  }
0x20c: {  	[timem:s3], [sflag:s2] =	dma.local @!p0 [hbm:s0], s1  }
0x20d: {  	s0 =	simm.s32 @!p0 $0x3  }
0x20e: {  	_ =	swait.ge @!p0 [sflag:s0], s1  }
0x20f: {  	s1 =	ssub.s32 @!p0 $0x0, s1;
	[sflag:s0] =	ssyncset.done @!p0 $0x0  }
0x210: {  	[sflag:s0] =	ssyncadd.s32 @!p0 s1  }
0x211: {  	[bflag:$0x3] =	sbarrier.arrive $0xFFFF  }
0x212: {  	_ =	shalt  }

</sc_bundles>
